<compile_context>
chip_gen: v7x
topology: tpu7x:2x2x1
jax: 0.10.2.dev20260603
libtpu: 0.0.44.dev20260713+nightly
codegen_flags: <defaults>
</compile_context>

<pallas_src>
import functools

import jax
import jax.numpy as jnp
from jax import lax
from jax.experimental import pallas as pl
from jax.experimental.pallas import tpu as pltpu
from jax.experimental.pallas import tpu_sc as plsc

N = 10000
E = 320000
NP = 10240
D1 = 128
D2 = 64
NC = 2
NS = 16
NW = NC * NS
EW = E // NW
CH = 125
NCHUNK = EW // CH
E16 = E // NS
SL = NP // NS

_mesh = plsc.VectorSubcoreMesh(core_axis_name="c", subcore_axis_name="s")
_sc_params = pltpu.CompilerParams(needs_layout_passes=False,
                                  use_tc_tiling_on_sc=False)


@functools.partial(
    pl.kernel,
    out_type=jax.ShapeDtypeStruct((NP,), jnp.float32),
    mesh=_mesh,
    compiler_params=_sc_params,
    scratch_types=[
        pltpu.VMEM((E16,), jnp.int32),
        pltpu.VMEM((NP,), jnp.float32),
        pltpu.VMEM((NP,), jnp.float32),
        pltpu.VMEM((SL,), jnp.float32),
        pltpu.VMEM_SHARED((NS * NP,), jnp.float32),
    ],
)
def _deg_kernel(dst_hbm, out_hbm, dstv, acc, rbuf, obuf, accsh):
    c = lax.axis_index("c")
    s = lax.axis_index("s")

    @pl.when(c == 0)
    def _scatter():
        pltpu.sync_copy(dst_hbm.at[pl.ds(s * E16, E16)], dstv)

        def zero(i, carry):
            acc[pl.ds(i * 16, 16)] = jnp.zeros((16,), jnp.float32)
            return carry

        lax.fori_loop(0, NP // 16, zero, 0)
        ones = jnp.full((16,), 1.0, jnp.float32)

        def body(i, carry):
            for u in range(5):
                d16 = dstv[pl.ds(i * 80 + u * 16, 16)]
                plsc.addupdate_scatter(acc, [d16], ones)
            return carry

        lax.fori_loop(0, E16 // 80, body, 0)
        pltpu.sync_copy(acc, accsh.at[pl.ds(s * NP, NP)])

    plsc.subcore_barrier()

    @pl.when(c == 0)
    def _reduce():
        for r in range(NS):
            pltpu.sync_copy(accsh.at[pl.ds(r * NP + s * SL, SL)],
                            rbuf.at[pl.ds(r * SL, SL)])

        def fin(j, carry):
            deg = rbuf[pl.ds(j * 16, 16)]
            for r in range(1, NS):
                deg = deg + rbuf[pl.ds(r * SL + j * 16, 16)]
            obuf[pl.ds(j * 16, 16)] = deg
            return carry

        lax.fori_loop(0, SL // 16, fin, 0)
        pltpu.sync_copy(obuf, out_hbm.at[pl.ds(s * SL, SL)])


def _mm1_body(deg_ref, obs_ref, w1_ref, h_ref, dis_ref):
    dis = lax.rsqrt(deg_ref[...] + 1.0)
    u = jnp.dot(obs_ref[...], w1_ref[...], preferred_element_type=jnp.float32)
    h_ref[:N, :] = u * dis
    h_ref[N:, :] = jnp.zeros((NP - N, D2), jnp.float32)
    dis_ref[...] = dis


_mm1 = pl.pallas_call(
    _mm1_body,
    out_shape=(
        jax.ShapeDtypeStruct((NP, D2), jnp.float32),
        jax.ShapeDtypeStruct((N, 1), jnp.float32),
    ),
)


@functools.partial(
    pl.kernel,
    out_type=jax.ShapeDtypeStruct((NC, NP, D2), jnp.float32),
    mesh=_mesh,
    compiler_params=_sc_params,
    scratch_types=[
        pltpu.VMEM((NCHUNK, CH), jnp.int32),
        pltpu.VMEM((NCHUNK, CH), jnp.int32),
        pltpu.VMEM((CH, D2), jnp.float32),
        pltpu.VMEM((CH, D2), jnp.float32),
        pltpu.VMEM_SHARED((NP, D2), jnp.float32),
        pltpu.SemaphoreType.DMA,
        pltpu.SemaphoreType.DMA,
    ],
)
def _agg_kernel(h_hbm, src_hbm, dst_hbm, zeros_hbm, out_hbm,
                srcv, dstv, rows0, rows1, accsh, sem0, sem1):
    c = lax.axis_index("c")
    s = lax.axis_index("s")
    w = s * NC + c
    myslice = pl.ds(s * SL, SL)
    pltpu.sync_copy(zeros_hbm, accsh.at[myslice])
    pltpu.sync_copy(src_hbm.at[pl.ds(w * NCHUNK, NCHUNK), :], srcv)
    pltpu.sync_copy(dst_hbm.at[pl.ds(w * NCHUNK, NCHUNK), :], dstv)
    plsc.subcore_barrier()

    pltpu.async_copy(h_hbm.at[srcv.at[0]], rows0, sem0)

    def pair(i, carry):
        i2 = i * 2
        pltpu.async_copy(h_hbm.at[srcv.at[i2 + 1]], rows1, sem1)
        pltpu.make_async_copy(h_hbm.at[srcv.at[i2]], rows0, sem0).wait()
        pltpu.sync_copy(rows0, accsh.at[dstv.at[i2]], add=True)

        @pl.when(i2 + 2 < NCHUNK)
        def _():
            pltpu.async_copy(h_hbm.at[srcv.at[i2 + 2]], rows0, sem0)

        pltpu.make_async_copy(h_hbm.at[srcv.at[i2 + 1]], rows1, sem1).wait()
        pltpu.sync_copy(rows1, accsh.at[dstv.at[i2 + 1]], add=True)
        return carry

    lax.fori_loop(0, NCHUNK // 2, pair, 0)
    plsc.subcore_barrier()
    pltpu.sync_copy(accsh.at[myslice], out_hbm.at[c, myslice, :])


NPT = NP // NW


@functools.partial(
    pl.kernel,
    out_type=jax.ShapeDtypeStruct((NP,), jnp.float32),
    mesh=_mesh,
    compiler_params=_sc_params,
    scratch_types=[
        pltpu.VMEM((NPT, D2), jnp.float32),
        pltpu.VMEM((NPT, D2), jnp.float32),
        pltpu.VMEM((NPT, D2), jnp.float32),
        pltpu.VMEM((NPT,), jnp.float32),
        pltpu.VMEM((NPT,), jnp.float32),
        pltpu.VMEM((D2,), jnp.float32),
        pltpu.VMEM((D2,), jnp.float32),
    ],
)
def _mm2_kernel(parts_hbm, h_hbm, dis_hbm, b1_hbm, w2_hbm, out_hbm,
                hpv, p0v, p1v, disv, obuf, b1v, w2v):
    c = lax.axis_index("c")
    s = lax.axis_index("s")
    w = s * NC + c
    base = w * NPT
    pltpu.sync_copy(h_hbm.at[pl.ds(base, NPT), :], hpv)
    pltpu.sync_copy(parts_hbm.at[0, pl.ds(base, NPT), :], p0v)
    pltpu.sync_copy(parts_hbm.at[1, pl.ds(base, NPT), :], p1v)
    pltpu.sync_copy(dis_hbm.at[pl.ds(base, NPT)], disv)
    pltpu.sync_copy(b1_hbm, b1v)
    pltpu.sync_copy(w2_hbm, w2v)

    lane0 = lax.iota(jnp.int32, 16) == 0

    def bf16r(x):
        i = plsc.bitcast(x, jnp.int32)
        r = (i + 0x7FFF + ((i >> 16) & 1)) & jnp.int32(-65536)
        return plsc.bitcast(r, jnp.float32)

    for j in range(D2 // 16):
        sl = pl.ds(j * 16, 16)
        w2v[sl] = bf16r(w2v[sl])

    def node(n, carry):
        nvec = lax.broadcast(n, (16,))
        d = plsc.load_gather(disv, [nvec])
        t = jnp.zeros((16,), jnp.float32)
        for j in range(D2 // 16):
            sl = pl.ds(j * 16, 16)
            row = p0v[n, sl] + p1v[n, sl] + hpv[n, sl]
            h1 = jnp.maximum(d * row + b1v[sl], 0.0)
            t = t + bf16r(h1) * w2v[sl]
        plsc.store_scatter(obuf, [nvec], jnp.sum(t) * d, mask=lane0)
        return carry

    lax.fori_loop(0, NPT, node, 0)
    pltpu.sync_copy(obuf, out_hbm.at[pl.ds(base, NPT)])


@functools.partial(
    pl.kernel,
    out_type=jax.ShapeDtypeStruct((NP,), jnp.float32),
    mesh=_mesh,
    compiler_params=_sc_params,
    scratch_types=[
        pltpu.VMEM((E16,), jnp.int32),
        pltpu.VMEM((E16,), jnp.int32),
        pltpu.VMEM((NP,), jnp.float32),
        pltpu.VMEM((NP,), jnp.float32),
        pltpu.VMEM((NP,), jnp.float32),
        pltpu.VMEM((NP,), jnp.float32),
        pltpu.VMEM((SL,), jnp.float32),
        pltpu.VMEM((16,), jnp.float32),
        pltpu.VMEM_SHARED((NS * NP,), jnp.float32),
    ],
)
def _agg2_kernel(src_hbm, dst_hbm, zp_hbm, dis_hbm, b2_hbm, out_hbm,
                 srcv, dstv, zv, acc, disv, rbuf, obuf, b2v, accsh):
    c = lax.axis_index("c")
    s = lax.axis_index("s")

    @pl.when(c == 0)
    def _scatter():
        pltpu.sync_copy(src_hbm.at[pl.ds(s * E16, E16)], srcv)
        pltpu.sync_copy(dst_hbm.at[pl.ds(s * E16, E16)], dstv)
        pltpu.sync_copy(zp_hbm, zv)

        def zero(i, carry):
            acc[pl.ds(i * 16, 16)] = jnp.zeros((16,), jnp.float32)
            return carry

        lax.fori_loop(0, NP // 16, zero, 0)

        def body(i, carry):
            for u in range(5):
                sl = pl.ds(i * 80 + u * 16, 16)
                s16 = srcv[sl]
                d16 = dstv[sl]
                v = plsc.load_gather(zv, [s16])
                plsc.addupdate_scatter(acc, [d16], v)
            return carry

        lax.fori_loop(0, E16 // 80, body, 0)
        pltpu.sync_copy(acc, accsh.at[pl.ds(s * NP, NP)])

    plsc.subcore_barrier()

    @pl.when(c == 0)
    def _reduce():
        pltpu.sync_copy(dis_hbm, disv)
        pltpu.sync_copy(b2_hbm, b2v)
        for r in range(NS):
            pltpu.sync_copy(accsh.at[pl.ds(r * NP + s * SL, SL)],
                            rbuf.at[pl.ds(r * SL, SL)])
        b2 = b2v[pl.ds(0, 16)]

        def fin(j, carry):
            tot = rbuf[pl.ds(j * 16, 16)]
            for r in range(1, NS):
                tot = tot + rbuf[pl.ds(r * SL + j * 16, 16)]
            node = s * SL + j * 16
            d16 = disv[pl.ds(node, 16)]
            z16 = zv[pl.ds(node, 16)]
            obuf[pl.ds(j * 16, 16)] = jnp.maximum(d16 * (tot + z16) + b2, 0.0)
            return carry

        lax.fori_loop(0, SL // 16, fin, 0)
        pltpu.sync_copy(obuf, out_hbm.at[pl.ds(s * SL, SL)])


def kernel(obs, edge_index, W1, b1, W2, b2):
    src = edge_index[0].astype(jnp.int32)
    dst = edge_index[1].astype(jnp.int32)

    deg_pad = _deg_kernel(dst)
    deg_col = deg_pad[:N].reshape(N, 1)

    hpad, dis = _mm1(deg_col, obs, W1)
    dis_pad = jnp.pad(dis[:, 0], (0, NP - N))

    src2 = src.reshape(E // CH, CH)
    dst2 = dst.reshape(E // CH, CH)
    zeros_init = jnp.zeros((SL, D2), jnp.float32)
    parts = _agg_kernel(hpad, src2, dst2, zeros_init)

    zp = _mm2_kernel(parts, hpad, dis_pad, b1, W2[:, -1])

    b2v = jnp.full((16,), b2[-1], jnp.float32)
    out_pad = _agg2_kernel(src, dst, zp, dis_pad, b2v)
    return out_pad[:N]

# --- scband reference (transcript-rebuilt; emitter-appended) ---
"""Pipeline reference for scband-gcn-test-61512521613344 (READ-ONLY COPY).

The authoritative reference and input builder live on the scoring server;
editing this copy changes nothing except your own understanding.
"""

import jax, jax.numpy as jnp
import numpy as np

N_NODES = 10000
N_EDGES = 320000
IN_DIM = 128
HID = 64
OUT_DIM = 11


def gcn_conv(x, edge_index, W, b):
    N = x.shape[0]
    loop = jnp.arange(N, dtype=edge_index.dtype)
    src = jnp.concatenate([edge_index[0], loop])
    dst = jnp.concatenate([edge_index[1], loop])
    x = x @ W
    deg = jnp.zeros((N,), dtype=x.dtype).at[dst].add(1.0)
    deg_inv_sqrt = jnp.where(deg > 0, deg ** -0.5, 0.0)
    norm = deg_inv_sqrt[src] * deg_inv_sqrt[dst]
    msg = x[src] * norm[:, None]
    out = jnp.zeros((N, W.shape[1]), dtype=x.dtype).at[dst].add(msg)
    return out + b


def setup_inputs(seed: int = 0) -> dict:
    key = jax.random.key(seed)
    k1, k2, k3, k4, k5, k6 = jax.random.split(key, 6)
    obs = jax.random.normal(k1, (N_NODES, IN_DIM), dtype=jnp.float32)
    edge_index = jax.random.randint(k2, (2, N_EDGES), 0, N_NODES, dtype=jnp.int64)
    s1 = (6.0 / (IN_DIM + HID)) ** 0.5
    s2 = (6.0 / (HID + OUT_DIM)) ** 0.5
    W1 = jax.random.uniform(k3, (IN_DIM, HID), minval=-s1, maxval=s1, dtype=jnp.float32)
    b1 = jnp.zeros((HID,), dtype=jnp.float32)
    W2 = jax.random.uniform(k4, (HID, OUT_DIM), minval=-s2, maxval=s2, dtype=jnp.float32)
    b2 = jnp.zeros((OUT_DIM,), dtype=jnp.float32)
    return {"obs": obs, "edge_index": edge_index, "W1": W1, "b1": b1, "W2": W2, "b2": b2}


def reference(obs, edge_index, W1, b1, W2, b2):
    h1 = jax.nn.relu(gcn_conv(obs, edge_index, W1, b1))
    out = jax.nn.relu(gcn_conv(h1, edge_index, W2, b2))
    out = out.reshape(-1, 11)[:, -1]
    return out

if __name__ == "__main__":
    import jax
    _d = setup_inputs()
    print(jax.jit(kernel)(*tuple(_d.values())))

</pallas_src>

<mosaic_0001>
#map = affine_map<(d0, d1) -> (0, 0)>
#map1 = affine_map<(d0, d1) -> (0, 0, 0)>
module attributes {stable_mosaic.version = 14 : i64} {
  func.func @_agg_kernel(%arg0: i32, %arg1: i32, %arg2: memref<10240x64xf32, #tpu.memory_space<hbm>>, %arg3: memref<2560x125xi32, #tpu.memory_space<hbm>>, %arg4: memref<2560x125xi32, #tpu.memory_space<hbm>>, %arg5: memref<640x64xf32, #tpu.memory_space<hbm>>, %arg6: memref<2x10240x64xf32, #tpu.memory_space<hbm>>, %arg7: memref<80x125xi32, #tpu.memory_space<vmem>>, %arg8: memref<80x125xi32, #tpu.memory_space<vmem>>, %arg9: memref<125x64xf32, #tpu.memory_space<vmem>>, %arg10: memref<125x64xf32, #tpu.memory_space<vmem>>, %arg11: memref<10240x64xf32, #tpu.memory_space<vmem_shared>>, %arg12: memref<!tpu.dma_semaphore, #tpu.memory_space<semaphore_mem>>, %arg13: memref<!tpu.dma_semaphore, #tpu.memory_space<semaphore_mem>>) attributes {dimension_semantics = [#tpu.dimension_semantics<core_parallel>, #tpu.dimension_semantics<subcore_parallel>], iteration_bounds = array<i64: 2, 16>, scalar_prefetch = 0 : i64, scratch_operands = 7 : i64, tpu.core_type = #tpu.core_type<sc_vector_subcore>, window_params = [{transform_indices = #map}, {transform_indices = #map}, {transform_indices = #map}, {transform_indices = #map}, {transform_indices = #map1}]} {
    %mul3A = arith.constant 2 : i32
    %mul3A_0 = arith.muli %arg1, %mul3A : i32
    %add3A = arith.addi %mul3A_0, %arg0 : i32
    %mul3A_1 = arith.constant 640 : i32
    %mul3A_2 = arith.muli %arg1, %mul3A_1 : i32
    "tpu.region"() ({
      %run_scoped3A = tpu.sem_alloc : memref<!tpu.dma_semaphore, #tpu.memory_space<semaphore_mem>>
      %dma_start3A_19 = arith.constant 0 : i32
      %dma_start3A_20 = tpu.memref_slice %arg11[%mul3A_2, %dma_start3A_19] : memref<10240x64xf32, #tpu.memory_space<vmem_shared>> -> memref<640x64xf32, #tpu.memory_space<vmem_shared>>
      tpu.enqueue_dma source(%arg5 : memref<640x64xf32, #tpu.memory_space<hbm>>) target(%dma_start3A_20 : memref<640x64xf32, #tpu.memory_space<vmem_shared>>) target_semaphore(%run_scoped3A : memref<!tpu.dma_semaphore, #tpu.memory_space<semaphore_mem>>)
      %dma_wait3A = arith.constant 0 : i32
      %dma_wait3A_21 = tpu.memref_slice %arg11[%mul3A_2, %dma_wait3A] : memref<10240x64xf32, #tpu.memory_space<vmem_shared>> -> memref<640x64xf32, #tpu.memory_space<vmem_shared>>
      tpu.wait_dma2 semaphore(%run_scoped3A : memref<!tpu.dma_semaphore, #tpu.memory_space<semaphore_mem>>) src(%arg5 : memref<640x64xf32, #tpu.memory_space<hbm>>) dst(%dma_wait3A_21 : memref<640x64xf32, #tpu.memory_space<vmem_shared>>)
      tpu.yield
    }) : () -> ()
    %mul3A_3 = arith.constant 80 : i32
    %mul3A_4 = arith.muli %add3A, %mul3A_3 : i32
    "tpu.region"() ({
      %run_scoped3A = tpu.sem_alloc : memref<!tpu.dma_semaphore, #tpu.memory_space<semaphore_mem>>
      %dma_start3A_19 = arith.constant 0 : i32
      %dma_start3A_20 = tpu.memref_slice %arg3[%mul3A_4, %dma_start3A_19] : memref<2560x125xi32, #tpu.memory_space<hbm>> -> memref<80x125xi32, #tpu.memory_space<hbm>>
      %dma_start3A_21 = arith.constant 0 : i32
      %dma_start3A_22 = tpu.memref_slice %arg3[%mul3A_4, %dma_start3A_21] : memref<2560x125xi32, #tpu.memory_space<hbm>> -> memref<80x125xi32, #tpu.memory_space<hbm>>
      tpu.enqueue_dma source(%dma_start3A_22 : memref<80x125xi32, #tpu.memory_space<hbm>>) target(%arg7 : memref<80x125xi32, #tpu.memory_space<vmem>>) target_semaphore(%run_scoped3A : memref<!tpu.dma_semaphore, #tpu.memory_space<semaphore_mem>>)
      %dma_wait3A = arith.constant 0 : i32
      %dma_wait3A_23 = tpu.memref_slice %arg3[%mul3A_4, %dma_wait3A] : memref<2560x125xi32, #tpu.memory_space<hbm>> -> memref<80x125xi32, #tpu.memory_space<hbm>>
      %dma_wait3A_24 = arith.constant 0 : i32
      %dma_wait3A_25 = tpu.memref_slice %arg3[%mul3A_4, %dma_wait3A_24] : memref<2560x125xi32, #tpu.memory_space<hbm>> -> memref<80x125xi32, #tpu.memory_space<hbm>>
      tpu.wait_dma2 semaphore(%run_scoped3A : memref<!tpu.dma_semaphore, #tpu.memory_space<semaphore_mem>>) src(%dma_wait3A_25 : memref<80x125xi32, #tpu.memory_space<hbm>>) dst(%arg7 : memref<80x125xi32, #tpu.memory_space<vmem>>)
      tpu.yield
    }) : () -> ()
    %mul3A_5 = arith.constant 80 : i32
    %mul3A_6 = arith.muli %add3A, %mul3A_5 : i32
    "tpu.region"() ({
      %run_scoped3A = tpu.sem_alloc : memref<!tpu.dma_semaphore, #tpu.memory_space<semaphore_mem>>
      %dma_start3A_19 = arith.constant 0 : i32
      %dma_start3A_20 = tpu.memref_slice %arg4[%mul3A_6, %dma_start3A_19] : memref<2560x125xi32, #tpu.memory_space<hbm>> -> memref<80x125xi32, #tpu.memory_space<hbm>>
      %dma_start3A_21 = arith.constant 0 : i32
      %dma_start3A_22 = tpu.memref_slice %arg4[%mul3A_6, %dma_start3A_21] : memref<2560x125xi32, #tpu.memory_space<hbm>> -> memref<80x125xi32, #tpu.memory_space<hbm>>
      tpu.enqueue_dma source(%dma_start3A_22 : memref<80x125xi32, #tpu.memory_space<hbm>>) target(%arg8 : memref<80x125xi32, #tpu.memory_space<vmem>>) target_semaphore(%run_scoped3A : memref<!tpu.dma_semaphore, #tpu.memory_space<semaphore_mem>>)
      %dma_wait3A = arith.constant 0 : i32
      %dma_wait3A_23 = tpu.memref_slice %arg4[%mul3A_6, %dma_wait3A] : memref<2560x125xi32, #tpu.memory_space<hbm>> -> memref<80x125xi32, #tpu.memory_space<hbm>>
      %dma_wait3A_24 = arith.constant 0 : i32
      %dma_wait3A_25 = tpu.memref_slice %arg4[%mul3A_6, %dma_wait3A_24] : memref<2560x125xi32, #tpu.memory_space<hbm>> -> memref<80x125xi32, #tpu.memory_space<hbm>>
      tpu.wait_dma2 semaphore(%run_scoped3A : memref<!tpu.dma_semaphore, #tpu.memory_space<semaphore_mem>>) src(%dma_wait3A_25 : memref<80x125xi32, #tpu.memory_space<hbm>>) dst(%arg8 : memref<80x125xi32, #tpu.memory_space<vmem>>)
      tpu.yield
    }) : () -> ()
    %barrier3A = arith.constant 0 : index
    tpu.barrier barrier_id(%barrier3A)
    %dma_start3A = arith.constant 0 : i32
    %dma_start3A_7 = arith.constant 0 : i32
    %dma_start3A_8 = tpu.memref_slice %arg7[%dma_start3A, %dma_start3A_7] : memref<80x125xi32, #tpu.memory_space<vmem>> -> memref<1x125xi32, #tpu.memory_space<vmem>>
    %dma_start3A_9 = tpu.memref_squeeze %dma_start3A_8 : memref<1x125xi32, #tpu.memory_space<vmem>> -> memref<125xi32, #tpu.memory_space<vmem>>
    %dma_start3A_10 = arith.constant 0 : i32
    %dma_start3A_11 = arith.constant 0 : i32
    %dma_start3A_12 = tpu.memref_slice %arg2[%dma_start3A_10, %dma_start3A_11] : memref<10240x64xf32, #tpu.memory_space<hbm>> -> memref<10240x64xf32, #tpu.memory_space<hbm>>
    tpu.enqueue_indirect_dma source(%dma_start3A_12 : memref<10240x64xf32, #tpu.memory_space<hbm>>) target(%arg9 : memref<125x64xf32, #tpu.memory_space<vmem>>) offsets(%dma_start3A_9 : memref<125xi32, #tpu.memory_space<vmem>>) semaphore(%arg12 : memref<!tpu.dma_semaphore, #tpu.memory_space<semaphore_mem>>)
    %scan3A = arith.constant 0 : i32
    %scan3A_13 = arith.constant 0 : i32
    %scan3A_14 = arith.constant 40 : i32
    %scan3A_15 = arith.addi %scan3A_13, %scan3A_14 : i32
    %scan3A_16 = arith.constant 1 : i32
    scf.for %scan3A_19 = %scan3A_13 to %scan3A_15 step %scan3A_16  : i32 {
      %mul3A_20 = arith.constant 2 : i32
      %mul3A_21 = arith.muli %scan3A_19, %mul3A_20 : i32
      %add3A_22 = arith.constant 1 : i32
      %add3A_23 = arith.addi %mul3A_21, %add3A_22 : i32
      %dma_start3A_24 = arith.constant 0 : i32
      %dma_start3A_25 = tpu.memref_slice %arg7[%add3A_23, %dma_start3A_24] : memref<80x125xi32, #tpu.memory_space<vmem>> -> memref<1x125xi32, #tpu.memory_space<vmem>>
      %dma_start3A_26 = tpu.memref_squeeze %dma_start3A_25 : memref<1x125xi32, #tpu.memory_space<vmem>> -> memref<125xi32, #tpu.memory_space<vmem>>
      %dma_start3A_27 = arith.constant 0 : i32
      %dma_start3A_28 = arith.constant 0 : i32
      %dma_start3A_29 = tpu.memref_slice %arg2[%dma_start3A_27, %dma_start3A_28] : memref<10240x64xf32, #tpu.memory_space<hbm>> -> memref<10240x64xf32, #tpu.memory_space<hbm>>
      tpu.enqueue_indirect_dma source(%dma_start3A_29 : memref<10240x64xf32, #tpu.memory_space<hbm>>) target(%arg10 : memref<125x64xf32, #tpu.memory_space<vmem>>) offsets(%dma_start3A_26 : memref<125xi32, #tpu.memory_space<vmem>>) semaphore(%arg13 : memref<!tpu.dma_semaphore, #tpu.memory_space<semaphore_mem>>)
      %dma_wait3A = arith.constant 0 : i32
      %dma_wait3A_30 = tpu.memref_slice %arg7[%mul3A_21, %dma_wait3A] : memref<80x125xi32, #tpu.memory_space<vmem>> -> memref<1x125xi32, #tpu.memory_space<vmem>>
      %dma_wait3A_31 = tpu.memref_squeeze %dma_wait3A_30 : memref<1x125xi32, #tpu.memory_space<vmem>> -> memref<125xi32, #tpu.memory_space<vmem>>
      %dma_wait3A_32 = arith.constant 0 : i32
      %dma_wait3A_33 = arith.constant 0 : i32
      %dma_wait3A_34 = tpu.memref_slice %arg2[%dma_wait3A_32, %dma_wait3A_33] : memref<10240x64xf32, #tpu.memory_space<hbm>> -> memref<10240x64xf32, #tpu.memory_space<hbm>>
      tpu.wait_indirect_dma semaphore(%arg12 : memref<!tpu.dma_semaphore, #tpu.memory_space<semaphore_mem>>) src(%dma_wait3A_34 : memref<10240x64xf32, #tpu.memory_space<hbm>>) dst(%arg9 : memref<125x64xf32, #tpu.memory_space<vmem>>)
      "tpu.region"() ({
        %run_scoped3A = tpu.sem_alloc : memref<!tpu.dma_semaphore, #tpu.memory_space<semaphore_mem>>
        %dma_start3A_49 = arith.constant 0 : i32
        %dma_start3A_50 = tpu.memref_slice %arg8[%mul3A_21, %dma_start3A_49] : memref<80x125xi32, #tpu.memory_space<vmem>> -> memref<1x125xi32, #tpu.memory_space<vmem>>
        %dma_start3A_51 = tpu.memref_squeeze %dma_start3A_50 : memref<1x125xi32, #tpu.memory_space<vmem>> -> memref<125xi32, #tpu.memory_space<vmem>>
        %dma_start3A_52 = arith.constant 0 : i32
        %dma_start3A_53 = arith.constant 0 : i32
        %dma_start3A_54 = tpu.memref_slice %arg11[%dma_start3A_52, %dma_start3A_53] : memref<10240x64xf32, #tpu.memory_space<vmem_shared>> -> memref<10240x64xf32, #tpu.memory_space<vmem_shared>>
        tpu.enqueue_indirect_dma source(%arg9 : memref<125x64xf32, #tpu.memory_space<vmem>>) target(%dma_start3A_54 : memref<10240x64xf32, #tpu.memory_space<vmem_shared>>) offsets(%dma_start3A_51 : memref<125xi32, #tpu.memory_space<vmem>>) semaphore(%run_scoped3A : memref<!tpu.dma_semaphore, #tpu.memory_space<semaphore_mem>>) {add = true}
        %dma_wait3A_55 = arith.constant 0 : i32
        %dma_wait3A_56 = tpu.memref_slice %arg8[%mul3A_21, %dma_wait3A_55] : memref<80x125xi32, #tpu.memory_space<vmem>> -> memref<1x125xi32, #tpu.memory_space<vmem>>
        %dma_wait3A_57 = tpu.memref_squeeze %dma_wait3A_56 : memref<1x125xi32, #tpu.memory_space<vmem>> -> memref<125xi32, #tpu.memory_space<vmem>>
        %dma_wait3A_58 = arith.constant 0 : i32
        %dma_wait3A_59 = arith.constant 0 : i32
        %dma_wait3A_60 = tpu.memref_slice %arg11[%dma_wait3A_58, %dma_wait3A_59] : memref<10240x64xf32, #tpu.memory_space<vmem_shared>> -> memref<10240x64xf32, #tpu.memory_space<vmem_shared>>
        tpu.wait_indirect_dma semaphore(%run_scoped3A : memref<!tpu.dma_semaphore, #tpu.memory_space<semaphore_mem>>) src(%arg9 : memref<125x64xf32, #tpu.memory_space<vmem>>) dst(%dma_wait3A_60 : memref<10240x64xf32, #tpu.memory_space<vmem_shared>>)
        tpu.yield
      }) : () -> ()
      %add3A_35 = arith.constant 2 : i32
      %add3A_36 = arith.addi %mul3A_21, %add3A_35 : i32
      %lt3A = arith.constant 80 : i32
      %lt3A_37 = arith.cmpi slt, %add3A_36, %lt3A : i32
      %convert_element_type3A = arith.extui %lt3A_37 : i1 to i32
      %cond3A = arith.constant 0 : i32
      %cond3A_38 = arith.cmpi ne, %convert_element_type3A, %cond3A : i32
      scf.if %cond3A_38 {
        %add3A_49 = arith.constant 2 : i32
        %add3A_50 = arith.addi %mul3A_21, %add3A_49 : i32
        %dma_start3A_51 = arith.constant 0 : i32
        %dma_start3A_52 = tpu.memref_slice %arg7[%add3A_50, %dma_start3A_51] : memref<80x125xi32, #tpu.memory_space<vmem>> -> memref<1x125xi32, #tpu.memory_space<vmem>>
        %dma_start3A_53 = tpu.memref_squeeze %dma_start3A_52 : memref<1x125xi32, #tpu.memory_space<vmem>> -> memref<125xi32, #tpu.memory_space<vmem>>
        %dma_start3A_54 = arith.constant 0 : i32
        %dma_start3A_55 = arith.constant 0 : i32
        %dma_start3A_56 = tpu.memref_slice %arg2[%dma_start3A_54, %dma_start3A_55] : memref<10240x64xf32, #tpu.memory_space<hbm>> -> memref<10240x64xf32, #tpu.memory_space<hbm>>
        tpu.enqueue_indirect_dma source(%dma_start3A_56 : memref<10240x64xf32, #tpu.memory_space<hbm>>) target(%arg9 : memref<125x64xf32, #tpu.memory_space<vmem>>) offsets(%dma_start3A_53 : memref<125xi32, #tpu.memory_space<vmem>>) semaphore(%arg12 : memref<!tpu.dma_semaphore, #tpu.memory_space<semaphore_mem>>)
      } else {
      }
      %add3A_39 = arith.constant 1 : i32
      %add3A_40 = arith.addi %mul3A_21, %add3A_39 : i32
      %dma_wait3A_41 = arith.constant 0 : i32
      %dma_wait3A_42 = tpu.memref_slice %arg7[%add3A_40, %dma_wait3A_41] : memref<80x125xi32, #tpu.memory_space<vmem>> -> memref<1x125xi32, #tpu.memory_space<vmem>>
      %dma_wait3A_43 = tpu.memref_squeeze %dma_wait3A_42 : memref<1x125xi32, #tpu.memory_space<vmem>> -> memref<125xi32, #tpu.memory_space<vmem>>
      %dma_wait3A_44 = arith.constant 0 : i32
      %dma_wait3A_45 = arith.constant 0 : i32
      %dma_wait3A_46 = tpu.memref_slice %arg2[%dma_wait3A_44, %dma_wait3A_45] : memref<10240x64xf32, #tpu.memory_space<hbm>> -> memref<10240x64xf32, #tpu.memory_space<hbm>>
      tpu.wait_indirect_dma semaphore(%arg13 : memref<!tpu.dma_semaphore, #tpu.memory_space<semaphore_mem>>) src(%dma_wait3A_46 : memref<10240x64xf32, #tpu.memory_space<hbm>>) dst(%arg10 : memref<125x64xf32, #tpu.memory_space<vmem>>)
      %add3A_47 = arith.constant 1 : i32
      %add3A_48 = arith.addi %mul3A_21, %add3A_47 : i32
      "tpu.region"() ({
        %run_scoped3A = tpu.sem_alloc : memref<!tpu.dma_semaphore, #tpu.memory_space<semaphore_mem>>
        %dma_start3A_49 = arith.constant 0 : i32
        %dma_start3A_50 = tpu.memref_slice %arg8[%add3A_48, %dma_start3A_49] : memref<80x125xi32, #tpu.memory_space<vmem>> -> memref<1x125xi32, #tpu.memory_space<vmem>>
        %dma_start3A_51 = tpu.memref_squeeze %dma_start3A_50 : memref<1x125xi32, #tpu.memory_space<vmem>> -> memref<125xi32, #tpu.memory_space<vmem>>
        %dma_start3A_52 = arith.constant 0 : i32
        %dma_start3A_53 = arith.constant 0 : i32
        %dma_start3A_54 = tpu.memref_slice %arg11[%dma_start3A_52, %dma_start3A_53] : memref<10240x64xf32, #tpu.memory_space<vmem_shared>> -> memref<10240x64xf32, #tpu.memory_space<vmem_shared>>
        tpu.enqueue_indirect_dma source(%arg10 : memref<125x64xf32, #tpu.memory_space<vmem>>) target(%dma_start3A_54 : memref<10240x64xf32, #tpu.memory_space<vmem_shared>>) offsets(%dma_start3A_51 : memref<125xi32, #tpu.memory_space<vmem>>) semaphore(%run_scoped3A : memref<!tpu.dma_semaphore, #tpu.memory_space<semaphore_mem>>) {add = true}
        %dma_wait3A_55 = arith.constant 0 : i32
        %dma_wait3A_56 = tpu.memref_slice %arg8[%add3A_48, %dma_wait3A_55] : memref<80x125xi32, #tpu.memory_space<vmem>> -> memref<1x125xi32, #tpu.memory_space<vmem>>
        %dma_wait3A_57 = tpu.memref_squeeze %dma_wait3A_56 : memref<1x125xi32, #tpu.memory_space<vmem>> -> memref<125xi32, #tpu.memory_space<vmem>>
        %dma_wait3A_58 = arith.constant 0 : i32
        %dma_wait3A_59 = arith.constant 0 : i32
        %dma_wait3A_60 = tpu.memref_slice %arg11[%dma_wait3A_58, %dma_wait3A_59] : memref<10240x64xf32, #tpu.memory_space<vmem_shared>> -> memref<10240x64xf32, #tpu.memory_space<vmem_shared>>
        tpu.wait_indirect_dma semaphore(%run_scoped3A : memref<!tpu.dma_semaphore, #tpu.memory_space<semaphore_mem>>) src(%arg10 : memref<125x64xf32, #tpu.memory_space<vmem>>) dst(%dma_wait3A_60 : memref<10240x64xf32, #tpu.memory_space<vmem_shared>>)
        tpu.yield
      }) : () -> ()
    }
    %scan3A_17 = arith.constant 40 : i32
    %barrier3A_18 = arith.constant 0 : index
    tpu.barrier barrier_id(%barrier3A_18)
    "tpu.region"() ({
      %run_scoped3A = tpu.sem_alloc : memref<!tpu.dma_semaphore, #tpu.memory_space<semaphore_mem>>
      %dma_start3A_19 = arith.constant 0 : i32
      %dma_start3A_20 = tpu.memref_slice %arg6[%arg0, %mul3A_2, %dma_start3A_19] : memref<2x10240x64xf32, #tpu.memory_space<hbm>> -> memref<1x640x64xf32, #tpu.memory_space<hbm>>
      %dma_start3A_21 = tpu.memref_squeeze %dma_start3A_20 : memref<1x640x64xf32, #tpu.memory_space<hbm>> -> memref<640x64xf32, #tpu.memory_space<hbm>>
      %dma_start3A_22 = arith.constant 0 : i32
      %dma_start3A_23 = tpu.memref_slice %arg11[%mul3A_2, %dma_start3A_22] : memref<10240x64xf32, #tpu.memory_space<vmem_shared>> -> memref<640x64xf32, #tpu.memory_space<vmem_shared>>
      tpu.enqueue_dma source(%dma_start3A_23 : memref<640x64xf32, #tpu.memory_space<vmem_shared>>) target(%dma_start3A_21 : memref<640x64xf32, #tpu.memory_space<hbm>>) target_semaphore(%run_scoped3A : memref<!tpu.dma_semaphore, #tpu.memory_space<semaphore_mem>>)
      %dma_wait3A = arith.constant 0 : i32
      %dma_wait3A_24 = tpu.memref_slice %arg6[%arg0, %mul3A_2, %dma_wait3A] : memref<2x10240x64xf32, #tpu.memory_space<hbm>> -> memref<1x640x64xf32, #tpu.memory_space<hbm>>
      %dma_wait3A_25 = tpu.memref_squeeze %dma_wait3A_24 : memref<1x640x64xf32, #tpu.memory_space<hbm>> -> memref<640x64xf32, #tpu.memory_space<hbm>>
      %dma_wait3A_26 = arith.constant 0 : i32
      %dma_wait3A_27 = tpu.memref_slice %arg11[%mul3A_2, %dma_wait3A_26] : memref<10240x64xf32, #tpu.memory_space<vmem_shared>> -> memref<640x64xf32, #tpu.memory_space<vmem_shared>>
      tpu.wait_dma2 semaphore(%run_scoped3A : memref<!tpu.dma_semaphore, #tpu.memory_space<semaphore_mem>>) src(%dma_wait3A_27 : memref<640x64xf32, #tpu.memory_space<vmem_shared>>) dst(%dma_wait3A_25 : memref<640x64xf32, #tpu.memory_space<hbm>>)
      tpu.yield
    }) : () -> ()
    return
  }
}

#map = affine_map<(d0, d1) -> (0)>
module attributes {stable_mosaic.version = 14 : i64} {
  func.func @_deg_kernel(%arg0: i32, %arg1: i32, %arg2: memref<320000xi32, #tpu.memory_space<hbm>>, %arg3: memref<10240xf32, #tpu.memory_space<hbm>>, %arg4: memref<20000xi32, #tpu.memory_space<vmem>>, %arg5: memref<10240xf32, #tpu.memory_space<vmem>>, %arg6: memref<10240xf32, #tpu.memory_space<vmem>>, %arg7: memref<640xf32, #tpu.memory_space<vmem>>, %arg8: memref<163840xf32, #tpu.memory_space<vmem_shared>>) attributes {dimension_semantics = [#tpu.dimension_semantics<core_parallel>, #tpu.dimension_semantics<subcore_parallel>], iteration_bounds = array<i64: 2, 16>, scalar_prefetch = 0 : i64, scratch_operands = 5 : i64, tpu.core_type = #tpu.core_type<sc_vector_subcore>, window_params = [{transform_indices = #map}, {transform_indices = #map}]} {
    %eq3A = arith.constant 0 : i32
    %eq3A_0 = arith.cmpi eq, %arg0, %eq3A : i32
    %convert_element_type3A = arith.extui %eq3A_0 : i1 to i32
    %cond3A = arith.constant 0 : i32
    %cond3A_1 = arith.cmpi ne, %convert_element_type3A, %cond3A : i32
    scf.if %cond3A_1 {
      %mul3A = arith.constant 20000 : i32
      %mul3A_7 = arith.muli %arg1, %mul3A : i32
      "tpu.region"() ({
        %run_scoped3A = tpu.sem_alloc : memref<!tpu.dma_semaphore, #tpu.memory_space<semaphore_mem>>
        %dma_start3A = tpu.memref_slice %arg2[%mul3A_7] : memref<320000xi32, #tpu.memory_space<hbm>> -> memref<20000xi32, #tpu.memory_space<hbm>>
        %dma_start3A_22 = tpu.memref_slice %arg2[%mul3A_7] : memref<320000xi32, #tpu.memory_space<hbm>> -> memref<20000xi32, #tpu.memory_space<hbm>>
        tpu.enqueue_dma source(%dma_start3A_22 : memref<20000xi32, #tpu.memory_space<hbm>>) target(%arg4 : memref<20000xi32, #tpu.memory_space<vmem>>) target_semaphore(%run_scoped3A : memref<!tpu.dma_semaphore, #tpu.memory_space<semaphore_mem>>)
        %dma_wait3A = tpu.memref_slice %arg2[%mul3A_7] : memref<320000xi32, #tpu.memory_space<hbm>> -> memref<20000xi32, #tpu.memory_space<hbm>>
        %dma_wait3A_23 = tpu.memref_slice %arg2[%mul3A_7] : memref<320000xi32, #tpu.memory_space<hbm>> -> memref<20000xi32, #tpu.memory_space<hbm>>
        tpu.wait_dma2 semaphore(%run_scoped3A : memref<!tpu.dma_semaphore, #tpu.memory_space<semaphore_mem>>) src(%dma_wait3A_23 : memref<20000xi32, #tpu.memory_space<hbm>>) dst(%arg4 : memref<20000xi32, #tpu.memory_space<vmem>>)
        tpu.yield
      }) : () -> ()
      %scan3A = arith.constant 0 : i32
      %scan3A_8 = arith.constant 0 : i32
      %scan3A_9 = arith.constant 640 : i32
      %scan3A_10 = arith.addi %scan3A_8, %scan3A_9 : i32
      %scan3A_11 = arith.constant 1 : i32
      scf.for %scan3A_22 = %scan3A_8 to %scan3A_10 step %scan3A_11  : i32 {
        %broadcast_in_dim3A_23 = arith.constant 0.000000e+00 : f32
        %broadcast_in_dim3A_24 = vector.broadcast %broadcast_in_dim3A_23 : f32 to vector<16xf32>
        %mul3A_25 = arith.constant 16 : i32
        %mul3A_26 = arith.muli %scan3A_22, %mul3A_25 : i32
        %swap3A = arith.index_cast %mul3A_26 : i32 to index
        %swap3A_27 = tpu.vector_load %arg5[%swap3A] {strides = array<i32>} : memref<10240xf32, #tpu.memory_space<vmem>>, vector<16xf32>,
        tpu.vector_store %arg5[%swap3A], %broadcast_in_dim3A_24 {strides = array<i32>} : memref<10240xf32, #tpu.memory_space<vmem>>, vector<16xf32>,
      }
      %scan3A_12 = arith.constant 640 : i32
      %broadcast_in_dim3A = arith.constant 1.000000e+00 : f32
      %broadcast_in_dim3A_13 = vector.broadcast %broadcast_in_dim3A : f32 to vector<16xf32>
      %scan3A_14 = arith.constant 0 : i32
      %scan3A_15 = arith.constant 0 : i32
      %scan3A_16 = arith.constant 250 : i32
      %scan3A_17 = arith.addi %scan3A_15, %scan3A_16 : i32
      %scan3A_18 = arith.constant 1 : i32
      scf.for %scan3A_22 = %scan3A_15 to %scan3A_17 step %scan3A_18  : i32 {
        %mul3A_23 = arith.constant 80 : i32
        %mul3A_24 = arith.muli %scan3A_22, %mul3A_23 : i32
        %add3A = arith.constant 0 : i32
        %add3A_25 = arith.addi %mul3A_24, %add3A : i32
        %get3A = arith.index_cast %add3A_25 : i32 to index
        %get3A_26 = tpu.vector_load %arg4[%get3A] {strides = array<i32>} : memref<20000xi32, #tpu.memory_space<vmem>>, vector<16xi32>,
        tpu.vector_store_idx %arg5[%get3A_26], %broadcast_in_dim3A_13 {add = true} : memref<10240xf32, #tpu.memory_space<vmem>>[vector<16xi32>], vector<16xf32>,
        %mul3A_27 = arith.constant 80 : i32
        %mul3A_28 = arith.muli %scan3A_22, %mul3A_27 : i32
        %add3A_29 = arith.constant 16 : i32
        %add3A_30 = arith.addi %mul3A_28, %add3A_29 : i32
        %get3A_31 = arith.index_cast %add3A_30 : i32 to index
        %get3A_32 = tpu.vector_load %arg4[%get3A_31] {strides = array<i32>} : memref<20000xi32, #tpu.memory_space<vmem>>, vector<16xi32>,
        tpu.vector_store_idx %arg5[%get3A_32], %broadcast_in_dim3A_13 {add = true} : memref<10240xf32, #tpu.memory_space<vmem>>[vector<16xi32>], vector<16xf32>,
        %mul3A_33 = arith.constant 80 : i32
        %mul3A_34 = arith.muli %scan3A_22, %mul3A_33 : i32
        %add3A_35 = arith.constant 32 : i32
        %add3A_36 = arith.addi %mul3A_34, %add3A_35 : i32
        %get3A_37 = arith.index_cast %add3A_36 : i32 to index
        %get3A_38 = tpu.vector_load %arg4[%get3A_37] {strides = array<i32>} : memref<20000xi32, #tpu.memory_space<vmem>>, vector<16xi32>,
        tpu.vector_store_idx %arg5[%get3A_38], %broadcast_in_dim3A_13 {add = true} : memref<10240xf32, #tpu.memory_space<vmem>>[vector<16xi32>], vector<16xf32>,
        %mul3A_39 = arith.constant 80 : i32
        %mul3A_40 = arith.muli %scan3A_22, %mul3A_39 : i32
        %add3A_41 = arith.constant 48 : i32
        %add3A_42 = arith.addi %mul3A_40, %add3A_41 : i32
        %get3A_43 = arith.index_cast %add3A_42 : i32 to index
        %get3A_44 = tpu.vector_load %arg4[%get3A_43] {strides = array<i32>} : memref<20000xi32, #tpu.memory_space<vmem>>, vector<16xi32>,
        tpu.vector_store_idx %arg5[%get3A_44], %broadcast_in_dim3A_13 {add = true} : memref<10240xf32, #tpu.memory_space<vmem>>[vector<16xi32>], vector<16xf32>,
        %mul3A_45 = arith.constant 80 : i32
        %mul3A_46 = arith.muli %scan3A_22, %mul3A_45 : i32
        %add3A_47 = arith.constant 64 : i32
        %add3A_48 = arith.addi %mul3A_46, %add3A_47 : i32
        %get3A_49 = arith.index_cast %add3A_48 : i32 to index
        %get3A_50 = tpu.vector_load %arg4[%get3A_49] {strides = array<i32>} : memref<20000xi32, #tpu.memory_space<vmem>>, vector<16xi32>,
        tpu.vector_store_idx %arg5[%get3A_50], %broadcast_in_dim3A_13 {add = true} : memref<10240xf32, #tpu.memory_space<vmem>>[vector<16xi32>], vector<16xf32>,
      }
      %scan3A_19 = arith.constant 250 : i32
      %mul3A_20 = arith.constant 10240 : i32
      %mul3A_21 = arith.muli %arg1, %mul3A_20 : i32
      "tpu.region"() ({
        %run_scoped3A = tpu.sem_alloc : memref<!tpu.dma_semaphore, #tpu.memory_space<semaphore_mem>>
        %dma_start3A = tpu.memref_slice %arg8[%mul3A_21] : memref<163840xf32, #tpu.memory_space<vmem_shared>> -> memref<10240xf32, #tpu.memory_space<vmem_shared>>
        %dma_start3A_22 = tpu.memref_slice %arg8[%mul3A_21] : memref<163840xf32, #tpu.memory_space<vmem_shared>> -> memref<10240xf32, #tpu.memory_space<vmem_shared>>
        tpu.enqueue_dma source(%arg5 : memref<10240xf32, #tpu.memory_space<vmem>>) target(%dma_start3A_22 : memref<10240xf32, #tpu.memory_space<vmem_shared>>) target_semaphore(%run_scoped3A : memref<!tpu.dma_semaphore, #tpu.memory_space<semaphore_mem>>)
        %dma_wait3A = tpu.memref_slice %arg8[%mul3A_21] : memref<163840xf32, #tpu.memory_space<vmem_shared>> -> memref<10240xf32, #tpu.memory_space<vmem_shared>>
        %dma_wait3A_23 = tpu.memref_slice %arg8[%mul3A_21] : memref<163840xf32, #tpu.memory_space<vmem_shared>> -> memref<10240xf32, #tpu.memory_space<vmem_shared>>
        tpu.wait_dma2 semaphore(%run_scoped3A : memref<!tpu.dma_semaphore, #tpu.memory_space<semaphore_mem>>) src(%arg5 : memref<10240xf32, #tpu.memory_space<vmem>>) dst(%dma_wait3A_23 : memref<10240xf32, #tpu.memory_space<vmem_shared>>)
        tpu.yield
      }) : () -> ()
    } else {
    }
    %barrier3A = arith.constant 0 : index
    tpu.barrier barrier_id(%barrier3A)
    %eq3A_2 = arith.constant 0 : i32
    %eq3A_3 = arith.cmpi eq, %arg0, %eq3A_2 : i32
    %convert_element_type3A_4 = arith.extui %eq3A_3 : i1 to i32
    %cond3A_5 = arith.constant 0 : i32
    %cond3A_6 = arith.cmpi ne, %convert_element_type3A_4, %cond3A_5 : i32
    scf.if %cond3A_6 {
      %mul3A = arith.constant 640 : i32
      %mul3A_7 = arith.muli %arg1, %mul3A : i32
      %add3A = arith.constant 0 : i32
      %add3A_8 = arith.addi %add3A, %mul3A_7 : i32
      "tpu.region"() ({
        %run_scoped3A = tpu.sem_alloc : memref<!tpu.dma_semaphore, #tpu.memory_space<semaphore_mem>>
        %dma_start3A = arith.constant 0 : i32
        %dma_start3A_76 = tpu.memref_slice %arg6[%dma_start3A] : memref<10240xf32, #tpu.memory_space<vmem>> -> memref<640xf32, #tpu.memory_space<vmem>>
        %dma_start3A_77 = tpu.memref_slice %arg8[%add3A_8] : memref<163840xf32, #tpu.memory_space<vmem_shared>> -> memref<640xf32, #tpu.memory_space<vmem_shared>>
        %dma_start3A_78 = arith.constant 0 : i32
        %dma_start3A_79 = tpu.memref_slice %arg6[%dma_start3A_78] : memref<10240xf32, #tpu.memory_space<vmem>> -> memref<640xf32, #tpu.memory_space<vmem>>
        %dma_start3A_80 = tpu.memref_slice %arg8[%add3A_8] : memref<163840xf32, #tpu.memory_space<vmem_shared>> -> memref<640xf32, #tpu.memory_space<vmem_shared>>
        tpu.enqueue_dma source(%dma_start3A_80 : memref<640xf32, #tpu.memory_space<vmem_shared>>) target(%dma_start3A_79 : memref<640xf32, #tpu.memory_space<vmem>>) target_semaphore(%run_scoped3A : memref<!tpu.dma_semaphore, #tpu.memory_space<semaphore_mem>>)
        %dma_wait3A = arith.constant 0 : i32
        %dma_wait3A_81 = tpu.memref_slice %arg6[%dma_wait3A] : memref<10240xf32, #tpu.memory_space<vmem>> -> memref<640xf32, #tpu.memory_space<vmem>>
        %dma_wait3A_82 = tpu.memref_slice %arg8[%add3A_8] : memref<163840xf32, #tpu.memory_space<vmem_shared>> -> memref<640xf32, #tpu.memory_space<vmem_shared>>
        %dma_wait3A_83 = arith.constant 0 : i32
        %dma_wait3A_84 = tpu.memref_slice %arg6[%dma_wait3A_83] : memref<10240xf32, #tpu.memory_space<vmem>> -> memref<640xf32, #tpu.memory_space<vmem>>
        %dma_wait3A_85 = tpu.memref_slice %arg8[%add3A_8] : memref<163840xf32, #tpu.memory_space<vmem_shared>> -> memref<640xf32, #tpu.memory_space<vmem_shared>>
        tpu.wait_dma2 semaphore(%run_scoped3A : memref<!tpu.dma_semaphore, #tpu.memory_space<semaphore_mem>>) src(%dma_wait3A_85 : memref<640xf32, #tpu.memory_space<vmem_shared>>) dst(%dma_wait3A_84 : memref<640xf32, #tpu.memory_space<vmem>>)
        tpu.yield
      }) : () -> ()
      %mul3A_9 = arith.constant 640 : i32
      %mul3A_10 = arith.muli %arg1, %mul3A_9 : i32
      %add3A_11 = arith.constant 10240 : i32
      %add3A_12 = arith.addi %add3A_11, %mul3A_10 : i32
      "tpu.region"() ({
        %run_scoped3A = tpu.sem_alloc : memref<!tpu.dma_semaphore, #tpu.memory_space<semaphore_mem>>
        %dma_start3A = arith.constant 640 : i32
        %dma_start3A_76 = tpu.memref_slice %arg6[%dma_start3A] : memref<10240xf32, #tpu.memory_space<vmem>> -> memref<640xf32, #tpu.memory_space<vmem>>
        %dma_start3A_77 = tpu.memref_slice %arg8[%add3A_12] : memref<163840xf32, #tpu.memory_space<vmem_shared>> -> memref<640xf32, #tpu.memory_space<vmem_shared>>
        %dma_start3A_78 = arith.constant 640 : i32
        %dma_start3A_79 = tpu.memref_slice %arg6[%dma_start3A_78] : memref<10240xf32, #tpu.memory_space<vmem>> -> memref<640xf32, #tpu.memory_space<vmem>>
        %dma_start3A_80 = tpu.memref_slice %arg8[%add3A_12] : memref<163840xf32, #tpu.memory_space<vmem_shared>> -> memref<640xf32, #tpu.memory_space<vmem_shared>>
        tpu.enqueue_dma source(%dma_start3A_80 : memref<640xf32, #tpu.memory_space<vmem_shared>>) target(%dma_start3A_79 : memref<640xf32, #tpu.memory_space<vmem>>) target_semaphore(%run_scoped3A : memref<!tpu.dma_semaphore, #tpu.memory_space<semaphore_mem>>)
        %dma_wait3A = arith.constant 640 : i32
        %dma_wait3A_81 = tpu.memref_slice %arg6[%dma_wait3A] : memref<10240xf32, #tpu.memory_space<vmem>> -> memref<640xf32, #tpu.memory_space<vmem>>
        %dma_wait3A_82 = tpu.memref_slice %arg8[%add3A_12] : memref<163840xf32, #tpu.memory_space<vmem_shared>> -> memref<640xf32, #tpu.memory_space<vmem_shared>>
        %dma_wait3A_83 = arith.constant 640 : i32
        %dma_wait3A_84 = tpu.memref_slice %arg6[%dma_wait3A_83] : memref<10240xf32, #tpu.memory_space<vmem>> -> memref<640xf32, #tpu.memory_space<vmem>>
        %dma_wait3A_85 = tpu.memref_slice %arg8[%add3A_12] : memref<163840xf32, #tpu.memory_space<vmem_shared>> -> memref<640xf32, #tpu.memory_space<vmem_shared>>
        tpu.wait_dma2 semaphore(%run_scoped3A : memref<!tpu.dma_semaphore, #tpu.memory_space<semaphore_mem>>) src(%dma_wait3A_85 : memref<640xf32, #tpu.memory_space<vmem_shared>>) dst(%dma_wait3A_84 : memref<640xf32, #tpu.memory_space<vmem>>)
        tpu.yield
      }) : () -> ()
      %mul3A_13 = arith.constant 640 : i32
      %mul3A_14 = arith.muli %arg1, %mul3A_13 : i32
      %add3A_15 = arith.constant 20480 : i32
      %add3A_16 = arith.addi %add3A_15, %mul3A_14 : i32
      "tpu.region"() ({
        %run_scoped3A = tpu.sem_alloc : memref<!tpu.dma_semaphore, #tpu.memory_space<semaphore_mem>>
        %dma_start3A = arith.constant 1280 : i32
        %dma_start3A_76 = tpu.memref_slice %arg6[%dma_start3A] : memref<10240xf32, #tpu.memory_space<vmem>> -> memref<640xf32, #tpu.memory_space<vmem>>
        %dma_start3A_77 = tpu.memref_slice %arg8[%add3A_16] : memref<163840xf32, #tpu.memory_space<vmem_shared>> -> memref<640xf32, #tpu.memory_space<vmem_shared>>
        %dma_start3A_78 = arith.constant 1280 : i32
        %dma_start3A_79 = tpu.memref_slice %arg6[%dma_start3A_78] : memref<10240xf32, #tpu.memory_space<vmem>> -> memref<640xf32, #tpu.memory_space<vmem>>
        %dma_start3A_80 = tpu.memref_slice %arg8[%add3A_16] : memref<163840xf32, #tpu.memory_space<vmem_shared>> -> memref<640xf32, #tpu.memory_space<vmem_shared>>
        tpu.enqueue_dma source(%dma_start3A_80 : memref<640xf32, #tpu.memory_space<vmem_shared>>) target(%dma_start3A_79 : memref<640xf32, #tpu.memory_space<vmem>>) target_semaphore(%run_scoped3A : memref<!tpu.dma_semaphore, #tpu.memory_space<semaphore_mem>>)
        %dma_wait3A = arith.constant 1280 : i32
        %dma_wait3A_81 = tpu.memref_slice %arg6[%dma_wait3A] : memref<10240xf32, #tpu.memory_space<vmem>> -> memref<640xf32, #tpu.memory_space<vmem>>
        %dma_wait3A_82 = tpu.memref_slice %arg8[%add3A_16] : memref<163840xf32, #tpu.memory_space<vmem_shared>> -> memref<640xf32, #tpu.memory_space<vmem_shared>>
        %dma_wait3A_83 = arith.constant 1280 : i32
        %dma_wait3A_84 = tpu.memref_slice %arg6[%dma_wait3A_83] : memref<10240xf32, #tpu.memory_space<vmem>> -> memref<640xf32, #tpu.memory_space<vmem>>
        %dma_wait3A_85 = tpu.memref_slice %arg8[%add3A_16] : memref<163840xf32, #tpu.memory_space<vmem_shared>> -> memref<640xf32, #tpu.memory_space<vmem_shared>>
        tpu.wait_dma2 semaphore(%run_scoped3A : memref<!tpu.dma_semaphore, #tpu.memory_space<semaphore_mem>>) src(%dma_wait3A_85 : memref<640xf32, #tpu.memory_space<vmem_shared>>) dst(%dma_wait3A_84 : memref<640xf32, #tpu.memory_space<vmem>>)
        tpu.yield
      }) : () -> ()
      %mul3A_17 = arith.constant 640 : i32
      %mul3A_18 = arith.muli %arg1, %mul3A_17 : i32
      %add3A_19 = arith.constant 30720 : i32
      %add3A_20 = arith.addi %add3A_19, %mul3A_18 : i32
      "tpu.region"() ({
        %run_scoped3A = tpu.sem_alloc : memref<!tpu.dma_semaphore, #tpu.memory_space<semaphore_mem>>
        %dma_start3A = arith.constant 1920 : i32
        %dma_start3A_76 = tpu.memref_slice %arg6[%dma_start3A] : memref<10240xf32, #tpu.memory_space<vmem>> -> memref<640xf32, #tpu.memory_space<vmem>>
        %dma_start3A_77 = tpu.memref_slice %arg8[%add3A_20] : memref<163840xf32, #tpu.memory_space<vmem_shared>> -> memref<640xf32, #tpu.memory_space<vmem_shared>>
        %dma_start3A_78 = arith.constant 1920 : i32
        %dma_start3A_79 = tpu.memref_slice %arg6[%dma_start3A_78] : memref<10240xf32, #tpu.memory_space<vmem>> -> memref<640xf32, #tpu.memory_space<vmem>>
        %dma_start3A_80 = tpu.memref_slice %arg8[%add3A_20] : memref<163840xf32, #tpu.memory_space<vmem_shared>> -> memref<640xf32, #tpu.memory_space<vmem_shared>>
        tpu.enqueue_dma source(%dma_start3A_80 : memref<640xf32, #tpu.memory_space<vmem_shared>>) target(%dma_start3A_79 : memref<640xf32, #tpu.memory_space<vmem>>) target_semaphore(%run_scoped3A : memref<!tpu.dma_semaphore, #tpu.memory_space<semaphore_mem>>)
        %dma_wait3A = arith.constant 1920 : i32
        %dma_wait3A_81 = tpu.memref_slice %arg6[%dma_wait3A] : memref<10240xf32, #tpu.memory_space<vmem>> -> memref<640xf32, #tpu.memory_space<vmem>>
        %dma_wait3A_82 = tpu.memref_slice %arg8[%add3A_20] : memref<163840xf32, #tpu.memory_space<vmem_shared>> -> memref<640xf32, #tpu.memory_space<vmem_shared>>
        %dma_wait3A_83 = arith.constant 1920 : i32
        %dma_wait3A_84 = tpu.memref_slice %arg6[%dma_wait3A_83] : memref<10240xf32, #tpu.memory_space<vmem>> -> memref<640xf32, #tpu.memory_space<vmem>>
        %dma_wait3A_85 = tpu.memref_slice %arg8[%add3A_20] : memref<163840xf32, #tpu.memory_space<vmem_shared>> -> memref<640xf32, #tpu.memory_space<vmem_shared>>
        tpu.wait_dma2 semaphore(%run_scoped3A : memref<!tpu.dma_semaphore, #tpu.memory_space<semaphore_mem>>) src(%dma_wait3A_85 : memref<640xf32, #tpu.memory_space<vmem_shared>>) dst(%dma_wait3A_84 : memref<640xf32, #tpu.memory_space<vmem>>)
        tpu.yield
      }) : () -> ()
      %mul3A_21 = arith.constant 640 : i32
      %mul3A_22 = arith.muli %arg1, %mul3A_21 : i32
      %add3A_23 = arith.constant 40960 : i32
      %add3A_24 = arith.addi %add3A_23, %mul3A_22 : i32
      "tpu.region"() ({
        %run_scoped3A = tpu.sem_alloc : memref<!tpu.dma_semaphore, #tpu.memory_space<semaphore_mem>>
        %dma_start3A = arith.constant 2560 : i32
        %dma_start3A_76 = tpu.memref_slice %arg6[%dma_start3A] : memref<10240xf32, #tpu.memory_space<vmem>> -> memref<640xf32, #tpu.memory_space<vmem>>
        %dma_start3A_77 = tpu.memref_slice %arg8[%add3A_24] : memref<163840xf32, #tpu.memory_space<vmem_shared>> -> memref<640xf32, #tpu.memory_space<vmem_shared>>
        %dma_start3A_78 = arith.constant 2560 : i32
        %dma_start3A_79 = tpu.memref_slice %arg6[%dma_start3A_78] : memref<10240xf32, #tpu.memory_space<vmem>> -> memref<640xf32, #tpu.memory_space<vmem>>
        %dma_start3A_80 = tpu.memref_slice %arg8[%add3A_24] : memref<163840xf32, #tpu.memory_space<vmem_shared>> -> memref<640xf32, #tpu.memory_space<vmem_shared>>
        tpu.enqueue_dma source(%dma_start3A_80 : memref<640xf32, #tpu.memory_space<vmem_shared>>) target(%dma_start3A_79 : memref<640xf32, #tpu.memory_space<vmem>>) target_semaphore(%run_scoped3A : memref<!tpu.dma_semaphore, #tpu.memory_space<semaphore_mem>>)
        %dma_wait3A = arith.constant 2560 : i32
        %dma_wait3A_81 = tpu.memref_slice %arg6[%dma_wait3A] : memref<10240xf32, #tpu.memory_space<vmem>> -> memref<640xf32, #tpu.memory_space<vmem>>
        %dma_wait3A_82 = tpu.memref_slice %arg8[%add3A_24] : memref<163840xf32, #tpu.memory_space<vmem_shared>> -> memref<640xf32, #tpu.memory_space<vmem_shared>>
        %dma_wait3A_83 = arith.constant 2560 : i32
        %dma_wait3A_84 = tpu.memref_slice %arg6[%dma_wait3A_83] : memref<10240xf32, #tpu.memory_space<vmem>> -> memref<640xf32, #tpu.memory_space<vmem>>
        %dma_wait3A_85 = tpu.memref_slice %arg8[%add3A_24] : memref<163840xf32, #tpu.memory_space<vmem_shared>> -> memref<640xf32, #tpu.memory_space<vmem_shared>>
        tpu.wait_dma2 semaphore(%run_scoped3A : memref<!tpu.dma_semaphore, #tpu.memory_space<semaphore_mem>>) src(%dma_wait3A_85 : memref<640xf32, #tpu.memory_space<vmem_shared>>) dst(%dma_wait3A_84 : memref<640xf32, #tpu.memory_space<vmem>>)
        tpu.yield
      }) : () -> ()
      %mul3A_25 = arith.constant 640 : i32
      %mul3A_26 = arith.muli %arg1, %mul3A_25 : i32
      %add3A_27 = arith.constant 51200 : i32
      %add3A_28 = arith.addi %add3A_27, %mul3A_26 : i32
      "tpu.region"() ({
        %run_scoped3A = tpu.sem_alloc : memref<!tpu.dma_semaphore, #tpu.memory_space<semaphore_mem>>
        %dma_start3A = arith.constant 3200 : i32
        %dma_start3A_76 = tpu.memref_slice %arg6[%dma_start3A] : memref<10240xf32, #tpu.memory_space<vmem>> -> memref<640xf32, #tpu.memory_space<vmem>>
        %dma_start3A_77 = tpu.memref_slice %arg8[%add3A_28] : memref<163840xf32, #tpu.memory_space<vmem_shared>> -> memref<640xf32, #tpu.memory_space<vmem_shared>>
        %dma_start3A_78 = arith.constant 3200 : i32
        %dma_start3A_79 = tpu.memref_slice %arg6[%dma_start3A_78] : memref<10240xf32, #tpu.memory_space<vmem>> -> memref<640xf32, #tpu.memory_space<vmem>>
        %dma_start3A_80 = tpu.memref_slice %arg8[%add3A_28] : memref<163840xf32, #tpu.memory_space<vmem_shared>> -> memref<640xf32, #tpu.memory_space<vmem_shared>>
        tpu.enqueue_dma source(%dma_start3A_80 : memref<640xf32, #tpu.memory_space<vmem_shared>>) target(%dma_start3A_79 : memref<640xf32, #tpu.memory_space<vmem>>) target_semaphore(%run_scoped3A : memref<!tpu.dma_semaphore, #tpu.memory_space<semaphore_mem>>)
        %dma_wait3A = arith.constant 3200 : i32
        %dma_wait3A_81 = tpu.memref_slice %arg6[%dma_wait3A] : memref<10240xf32, #tpu.memory_space<vmem>> -> memref<640xf32, #tpu.memory_space<vmem>>
        %dma_wait3A_82 = tpu.memref_slice %arg8[%add3A_28] : memref<163840xf32, #tpu.memory_space<vmem_shared>> -> memref<640xf32, #tpu.memory_space<vmem_shared>>
        %dma_wait3A_83 = arith.constant 3200 : i32
        %dma_wait3A_84 = tpu.memref_slice %arg6[%dma_wait3A_83] : memref<10240xf32, #tpu.memory_space<vmem>> -> memref<640xf32, #tpu.memory_space<vmem>>
        %dma_wait3A_85 = tpu.memref_slice %arg8[%add3A_28] : memref<163840xf32, #tpu.memory_space<vmem_shared>> -> memref<640xf32, #tpu.memory_space<vmem_shared>>
        tpu.wait_dma2 semaphore(%run_scoped3A : memref<!tpu.dma_semaphore, #tpu.memory_space<semaphore_mem>>) src(%dma_wait3A_85 : memref<640xf32, #tpu.memory_space<vmem_shared>>) dst(%dma_wait3A_84 : memref<640xf32, #tpu.memory_space<vmem>>)
        tpu.yield
      }) : () -> ()
      %mul3A_29 = arith.constant 640 : i32
      %mul3A_30 = arith.muli %arg1, %mul3A_29 : i32
      %add3A_31 = arith.constant 61440 : i32
      %add3A_32 = arith.addi %add3A_31, %mul3A_30 : i32
      "tpu.region"() ({
        %run_scoped3A = tpu.sem_alloc : memref<!tpu.dma_semaphore, #tpu.memory_space<semaphore_mem>>
        %dma_start3A = arith.constant 3840 : i32
        %dma_start3A_76 = tpu.memref_slice %arg6[%dma_start3A] : memref<10240xf32, #tpu.memory_space<vmem>> -> memref<640xf32, #tpu.memory_space<vmem>>
        %dma_start3A_77 = tpu.memref_slice %arg8[%add3A_32] : memref<163840xf32, #tpu.memory_space<vmem_shared>> -> memref<640xf32, #tpu.memory_space<vmem_shared>>
        %dma_start3A_78 = arith.constant 3840 : i32
        %dma_start3A_79 = tpu.memref_slice %arg6[%dma_start3A_78] : memref<10240xf32, #tpu.memory_space<vmem>> -> memref<640xf32, #tpu.memory_space<vmem>>
        %dma_start3A_80 = tpu.memref_slice %arg8[%add3A_32] : memref<163840xf32, #tpu.memory_space<vmem_shared>> -> memref<640xf32, #tpu.memory_space<vmem_shared>>
        tpu.enqueue_dma source(%dma_start3A_80 : memref<640xf32, #tpu.memory_space<vmem_shared>>) target(%dma_start3A_79 : memref<640xf32, #tpu.memory_space<vmem>>) target_semaphore(%run_scoped3A : memref<!tpu.dma_semaphore, #tpu.memory_space<semaphore_mem>>)
        %dma_wait3A = arith.constant 3840 : i32
        %dma_wait3A_81 = tpu.memref_slice %arg6[%dma_wait3A] : memref<10240xf32, #tpu.memory_space<vmem>> -> memref<640xf32, #tpu.memory_space<vmem>>
        %dma_wait3A_82 = tpu.memref_slice %arg8[%add3A_32] : memref<163840xf32, #tpu.memory_space<vmem_shared>> -> memref<640xf32, #tpu.memory_space<vmem_shared>>
        %dma_wait3A_83 = arith.constant 3840 : i32
        %dma_wait3A_84 = tpu.memref_slice %arg6[%dma_wait3A_83] : memref<10240xf32, #tpu.memory_space<vmem>> -> memref<640xf32, #tpu.memory_space<vmem>>
        %dma_wait3A_85 = tpu.memref_slice %arg8[%add3A_32] : memref<163840xf32, #tpu.memory_space<vmem_shared>> -> memref<640xf32, #tpu.memory_space<vmem_shared>>
        tpu.wait_dma2 semaphore(%run_scoped3A : memref<!tpu.dma_semaphore, #tpu.memory_space<semaphore_mem>>) src(%dma_wait3A_85 : memref<640xf32, #tpu.memory_space<vmem_shared>>) dst(%dma_wait3A_84 : memref<640xf32, #tpu.memory_space<vmem>>)
        tpu.yield
      }) : () -> ()
      %mul3A_33 = arith.constant 640 : i32
      %mul3A_34 = arith.muli %arg1, %mul3A_33 : i32
      %add3A_35 = arith.constant 71680 : i32
      %add3A_36 = arith.addi %add3A_35, %mul3A_34 : i32
      "tpu.region"() ({
        %run_scoped3A = tpu.sem_alloc : memref<!tpu.dma_semaphore, #tpu.memory_space<semaphore_mem>>
        %dma_start3A = arith.constant 4480 : i32
        %dma_start3A_76 = tpu.memref_slice %arg6[%dma_start3A] : memref<10240xf32, #tpu.memory_space<vmem>> -> memref<640xf32, #tpu.memory_space<vmem>>
        %dma_start3A_77 = tpu.memref_slice %arg8[%add3A_36] : memref<163840xf32, #tpu.memory_space<vmem_shared>> -> memref<640xf32, #tpu.memory_space<vmem_shared>>
        %dma_start3A_78 = arith.constant 4480 : i32
        %dma_start3A_79 = tpu.memref_slice %arg6[%dma_start3A_78] : memref<10240xf32, #tpu.memory_space<vmem>> -> memref<640xf32, #tpu.memory_space<vmem>>
        %dma_start3A_80 = tpu.memref_slice %arg8[%add3A_36] : memref<163840xf32, #tpu.memory_space<vmem_shared>> -> memref<640xf32, #tpu.memory_space<vmem_shared>>
        tpu.enqueue_dma source(%dma_start3A_80 : memref<640xf32, #tpu.memory_space<vmem_shared>>) target(%dma_start3A_79 : memref<640xf32, #tpu.memory_space<vmem>>) target_semaphore(%run_scoped3A : memref<!tpu.dma_semaphore, #tpu.memory_space<semaphore_mem>>)
        %dma_wait3A = arith.constant 4480 : i32
        %dma_wait3A_81 = tpu.memref_slice %arg6[%dma_wait3A] : memref<10240xf32, #tpu.memory_space<vmem>> -> memref<640xf32, #tpu.memory_space<vmem>>
        %dma_wait3A_82 = tpu.memref_slice %arg8[%add3A_36] : memref<163840xf32, #tpu.memory_space<vmem_shared>> -> memref<640xf32, #tpu.memory_space<vmem_shared>>
        %dma_wait3A_83 = arith.constant 4480 : i32
        %dma_wait3A_84 = tpu.memref_slice %arg6[%dma_wait3A_83] : memref<10240xf32, #tpu.memory_space<vmem>> -> memref<640xf32, #tpu.memory_space<vmem>>
        %dma_wait3A_85 = tpu.memref_slice %arg8[%add3A_36] : memref<163840xf32, #tpu.memory_space<vmem_shared>> -> memref<640xf32, #tpu.memory_space<vmem_shared>>
        tpu.wait_dma2 semaphore(%run_scoped3A : memref<!tpu.dma_semaphore, #tpu.memory_space<semaphore_mem>>) src(%dma_wait3A_85 : memref<640xf32, #tpu.memory_space<vmem_shared>>) dst(%dma_wait3A_84 : memref<640xf32, #tpu.memory_space<vmem>>)
        tpu.yield
      }) : () -> ()
      %mul3A_37 = arith.constant 640 : i32
      %mul3A_38 = arith.muli %arg1, %mul3A_37 : i32
      %add3A_39 = arith.constant 81920 : i32
      %add3A_40 = arith.addi %add3A_39, %mul3A_38 : i32
      "tpu.region"() ({
        %run_scoped3A = tpu.sem_alloc : memref<!tpu.dma_semaphore, #tpu.memory_space<semaphore_mem>>
        %dma_start3A = arith.constant 5120 : i32
        %dma_start3A_76 = tpu.memref_slice %arg6[%dma_start3A] : memref<10240xf32, #tpu.memory_space<vmem>> -> memref<640xf32, #tpu.memory_space<vmem>>
        %dma_start3A_77 = tpu.memref_slice %arg8[%add3A_40] : memref<163840xf32, #tpu.memory_space<vmem_shared>> -> memref<640xf32, #tpu.memory_space<vmem_shared>>
        %dma_start3A_78 = arith.constant 5120 : i32
        %dma_start3A_79 = tpu.memref_slice %arg6[%dma_start3A_78] : memref<10240xf32, #tpu.memory_space<vmem>> -> memref<640xf32, #tpu.memory_space<vmem>>
        %dma_start3A_80 = tpu.memref_slice %arg8[%add3A_40] : memref<163840xf32, #tpu.memory_space<vmem_shared>> -> memref<640xf32, #tpu.memory_space<vmem_shared>>
        tpu.enqueue_dma source(%dma_start3A_80 : memref<640xf32, #tpu.memory_space<vmem_shared>>) target(%dma_start3A_79 : memref<640xf32, #tpu.memory_space<vmem>>) target_semaphore(%run_scoped3A : memref<!tpu.dma_semaphore, #tpu.memory_space<semaphore_mem>>)
        %dma_wait3A = arith.constant 5120 : i32
        %dma_wait3A_81 = tpu.memref_slice %arg6[%dma_wait3A] : memref<10240xf32, #tpu.memory_space<vmem>> -> memref<640xf32, #tpu.memory_space<vmem>>
        %dma_wait3A_82 = tpu.memref_slice %arg8[%add3A_40] : memref<163840xf32, #tpu.memory_space<vmem_shared>> -> memref<640xf32, #tpu.memory_space<vmem_shared>>
        %dma_wait3A_83 = arith.constant 5120 : i32
        %dma_wait3A_84 = tpu.memref_slice %arg6[%dma_wait3A_83] : memref<10240xf32, #tpu.memory_space<vmem>> -> memref<640xf32, #tpu.memory_space<vmem>>
        %dma_wait3A_85 = tpu.memref_slice %arg8[%add3A_40] : memref<163840xf32, #tpu.memory_space<vmem_shared>> -> memref<640xf32, #tpu.memory_space<vmem_shared>>
        tpu.wait_dma2 semaphore(%run_scoped3A : memref<!tpu.dma_semaphore, #tpu.memory_space<semaphore_mem>>) src(%dma_wait3A_85 : memref<640xf32, #tpu.memory_space<vmem_shared>>) dst(%dma_wait3A_84 : memref<640xf32, #tpu.memory_space<vmem>>)
        tpu.yield
      }) : () -> ()
      %mul3A_41 = arith.constant 640 : i32
      %mul3A_42 = arith.muli %arg1, %mul3A_41 : i32
      %add3A_43 = arith.constant 92160 : i32
      %add3A_44 = arith.addi %add3A_43, %mul3A_42 : i32
      "tpu.region"() ({
        %run_scoped3A = tpu.sem_alloc : memref<!tpu.dma_semaphore, #tpu.memory_space<semaphore_mem>>
        %dma_start3A = arith.constant 5760 : i32
        %dma_start3A_76 = tpu.memref_slice %arg6[%dma_start3A] : memref<10240xf32, #tpu.memory_space<vmem>> -> memref<640xf32, #tpu.memory_space<vmem>>
        %dma_start3A_77 = tpu.memref_slice %arg8[%add3A_44] : memref<163840xf32, #tpu.memory_space<vmem_shared>> -> memref<640xf32, #tpu.memory_space<vmem_shared>>
        %dma_start3A_78 = arith.constant 5760 : i32
        %dma_start3A_79 = tpu.memref_slice %arg6[%dma_start3A_78] : memref<10240xf32, #tpu.memory_space<vmem>> -> memref<640xf32, #tpu.memory_space<vmem>>
        %dma_start3A_80 = tpu.memref_slice %arg8[%add3A_44] : memref<163840xf32, #tpu.memory_space<vmem_shared>> -> memref<640xf32, #tpu.memory_space<vmem_shared>>
        tpu.enqueue_dma source(%dma_start3A_80 : memref<640xf32, #tpu.memory_space<vmem_shared>>) target(%dma_start3A_79 : memref<640xf32, #tpu.memory_space<vmem>>) target_semaphore(%run_scoped3A : memref<!tpu.dma_semaphore, #tpu.memory_space<semaphore_mem>>)
        %dma_wait3A = arith.constant 5760 : i32
        %dma_wait3A_81 = tpu.memref_slice %arg6[%dma_wait3A] : memref<10240xf32, #tpu.memory_space<vmem>> -> memref<640xf32, #tpu.memory_space<vmem>>
        %dma_wait3A_82 = tpu.memref_slice %arg8[%add3A_44] : memref<163840xf32, #tpu.memory_space<vmem_shared>> -> memref<640xf32, #tpu.memory_space<vmem_shared>>
        %dma_wait3A_83 = arith.constant 5760 : i32
        %dma_wait3A_84 = tpu.memref_slice %arg6[%dma_wait3A_83] : memref<10240xf32, #tpu.memory_space<vmem>> -> memref<640xf32, #tpu.memory_space<vmem>>
        %dma_wait3A_85 = tpu.memref_slice %arg8[%add3A_44] : memref<163840xf32, #tpu.memory_space<vmem_shared>> -> memref<640xf32, #tpu.memory_space<vmem_shared>>
        tpu.wait_dma2 semaphore(%run_scoped3A : memref<!tpu.dma_semaphore, #tpu.memory_space<semaphore_mem>>) src(%dma_wait3A_85 : memref<640xf32, #tpu.memory_space<vmem_shared>>) dst(%dma_wait3A_84 : memref<640xf32, #tpu.memory_space<vmem>>)
        tpu.yield
      }) : () -> ()
      %mul3A_45 = arith.constant 640 : i32
      %mul3A_46 = arith.muli %arg1, %mul3A_45 : i32
      %add3A_47 = arith.constant 102400 : i32
      %add3A_48 = arith.addi %add3A_47, %mul3A_46 : i32
      "tpu.region"() ({
        %run_scoped3A = tpu.sem_alloc : memref<!tpu.dma_semaphore, #tpu.memory_space<semaphore_mem>>
        %dma_start3A = arith.constant 6400 : i32
        %dma_start3A_76 = tpu.memref_slice %arg6[%dma_start3A] : memref<10240xf32, #tpu.memory_space<vmem>> -> memref<640xf32, #tpu.memory_space<vmem>>
        %dma_start3A_77 = tpu.memref_slice %arg8[%add3A_48] : memref<163840xf32, #tpu.memory_space<vmem_shared>> -> memref<640xf32, #tpu.memory_space<vmem_shared>>
        %dma_start3A_78 = arith.constant 6400 : i32
        %dma_start3A_79 = tpu.memref_slice %arg6[%dma_start3A_78] : memref<10240xf32, #tpu.memory_space<vmem>> -> memref<640xf32, #tpu.memory_space<vmem>>
        %dma_start3A_80 = tpu.memref_slice %arg8[%add3A_48] : memref<163840xf32, #tpu.memory_space<vmem_shared>> -> memref<640xf32, #tpu.memory_space<vmem_shared>>
        tpu.enqueue_dma source(%dma_start3A_80 : memref<640xf32, #tpu.memory_space<vmem_shared>>) target(%dma_start3A_79 : memref<640xf32, #tpu.memory_space<vmem>>) target_semaphore(%run_scoped3A : memref<!tpu.dma_semaphore, #tpu.memory_space<semaphore_mem>>)
        %dma_wait3A = arith.constant 6400 : i32
        %dma_wait3A_81 = tpu.memref_slice %arg6[%dma_wait3A] : memref<10240xf32, #tpu.memory_space<vmem>> -> memref<640xf32, #tpu.memory_space<vmem>>
        %dma_wait3A_82 = tpu.memref_slice %arg8[%add3A_48] : memref<163840xf32, #tpu.memory_space<vmem_shared>> -> memref<640xf32, #tpu.memory_space<vmem_shared>>
        %dma_wait3A_83 = arith.constant 6400 : i32
        %dma_wait3A_84 = tpu.memref_slice %arg6[%dma_wait3A_83] : memref<10240xf32, #tpu.memory_space<vmem>> -> memref<640xf32, #tpu.memory_space<vmem>>
        %dma_wait3A_85 = tpu.memref_slice %arg8[%add3A_48] : memref<163840xf32, #tpu.memory_space<vmem_shared>> -> memref<640xf32, #tpu.memory_space<vmem_shared>>
        tpu.wait_dma2 semaphore(%run_scoped3A : memref<!tpu.dma_semaphore, #tpu.memory_space<semaphore_mem>>) src(%dma_wait3A_85 : memref<640xf32, #tpu.memory_space<vmem_shared>>) dst(%dma_wait3A_84 : memref<640xf32, #tpu.memory_space<vmem>>)
        tpu.yield
      }) : () -> ()
      %mul3A_49 = arith.constant 640 : i32
      %mul3A_50 = arith.muli %arg1, %mul3A_49 : i32
      %add3A_51 = arith.constant 112640 : i32
      %add3A_52 = arith.addi %add3A_51, %mul3A_50 : i32
      "tpu.region"() ({
        %run_scoped3A = tpu.sem_alloc : memref<!tpu.dma_semaphore, #tpu.memory_space<semaphore_mem>>
        %dma_start3A = arith.constant 7040 : i32
        %dma_start3A_76 = tpu.memref_slice %arg6[%dma_start3A] : memref<10240xf32, #tpu.memory_space<vmem>> -> memref<640xf32, #tpu.memory_space<vmem>>
        %dma_start3A_77 = tpu.memref_slice %arg8[%add3A_52] : memref<163840xf32, #tpu.memory_space<vmem_shared>> -> memref<640xf32, #tpu.memory_space<vmem_shared>>
        %dma_start3A_78 = arith.constant 7040 : i32
        %dma_start3A_79 = tpu.memref_slice %arg6[%dma_start3A_78] : memref<10240xf32, #tpu.memory_space<vmem>> -> memref<640xf32, #tpu.memory_space<vmem>>
        %dma_start3A_80 = tpu.memref_slice %arg8[%add3A_52] : memref<163840xf32, #tpu.memory_space<vmem_shared>> -> memref<640xf32, #tpu.memory_space<vmem_shared>>
        tpu.enqueue_dma source(%dma_start3A_80 : memref<640xf32, #tpu.memory_space<vmem_shared>>) target(%dma_start3A_79 : memref<640xf32, #tpu.memory_space<vmem>>) target_semaphore(%run_scoped3A : memref<!tpu.dma_semaphore, #tpu.memory_space<semaphore_mem>>)
        %dma_wait3A = arith.constant 7040 : i32
        %dma_wait3A_81 = tpu.memref_slice %arg6[%dma_wait3A] : memref<10240xf32, #tpu.memory_space<vmem>> -> memref<640xf32, #tpu.memory_space<vmem>>
        %dma_wait3A_82 = tpu.memref_slice %arg8[%add3A_52] : memref<163840xf32, #tpu.memory_space<vmem_shared>> -> memref<640xf32, #tpu.memory_space<vmem_shared>>
        %dma_wait3A_83 = arith.constant 7040 : i32
        %dma_wait3A_84 = tpu.memref_slice %arg6[%dma_wait3A_83] : memref<10240xf32, #tpu.memory_space<vmem>> -> memref<640xf32, #tpu.memory_space<vmem>>
        %dma_wait3A_85 = tpu.memref_slice %arg8[%add3A_52] : memref<163840xf32, #tpu.memory_space<vmem_shared>> -> memref<640xf32, #tpu.memory_space<vmem_shared>>
        tpu.wait_dma2 semaphore(%run_scoped3A : memref<!tpu.dma_semaphore, #tpu.memory_space<semaphore_mem>>) src(%dma_wait3A_85 : memref<640xf32, #tpu.memory_space<vmem_shared>>) dst(%dma_wait3A_84 : memref<640xf32, #tpu.memory_space<vmem>>)
        tpu.yield
      }) : () -> ()
      %mul3A_53 = arith.constant 640 : i32
      %mul3A_54 = arith.muli %arg1, %mul3A_53 : i32
      %add3A_55 = arith.constant 122880 : i32
      %add3A_56 = arith.addi %add3A_55, %mul3A_54 : i32
      "tpu.region"() ({
        %run_scoped3A = tpu.sem_alloc : memref<!tpu.dma_semaphore, #tpu.memory_space<semaphore_mem>>
        %dma_start3A = arith.constant 7680 : i32
        %dma_start3A_76 = tpu.memref_slice %arg6[%dma_start3A] : memref<10240xf32, #tpu.memory_space<vmem>> -> memref<640xf32, #tpu.memory_space<vmem>>
        %dma_start3A_77 = tpu.memref_slice %arg8[%add3A_56] : memref<163840xf32, #tpu.memory_space<vmem_shared>> -> memref<640xf32, #tpu.memory_space<vmem_shared>>
        %dma_start3A_78 = arith.constant 7680 : i32
        %dma_start3A_79 = tpu.memref_slice %arg6[%dma_start3A_78] : memref<10240xf32, #tpu.memory_space<vmem>> -> memref<640xf32, #tpu.memory_space<vmem>>
        %dma_start3A_80 = tpu.memref_slice %arg8[%add3A_56] : memref<163840xf32, #tpu.memory_space<vmem_shared>> -> memref<640xf32, #tpu.memory_space<vmem_shared>>
        tpu.enqueue_dma source(%dma_start3A_80 : memref<640xf32, #tpu.memory_space<vmem_shared>>) target(%dma_start3A_79 : memref<640xf32, #tpu.memory_space<vmem>>) target_semaphore(%run_scoped3A : memref<!tpu.dma_semaphore, #tpu.memory_space<semaphore_mem>>)
        %dma_wait3A = arith.constant 7680 : i32
        %dma_wait3A_81 = tpu.memref_slice %arg6[%dma_wait3A] : memref<10240xf32, #tpu.memory_space<vmem>> -> memref<640xf32, #tpu.memory_space<vmem>>
        %dma_wait3A_82 = tpu.memref_slice %arg8[%add3A_56] : memref<163840xf32, #tpu.memory_space<vmem_shared>> -> memref<640xf32, #tpu.memory_space<vmem_shared>>
        %dma_wait3A_83 = arith.constant 7680 : i32
        %dma_wait3A_84 = tpu.memref_slice %arg6[%dma_wait3A_83] : memref<10240xf32, #tpu.memory_space<vmem>> -> memref<640xf32, #tpu.memory_space<vmem>>
        %dma_wait3A_85 = tpu.memref_slice %arg8[%add3A_56] : memref<163840xf32, #tpu.memory_space<vmem_shared>> -> memref<640xf32, #tpu.memory_space<vmem_shared>>
        tpu.wait_dma2 semaphore(%run_scoped3A : memref<!tpu.dma_semaphore, #tpu.memory_space<semaphore_mem>>) src(%dma_wait3A_85 : memref<640xf32, #tpu.memory_space<vmem_shared>>) dst(%dma_wait3A_84 : memref<640xf32, #tpu.memory_space<vmem>>)
        tpu.yield
      }) : () -> ()
      %mul3A_57 = arith.constant 640 : i32
      %mul3A_58 = arith.muli %arg1, %mul3A_57 : i32
      %add3A_59 = arith.constant 133120 : i32
      %add3A_60 = arith.addi %add3A_59, %mul3A_58 : i32
      "tpu.region"() ({
        %run_scoped3A = tpu.sem_alloc : memref<!tpu.dma_semaphore, #tpu.memory_space<semaphore_mem>>
        %dma_start3A = arith.constant 8320 : i32
        %dma_start3A_76 = tpu.memref_slice %arg6[%dma_start3A] : memref<10240xf32, #tpu.memory_space<vmem>> -> memref<640xf32, #tpu.memory_space<vmem>>
        %dma_start3A_77 = tpu.memref_slice %arg8[%add3A_60] : memref<163840xf32, #tpu.memory_space<vmem_shared>> -> memref<640xf32, #tpu.memory_space<vmem_shared>>
        %dma_start3A_78 = arith.constant 8320 : i32
        %dma_start3A_79 = tpu.memref_slice %arg6[%dma_start3A_78] : memref<10240xf32, #tpu.memory_space<vmem>> -> memref<640xf32, #tpu.memory_space<vmem>>
        %dma_start3A_80 = tpu.memref_slice %arg8[%add3A_60] : memref<163840xf32, #tpu.memory_space<vmem_shared>> -> memref<640xf32, #tpu.memory_space<vmem_shared>>
        tpu.enqueue_dma source(%dma_start3A_80 : memref<640xf32, #tpu.memory_space<vmem_shared>>) target(%dma_start3A_79 : memref<640xf32, #tpu.memory_space<vmem>>) target_semaphore(%run_scoped3A : memref<!tpu.dma_semaphore, #tpu.memory_space<semaphore_mem>>)
        %dma_wait3A = arith.constant 8320 : i32
        %dma_wait3A_81 = tpu.memref_slice %arg6[%dma_wait3A] : memref<10240xf32, #tpu.memory_space<vmem>> -> memref<640xf32, #tpu.memory_space<vmem>>
        %dma_wait3A_82 = tpu.memref_slice %arg8[%add3A_60] : memref<163840xf32, #tpu.memory_space<vmem_shared>> -> memref<640xf32, #tpu.memory_space<vmem_shared>>
        %dma_wait3A_83 = arith.constant 8320 : i32
        %dma_wait3A_84 = tpu.memref_slice %arg6[%dma_wait3A_83] : memref<10240xf32, #tpu.memory_space<vmem>> -> memref<640xf32, #tpu.memory_space<vmem>>
        %dma_wait3A_85 = tpu.memref_slice %arg8[%add3A_60] : memref<163840xf32, #tpu.memory_space<vmem_shared>> -> memref<640xf32, #tpu.memory_space<vmem_shared>>
        tpu.wait_dma2 semaphore(%run_scoped3A : memref<!tpu.dma_semaphore, #tpu.memory_space<semaphore_mem>>) src(%dma_wait3A_85 : memref<640xf32, #tpu.memory_space<vmem_shared>>) dst(%dma_wait3A_84 : memref<640xf32, #tpu.memory_space<vmem>>)
        tpu.yield
      }) : () -> ()
      %mul3A_61 = arith.constant 640 : i32
      %mul3A_62 = arith.muli %arg1, %mul3A_61 : i32
      %add3A_63 = arith.constant 143360 : i32
      %add3A_64 = arith.addi %add3A_63, %mul3A_62 : i32
      "tpu.region"() ({
        %run_scoped3A = tpu.sem_alloc : memref<!tpu.dma_semaphore, #tpu.memory_space<semaphore_mem>>
        %dma_start3A = arith.constant 8960 : i32
        %dma_start3A_76 = tpu.memref_slice %arg6[%dma_start3A] : memref<10240xf32, #tpu.memory_space<vmem>> -> memref<640xf32, #tpu.memory_space<vmem>>
        %dma_start3A_77 = tpu.memref_slice %arg8[%add3A_64] : memref<163840xf32, #tpu.memory_space<vmem_shared>> -> memref<640xf32, #tpu.memory_space<vmem_shared>>
        %dma_start3A_78 = arith.constant 8960 : i32
        %dma_start3A_79 = tpu.memref_slice %arg6[%dma_start3A_78] : memref<10240xf32, #tpu.memory_space<vmem>> -> memref<640xf32, #tpu.memory_space<vmem>>
        %dma_start3A_80 = tpu.memref_slice %arg8[%add3A_64] : memref<163840xf32, #tpu.memory_space<vmem_shared>> -> memref<640xf32, #tpu.memory_space<vmem_shared>>
        tpu.enqueue_dma source(%dma_start3A_80 : memref<640xf32, #tpu.memory_space<vmem_shared>>) target(%dma_start3A_79 : memref<640xf32, #tpu.memory_space<vmem>>) target_semaphore(%run_scoped3A : memref<!tpu.dma_semaphore, #tpu.memory_space<semaphore_mem>>)
        %dma_wait3A = arith.constant 8960 : i32
        %dma_wait3A_81 = tpu.memref_slice %arg6[%dma_wait3A] : memref<10240xf32, #tpu.memory_space<vmem>> -> memref<640xf32, #tpu.memory_space<vmem>>
        %dma_wait3A_82 = tpu.memref_slice %arg8[%add3A_64] : memref<163840xf32, #tpu.memory_space<vmem_shared>> -> memref<640xf32, #tpu.memory_space<vmem_shared>>
        %dma_wait3A_83 = arith.constant 8960 : i32
        %dma_wait3A_84 = tpu.memref_slice %arg6[%dma_wait3A_83] : memref<10240xf32, #tpu.memory_space<vmem>> -> memref<640xf32, #tpu.memory_space<vmem>>
        %dma_wait3A_85 = tpu.memref_slice %arg8[%add3A_64] : memref<163840xf32, #tpu.memory_space<vmem_shared>> -> memref<640xf32, #tpu.memory_space<vmem_shared>>
        tpu.wait_dma2 semaphore(%run_scoped3A : memref<!tpu.dma_semaphore, #tpu.memory_space<semaphore_mem>>) src(%dma_wait3A_85 : memref<640xf32, #tpu.memory_space<vmem_shared>>) dst(%dma_wait3A_84 : memref<640xf32, #tpu.memory_space<vmem>>)
        tpu.yield
      }) : () -> ()
      %mul3A_65 = arith.constant 640 : i32
      %mul3A_66 = arith.muli %arg1, %mul3A_65 : i32
      %add3A_67 = arith.constant 153600 : i32
      %add3A_68 = arith.addi %add3A_67, %mul3A_66 : i32
      "tpu.region"() ({
        %run_scoped3A = tpu.sem_alloc : memref<!tpu.dma_semaphore, #tpu.memory_space<semaphore_mem>>
        %dma_start3A = arith.constant 9600 : i32
        %dma_start3A_76 = tpu.memref_slice %arg6[%dma_start3A] : memref<10240xf32, #tpu.memory_space<vmem>> -> memref<640xf32, #tpu.memory_space<vmem>>
        %dma_start3A_77 = tpu.memref_slice %arg8[%add3A_68] : memref<163840xf32, #tpu.memory_space<vmem_shared>> -> memref<640xf32, #tpu.memory_space<vmem_shared>>
        %dma_start3A_78 = arith.constant 9600 : i32
        %dma_start3A_79 = tpu.memref_slice %arg6[%dma_start3A_78] : memref<10240xf32, #tpu.memory_space<vmem>> -> memref<640xf32, #tpu.memory_space<vmem>>
        %dma_start3A_80 = tpu.memref_slice %arg8[%add3A_68] : memref<163840xf32, #tpu.memory_space<vmem_shared>> -> memref<640xf32, #tpu.memory_space<vmem_shared>>
        tpu.enqueue_dma source(%dma_start3A_80 : memref<640xf32, #tpu.memory_space<vmem_shared>>) target(%dma_start3A_79 : memref<640xf32, #tpu.memory_space<vmem>>) target_semaphore(%run_scoped3A : memref<!tpu.dma_semaphore, #tpu.memory_space<semaphore_mem>>)
        %dma_wait3A = arith.constant 9600 : i32
        %dma_wait3A_81 = tpu.memref_slice %arg6[%dma_wait3A] : memref<10240xf32, #tpu.memory_space<vmem>> -> memref<640xf32, #tpu.memory_space<vmem>>
        %dma_wait3A_82 = tpu.memref_slice %arg8[%add3A_68] : memref<163840xf32, #tpu.memory_space<vmem_shared>> -> memref<640xf32, #tpu.memory_space<vmem_shared>>
        %dma_wait3A_83 = arith.constant 9600 : i32
        %dma_wait3A_84 = tpu.memref_slice %arg6[%dma_wait3A_83] : memref<10240xf32, #tpu.memory_space<vmem>> -> memref<640xf32, #tpu.memory_space<vmem>>
        %dma_wait3A_85 = tpu.memref_slice %arg8[%add3A_68] : memref<163840xf32, #tpu.memory_space<vmem_shared>> -> memref<640xf32, #tpu.memory_space<vmem_shared>>
        tpu.wait_dma2 semaphore(%run_scoped3A : memref<!tpu.dma_semaphore, #tpu.memory_space<semaphore_mem>>) src(%dma_wait3A_85 : memref<640xf32, #tpu.memory_space<vmem_shared>>) dst(%dma_wait3A_84 : memref<640xf32, #tpu.memory_space<vmem>>)
        tpu.yield
      }) : () -> ()
      %scan3A = arith.constant 0 : i32
      %scan3A_69 = arith.constant 0 : i32
      %scan3A_70 = arith.constant 40 : i32
      %scan3A_71 = arith.addi %scan3A_69, %scan3A_70 : i32
      %scan3A_72 = arith.constant 1 : i32
      scf.for %scan3A_76 = %scan3A_69 to %scan3A_71 step %scan3A_72  : i32 {
        %mul3A_77 = arith.constant 16 : i32
        %mul3A_78 = arith.muli %scan3A_76, %mul3A_77 : i32
        %get3A = arith.index_cast %mul3A_78 : i32 to index
        %get3A_79 = tpu.vector_load %arg6[%get3A] {strides = array<i32>} : memref<10240xf32, #tpu.memory_space<vmem>>, vector<16xf32>,
        %mul3A_80 = arith.constant 16 : i32
        %mul3A_81 = arith.muli %scan3A_76, %mul3A_80 : i32
        %add3A_82 = arith.constant 640 : i32
        %add3A_83 = arith.addi %add3A_82, %mul3A_81 : i32
        %get3A_84 = arith.index_cast %add3A_83 : i32 to index
        %get3A_85 = tpu.vector_load %arg6[%get3A_84] {strides = array<i32>} : memref<10240xf32, #tpu.memory_space<vmem>>, vector<16xf32>,
        %add3A_86 = arith.addf %get3A_79, %get3A_85 : vector<16xf32>
        %mul3A_87 = arith.constant 16 : i32
        %mul3A_88 = arith.muli %scan3A_76, %mul3A_87 : i32
        %add3A_89 = arith.constant 1280 : i32
        %add3A_90 = arith.addi %add3A_89, %mul3A_88 : i32
        %get3A_91 = arith.index_cast %add3A_90 : i32 to index
        %get3A_92 = tpu.vector_load %arg6[%get3A_91] {strides = array<i32>} : memref<10240xf32, #tpu.memory_space<vmem>>, vector<16xf32>,
        %add3A_93 = arith.addf %add3A_86, %get3A_92 : vector<16xf32>
        %mul3A_94 = arith.constant 16 : i32
        %mul3A_95 = arith.muli %scan3A_76, %mul3A_94 : i32
        %add3A_96 = arith.constant 1920 : i32
        %add3A_97 = arith.addi %add3A_96, %mul3A_95 : i32
        %get3A_98 = arith.index_cast %add3A_97 : i32 to index
        %get3A_99 = tpu.vector_load %arg6[%get3A_98] {strides = array<i32>} : memref<10240xf32, #tpu.memory_space<vmem>>, vector<16xf32>,
        %add3A_100 = arith.addf %add3A_93, %get3A_99 : vector<16xf32>
        %mul3A_101 = arith.constant 16 : i32
        %mul3A_102 = arith.muli %scan3A_76, %mul3A_101 : i32
        %add3A_103 = arith.constant 2560 : i32
        %add3A_104 = arith.addi %add3A_103, %mul3A_102 : i32
        %get3A_105 = arith.index_cast %add3A_104 : i32 to index
        %get3A_106 = tpu.vector_load %arg6[%get3A_105] {strides = array<i32>} : memref<10240xf32, #tpu.memory_space<vmem>>, vector<16xf32>,
        %add3A_107 = arith.addf %add3A_100, %get3A_106 : vector<16xf32>
        %mul3A_108 = arith.constant 16 : i32
        %mul3A_109 = arith.muli %scan3A_76, %mul3A_108 : i32
        %add3A_110 = arith.constant 3200 : i32
        %add3A_111 = arith.addi %add3A_110, %mul3A_109 : i32
        %get3A_112 = arith.index_cast %add3A_111 : i32 to index
        %get3A_113 = tpu.vector_load %arg6[%get3A_112] {strides = array<i32>} : memref<10240xf32, #tpu.memory_space<vmem>>, vector<16xf32>,
        %add3A_114 = arith.addf %add3A_107, %get3A_113 : vector<16xf32>
        %mul3A_115 = arith.constant 16 : i32
        %mul3A_116 = arith.muli %scan3A_76, %mul3A_115 : i32
        %add3A_117 = arith.constant 3840 : i32
        %add3A_118 = arith.addi %add3A_117, %mul3A_116 : i32
        %get3A_119 = arith.index_cast %add3A_118 : i32 to index
        %get3A_120 = tpu.vector_load %arg6[%get3A_119] {strides = array<i32>} : memref<10240xf32, #tpu.memory_space<vmem>>, vector<16xf32>,
        %add3A_121 = arith.addf %add3A_114, %get3A_120 : vector<16xf32>
        %mul3A_122 = arith.constant 16 : i32
        %mul3A_123 = arith.muli %scan3A_76, %mul3A_122 : i32
        %add3A_124 = arith.constant 4480 : i32
        %add3A_125 = arith.addi %add3A_124, %mul3A_123 : i32
        %get3A_126 = arith.index_cast %add3A_125 : i32 to index
        %get3A_127 = tpu.vector_load %arg6[%get3A_126] {strides = array<i32>} : memref<10240xf32, #tpu.memory_space<vmem>>, vector<16xf32>,
        %add3A_128 = arith.addf %add3A_121, %get3A_127 : vector<16xf32>
        %mul3A_129 = arith.constant 16 : i32
        %mul3A_130 = arith.muli %scan3A_76, %mul3A_129 : i32
        %add3A_131 = arith.constant 5120 : i32
        %add3A_132 = arith.addi %add3A_131, %mul3A_130 : i32
        %get3A_133 = arith.index_cast %add3A_132 : i32 to index
        %get3A_134 = tpu.vector_load %arg6[%get3A_133] {strides = array<i32>} : memref<10240xf32, #tpu.memory_space<vmem>>, vector<16xf32>,
        %add3A_135 = arith.addf %add3A_128, %get3A_134 : vector<16xf32>
        %mul3A_136 = arith.constant 16 : i32
        %mul3A_137 = arith.muli %scan3A_76, %mul3A_136 : i32
        %add3A_138 = arith.constant 5760 : i32
        %add3A_139 = arith.addi %add3A_138, %mul3A_137 : i32
        %get3A_140 = arith.index_cast %add3A_139 : i32 to index
        %get3A_141 = tpu.vector_load %arg6[%get3A_140] {strides = array<i32>} : memref<10240xf32, #tpu.memory_space<vmem>>, vector<16xf32>,
        %add3A_142 = arith.addf %add3A_135, %get3A_141 : vector<16xf32>
        %mul3A_143 = arith.constant 16 : i32
        %mul3A_144 = arith.muli %scan3A_76, %mul3A_143 : i32
        %add3A_145 = arith.constant 6400 : i32
        %add3A_146 = arith.addi %add3A_145, %mul3A_144 : i32
        %get3A_147 = arith.index_cast %add3A_146 : i32 to index
        %get3A_148 = tpu.vector_load %arg6[%get3A_147] {strides = array<i32>} : memref<10240xf32, #tpu.memory_space<vmem>>, vector<16xf32>,
        %add3A_149 = arith.addf %add3A_142, %get3A_148 : vector<16xf32>
        %mul3A_150 = arith.constant 16 : i32
        %mul3A_151 = arith.muli %scan3A_76, %mul3A_150 : i32
        %add3A_152 = arith.constant 7040 : i32
        %add3A_153 = arith.addi %add3A_152, %mul3A_151 : i32
        %get3A_154 = arith.index_cast %add3A_153 : i32 to index
        %get3A_155 = tpu.vector_load %arg6[%get3A_154] {strides = array<i32>} : memref<10240xf32, #tpu.memory_space<vmem>>, vector<16xf32>,
        %add3A_156 = arith.addf %add3A_149, %get3A_155 : vector<16xf32>
        %mul3A_157 = arith.constant 16 : i32
        %mul3A_158 = arith.muli %scan3A_76, %mul3A_157 : i32
        %add3A_159 = arith.constant 7680 : i32
        %add3A_160 = arith.addi %add3A_159, %mul3A_158 : i32
        %get3A_161 = arith.index_cast %add3A_160 : i32 to index
        %get3A_162 = tpu.vector_load %arg6[%get3A_161] {strides = array<i32>} : memref<10240xf32, #tpu.memory_space<vmem>>, vector<16xf32>,
        %add3A_163 = arith.addf %add3A_156, %get3A_162 : vector<16xf32>
        %mul3A_164 = arith.constant 16 : i32
        %mul3A_165 = arith.muli %scan3A_76, %mul3A_164 : i32
        %add3A_166 = arith.constant 8320 : i32
        %add3A_167 = arith.addi %add3A_166, %mul3A_165 : i32
        %get3A_168 = arith.index_cast %add3A_167 : i32 to index
        %get3A_169 = tpu.vector_load %arg6[%get3A_168] {strides = array<i32>} : memref<10240xf32, #tpu.memory_space<vmem>>, vector<16xf32>,
        %add3A_170 = arith.addf %add3A_163, %get3A_169 : vector<16xf32>
        %mul3A_171 = arith.constant 16 : i32
        %mul3A_172 = arith.muli %scan3A_76, %mul3A_171 : i32
        %add3A_173 = arith.constant 8960 : i32
        %add3A_174 = arith.addi %add3A_173, %mul3A_172 : i32
        %get3A_175 = arith.index_cast %add3A_174 : i32 to index
        %get3A_176 = tpu.vector_load %arg6[%get3A_175] {strides = array<i32>} : memref<10240xf32, #tpu.memory_space<vmem>>, vector<16xf32>,
        %add3A_177 = arith.addf %add3A_170, %get3A_176 : vector<16xf32>
        %mul3A_178 = arith.constant 16 : i32
        %mul3A_179 = arith.muli %scan3A_76, %mul3A_178 : i32
        %add3A_180 = arith.constant 9600 : i32
        %add3A_181 = arith.addi %add3A_180, %mul3A_179 : i32
        %get3A_182 = arith.index_cast %add3A_181 : i32 to index
        %get3A_183 = tpu.vector_load %arg6[%get3A_182] {strides = array<i32>} : memref<10240xf32, #tpu.memory_space<vmem>>, vector<16xf32>,
        %add3A_184 = arith.addf %add3A_177, %get3A_183 : vector<16xf32>
        %mul3A_185 = arith.constant 16 : i32
        %mul3A_186 = arith.muli %scan3A_76, %mul3A_185 : i32
        %swap3A = arith.index_cast %mul3A_186 : i32 to index
        %swap3A_187 = tpu.vector_load %arg7[%swap3A] {strides = array<i32>} : memref<640xf32, #tpu.memory_space<vmem>>, vector<16xf32>,
        tpu.vector_store %arg7[%swap3A], %add3A_184 {strides = array<i32>} : memref<640xf32, #tpu.memory_space<vmem>>, vector<16xf32>,
      }
      %scan3A_73 = arith.constant 40 : i32
      %mul3A_74 = arith.constant 640 : i32
      %mul3A_75 = arith.muli %arg1, %mul3A_74 : i32
      "tpu.region"() ({
        %run_scoped3A = tpu.sem_alloc : memref<!tpu.dma_semaphore, #tpu.memory_space<semaphore_mem>>
        %dma_start3A = tpu.memref_slice %arg3[%mul3A_75] : memref<10240xf32, #tpu.memory_space<hbm>> -> memref<640xf32, #tpu.memory_space<hbm>>
        %dma_start3A_76 = tpu.memref_slice %arg3[%mul3A_75] : memref<10240xf32, #tpu.memory_space<hbm>> -> memref<640xf32, #tpu.memory_space<hbm>>
        tpu.enqueue_dma source(%arg7 : memref<640xf32, #tpu.memory_space<vmem>>) target(%dma_start3A_76 : memref<640xf32, #tpu.memory_space<hbm>>) target_semaphore(%run_scoped3A : memref<!tpu.dma_semaphore, #tpu.memory_space<semaphore_mem>>)
        %dma_wait3A = tpu.memref_slice %arg3[%mul3A_75] : memref<10240xf32, #tpu.memory_space<hbm>> -> memref<640xf32, #tpu.memory_space<hbm>>
        %dma_wait3A_77 = tpu.memref_slice %arg3[%mul3A_75] : memref<10240xf32, #tpu.memory_space<hbm>> -> memref<640xf32, #tpu.memory_space<hbm>>
        tpu.wait_dma2 semaphore(%run_scoped3A : memref<!tpu.dma_semaphore, #tpu.memory_space<semaphore_mem>>) src(%arg7 : memref<640xf32, #tpu.memory_space<vmem>>) dst(%dma_wait3A_77 : memref<640xf32, #tpu.memory_space<hbm>>)
        tpu.yield
      }) : () -> ()
    } else {
    }
    return
  }
}

#map = affine_map<(d0, d1) -> (0)>
module attributes {stable_mosaic.version = 14 : i64} {
  func.func @_agg2_kernel(%arg0: i32, %arg1: i32, %arg2: memref<320000xi32, #tpu.memory_space<hbm>>, %arg3: memref<320000xi32, #tpu.memory_space<hbm>>, %arg4: memref<10240xf32, #tpu.memory_space<hbm>>, %arg5: memref<10240xf32, #tpu.memory_space<hbm>>, %arg6: memref<16xf32, #tpu.memory_space<hbm>>, %arg7: memref<10240xf32, #tpu.memory_space<hbm>>, %arg8: memref<20000xi32, #tpu.memory_space<vmem>>, %arg9: memref<20000xi32, #tpu.memory_space<vmem>>, %arg10: memref<10240xf32, #tpu.memory_space<vmem>>, %arg11: memref<10240xf32, #tpu.memory_space<vmem>>, %arg12: memref<10240xf32, #tpu.memory_space<vmem>>, %arg13: memref<10240xf32, #tpu.memory_space<vmem>>, %arg14: memref<640xf32, #tpu.memory_space<vmem>>, %arg15: memref<16xf32, #tpu.memory_space<vmem>>, %arg16: memref<163840xf32, #tpu.memory_space<vmem_shared>>) attributes {dimension_semantics = [#tpu.dimension_semantics<core_parallel>, #tpu.dimension_semantics<subcore_parallel>], iteration_bounds = array<i64: 2, 16>, scalar_prefetch = 0 : i64, scratch_operands = 9 : i64, tpu.core_type = #tpu.core_type<sc_vector_subcore>, window_params = [{transform_indices = #map}, {transform_indices = #map}, {transform_indices = #map}, {transform_indices = #map}, {transform_indices = #map}, {transform_indices = #map}]} {
    %eq3A = arith.constant 0 : i32
    %eq3A_0 = arith.cmpi eq, %arg0, %eq3A : i32
    %convert_element_type3A = arith.extui %eq3A_0 : i1 to i32
    %cond3A = arith.constant 0 : i32
    %cond3A_1 = arith.cmpi ne, %convert_element_type3A, %cond3A : i32
    scf.if %cond3A_1 {
      %mul3A = arith.constant 20000 : i32
      %mul3A_7 = arith.muli %arg1, %mul3A : i32
      "tpu.region"() ({
        %run_scoped3A = tpu.sem_alloc : memref<!tpu.dma_semaphore, #tpu.memory_space<semaphore_mem>>
        %dma_start3A = tpu.memref_slice %arg2[%mul3A_7] : memref<320000xi32, #tpu.memory_space<hbm>> -> memref<20000xi32, #tpu.memory_space<hbm>>
        %dma_start3A_23 = tpu.memref_slice %arg2[%mul3A_7] : memref<320000xi32, #tpu.memory_space<hbm>> -> memref<20000xi32, #tpu.memory_space<hbm>>
        tpu.enqueue_dma source(%dma_start3A_23 : memref<20000xi32, #tpu.memory_space<hbm>>) target(%arg8 : memref<20000xi32, #tpu.memory_space<vmem>>) target_semaphore(%run_scoped3A : memref<!tpu.dma_semaphore, #tpu.memory_space<semaphore_mem>>)
        %dma_wait3A = tpu.memref_slice %arg2[%mul3A_7] : memref<320000xi32, #tpu.memory_space<hbm>> -> memref<20000xi32, #tpu.memory_space<hbm>>
        %dma_wait3A_24 = tpu.memref_slice %arg2[%mul3A_7] : memref<320000xi32, #tpu.memory_space<hbm>> -> memref<20000xi32, #tpu.memory_space<hbm>>
        tpu.wait_dma2 semaphore(%run_scoped3A : memref<!tpu.dma_semaphore, #tpu.memory_space<semaphore_mem>>) src(%dma_wait3A_24 : memref<20000xi32, #tpu.memory_space<hbm>>) dst(%arg8 : memref<20000xi32, #tpu.memory_space<vmem>>)
        tpu.yield
      }) : () -> ()
      %mul3A_8 = arith.constant 20000 : i32
      %mul3A_9 = arith.muli %arg1, %mul3A_8 : i32
      "tpu.region"() ({
        %run_scoped3A = tpu.sem_alloc : memref<!tpu.dma_semaphore, #tpu.memory_space<semaphore_mem>>
        %dma_start3A = tpu.memref_slice %arg3[%mul3A_9] : memref<320000xi32, #tpu.memory_space<hbm>> -> memref<20000xi32, #tpu.memory_space<hbm>>
        %dma_start3A_23 = tpu.memref_slice %arg3[%mul3A_9] : memref<320000xi32, #tpu.memory_space<hbm>> -> memref<20000xi32, #tpu.memory_space<hbm>>
        tpu.enqueue_dma source(%dma_start3A_23 : memref<20000xi32, #tpu.memory_space<hbm>>) target(%arg9 : memref<20000xi32, #tpu.memory_space<vmem>>) target_semaphore(%run_scoped3A : memref<!tpu.dma_semaphore, #tpu.memory_space<semaphore_mem>>)
        %dma_wait3A = tpu.memref_slice %arg3[%mul3A_9] : memref<320000xi32, #tpu.memory_space<hbm>> -> memref<20000xi32, #tpu.memory_space<hbm>>
        %dma_wait3A_24 = tpu.memref_slice %arg3[%mul3A_9] : memref<320000xi32, #tpu.memory_space<hbm>> -> memref<20000xi32, #tpu.memory_space<hbm>>
        tpu.wait_dma2 semaphore(%run_scoped3A : memref<!tpu.dma_semaphore, #tpu.memory_space<semaphore_mem>>) src(%dma_wait3A_24 : memref<20000xi32, #tpu.memory_space<hbm>>) dst(%arg9 : memref<20000xi32, #tpu.memory_space<vmem>>)
        tpu.yield
      }) : () -> ()
      "tpu.region"() ({
        %run_scoped3A = tpu.sem_alloc : memref<!tpu.dma_semaphore, #tpu.memory_space<semaphore_mem>>
        tpu.enqueue_dma source(%arg4 : memref<10240xf32, #tpu.memory_space<hbm>>) target(%arg10 : memref<10240xf32, #tpu.memory_space<vmem>>) target_semaphore(%run_scoped3A : memref<!tpu.dma_semaphore, #tpu.memory_space<semaphore_mem>>)
        tpu.wait_dma2 semaphore(%run_scoped3A : memref<!tpu.dma_semaphore, #tpu.memory_space<semaphore_mem>>) src(%arg4 : memref<10240xf32, #tpu.memory_space<hbm>>) dst(%arg10 : memref<10240xf32, #tpu.memory_space<vmem>>)
        tpu.yield
      }) : () -> ()
      %scan3A = arith.constant 0 : i32
      %scan3A_10 = arith.constant 0 : i32
      %scan3A_11 = arith.constant 640 : i32
      %scan3A_12 = arith.addi %scan3A_10, %scan3A_11 : i32
      %scan3A_13 = arith.constant 1 : i32
      scf.for %scan3A_23 = %scan3A_10 to %scan3A_12 step %scan3A_13  : i32 {
        %broadcast_in_dim3A = arith.constant 0.000000e+00 : f32
        %broadcast_in_dim3A_24 = vector.broadcast %broadcast_in_dim3A : f32 to vector<16xf32>
        %mul3A_25 = arith.constant 16 : i32
        %mul3A_26 = arith.muli %scan3A_23, %mul3A_25 : i32
        %swap3A = arith.index_cast %mul3A_26 : i32 to index
        %swap3A_27 = tpu.vector_load %arg11[%swap3A] {strides = array<i32>} : memref<10240xf32, #tpu.memory_space<vmem>>, vector<16xf32>,
        tpu.vector_store %arg11[%swap3A], %broadcast_in_dim3A_24 {strides = array<i32>} : memref<10240xf32, #tpu.memory_space<vmem>>, vector<16xf32>,
      }
      %scan3A_14 = arith.constant 640 : i32
      %scan3A_15 = arith.constant 0 : i32
      %scan3A_16 = arith.constant 0 : i32
      %scan3A_17 = arith.constant 250 : i32
      %scan3A_18 = arith.addi %scan3A_16, %scan3A_17 : i32
      %scan3A_19 = arith.constant 1 : i32
      scf.for %scan3A_23 = %scan3A_16 to %scan3A_18 step %scan3A_19  : i32 {
        %mul3A_24 = arith.constant 80 : i32
        %mul3A_25 = arith.muli %scan3A_23, %mul3A_24 : i32
        %add3A = arith.constant 0 : i32
        %add3A_26 = arith.addi %mul3A_25, %add3A : i32
        %get3A = arith.index_cast %add3A_26 : i32 to index
        %get3A_27 = tpu.vector_load %arg8[%get3A] {strides = array<i32>} : memref<20000xi32, #tpu.memory_space<vmem>>, vector<16xi32>,
        %get3A_28 = arith.index_cast %add3A_26 : i32 to index
        %get3A_29 = tpu.vector_load %arg9[%get3A_28] {strides = array<i32>} : memref<20000xi32, #tpu.memory_space<vmem>>, vector<16xi32>,
        %gather3A = tpu.vector_load_idx %arg10[%get3A_27] : memref<10240xf32, #tpu.memory_space<vmem>>[vector<16xi32>], vector<16xf32>,
        tpu.vector_store_idx %arg11[%get3A_29], %gather3A {add = true} : memref<10240xf32, #tpu.memory_space<vmem>>[vector<16xi32>], vector<16xf32>,
        %mul3A_30 = arith.constant 80 : i32
        %mul3A_31 = arith.muli %scan3A_23, %mul3A_30 : i32
        %add3A_32 = arith.constant 16 : i32
        %add3A_33 = arith.addi %mul3A_31, %add3A_32 : i32
        %get3A_34 = arith.index_cast %add3A_33 : i32 to index
        %get3A_35 = tpu.vector_load %arg8[%get3A_34] {strides = array<i32>} : memref<20000xi32, #tpu.memory_space<vmem>>, vector<16xi32>,
        %get3A_36 = arith.index_cast %add3A_33 : i32 to index
        %get3A_37 = tpu.vector_load %arg9[%get3A_36] {strides = array<i32>} : memref<20000xi32, #tpu.memory_space<vmem>>, vector<16xi32>,
        %gather3A_38 = tpu.vector_load_idx %arg10[%get3A_35] : memref<10240xf32, #tpu.memory_space<vmem>>[vector<16xi32>], vector<16xf32>,
        tpu.vector_store_idx %arg11[%get3A_37], %gather3A_38 {add = true} : memref<10240xf32, #tpu.memory_space<vmem>>[vector<16xi32>], vector<16xf32>,
        %mul3A_39 = arith.constant 80 : i32
        %mul3A_40 = arith.muli %scan3A_23, %mul3A_39 : i32
        %add3A_41 = arith.constant 32 : i32
        %add3A_42 = arith.addi %mul3A_40, %add3A_41 : i32
        %get3A_43 = arith.index_cast %add3A_42 : i32 to index
        %get3A_44 = tpu.vector_load %arg8[%get3A_43] {strides = array<i32>} : memref<20000xi32, #tpu.memory_space<vmem>>, vector<16xi32>,
        %get3A_45 = arith.index_cast %add3A_42 : i32 to index
        %get3A_46 = tpu.vector_load %arg9[%get3A_45] {strides = array<i32>} : memref<20000xi32, #tpu.memory_space<vmem>>, vector<16xi32>,
        %gather3A_47 = tpu.vector_load_idx %arg10[%get3A_44] : memref<10240xf32, #tpu.memory_space<vmem>>[vector<16xi32>], vector<16xf32>,
        tpu.vector_store_idx %arg11[%get3A_46], %gather3A_47 {add = true} : memref<10240xf32, #tpu.memory_space<vmem>>[vector<16xi32>], vector<16xf32>,
        %mul3A_48 = arith.constant 80 : i32
        %mul3A_49 = arith.muli %scan3A_23, %mul3A_48 : i32
        %add3A_50 = arith.constant 48 : i32
        %add3A_51 = arith.addi %mul3A_49, %add3A_50 : i32
        %get3A_52 = arith.index_cast %add3A_51 : i32 to index
        %get3A_53 = tpu.vector_load %arg8[%get3A_52] {strides = array<i32>} : memref<20000xi32, #tpu.memory_space<vmem>>, vector<16xi32>,
        %get3A_54 = arith.index_cast %add3A_51 : i32 to index
        %get3A_55 = tpu.vector_load %arg9[%get3A_54] {strides = array<i32>} : memref<20000xi32, #tpu.memory_space<vmem>>, vector<16xi32>,
        %gather3A_56 = tpu.vector_load_idx %arg10[%get3A_53] : memref<10240xf32, #tpu.memory_space<vmem>>[vector<16xi32>], vector<16xf32>,
        tpu.vector_store_idx %arg11[%get3A_55], %gather3A_56 {add = true} : memref<10240xf32, #tpu.memory_space<vmem>>[vector<16xi32>], vector<16xf32>,
        %mul3A_57 = arith.constant 80 : i32
        %mul3A_58 = arith.muli %scan3A_23, %mul3A_57 : i32
        %add3A_59 = arith.constant 64 : i32
        %add3A_60 = arith.addi %mul3A_58, %add3A_59 : i32
        %get3A_61 = arith.index_cast %add3A_60 : i32 to index
        %get3A_62 = tpu.vector_load %arg8[%get3A_61] {strides = array<i32>} : memref<20000xi32, #tpu.memory_space<vmem>>, vector<16xi32>,
        %get3A_63 = arith.index_cast %add3A_60 : i32 to index
        %get3A_64 = tpu.vector_load %arg9[%get3A_63] {strides = array<i32>} : memref<20000xi32, #tpu.memory_space<vmem>>, vector<16xi32>,
        %gather3A_65 = tpu.vector_load_idx %arg10[%get3A_62] : memref<10240xf32, #tpu.memory_space<vmem>>[vector<16xi32>], vector<16xf32>,
        tpu.vector_store_idx %arg11[%get3A_64], %gather3A_65 {add = true} : memref<10240xf32, #tpu.memory_space<vmem>>[vector<16xi32>], vector<16xf32>,
      }
      %scan3A_20 = arith.constant 250 : i32
      %mul3A_21 = arith.constant 10240 : i32
      %mul3A_22 = arith.muli %arg1, %mul3A_21 : i32
      "tpu.region"() ({
        %run_scoped3A = tpu.sem_alloc : memref<!tpu.dma_semaphore, #tpu.memory_space<semaphore_mem>>
        %dma_start3A = tpu.memref_slice %arg16[%mul3A_22] : memref<163840xf32, #tpu.memory_space<vmem_shared>> -> memref<10240xf32, #tpu.memory_space<vmem_shared>>
        %dma_start3A_23 = tpu.memref_slice %arg16[%mul3A_22] : memref<163840xf32, #tpu.memory_space<vmem_shared>> -> memref<10240xf32, #tpu.memory_space<vmem_shared>>
        tpu.enqueue_dma source(%arg11 : memref<10240xf32, #tpu.memory_space<vmem>>) target(%dma_start3A_23 : memref<10240xf32, #tpu.memory_space<vmem_shared>>) target_semaphore(%run_scoped3A : memref<!tpu.dma_semaphore, #tpu.memory_space<semaphore_mem>>)
        %dma_wait3A = tpu.memref_slice %arg16[%mul3A_22] : memref<163840xf32, #tpu.memory_space<vmem_shared>> -> memref<10240xf32, #tpu.memory_space<vmem_shared>>
        %dma_wait3A_24 = tpu.memref_slice %arg16[%mul3A_22] : memref<163840xf32, #tpu.memory_space<vmem_shared>> -> memref<10240xf32, #tpu.memory_space<vmem_shared>>
        tpu.wait_dma2 semaphore(%run_scoped3A : memref<!tpu.dma_semaphore, #tpu.memory_space<semaphore_mem>>) src(%arg11 : memref<10240xf32, #tpu.memory_space<vmem>>) dst(%dma_wait3A_24 : memref<10240xf32, #tpu.memory_space<vmem_shared>>)
        tpu.yield
      }) : () -> ()
    } else {
    }
    %barrier3A = arith.constant 0 : index
    tpu.barrier barrier_id(%barrier3A)
    %eq3A_2 = arith.constant 0 : i32
    %eq3A_3 = arith.cmpi eq, %arg0, %eq3A_2 : i32
    %convert_element_type3A_4 = arith.extui %eq3A_3 : i1 to i32
    %cond3A_5 = arith.constant 0 : i32
    %cond3A_6 = arith.cmpi ne, %convert_element_type3A_4, %cond3A_5 : i32
    scf.if %cond3A_6 {
      "tpu.region"() ({
        %run_scoped3A = tpu.sem_alloc : memref<!tpu.dma_semaphore, #tpu.memory_space<semaphore_mem>>
        tpu.enqueue_dma source(%arg5 : memref<10240xf32, #tpu.memory_space<hbm>>) target(%arg12 : memref<10240xf32, #tpu.memory_space<vmem>>) target_semaphore(%run_scoped3A : memref<!tpu.dma_semaphore, #tpu.memory_space<semaphore_mem>>)
        tpu.wait_dma2 semaphore(%run_scoped3A : memref<!tpu.dma_semaphore, #tpu.memory_space<semaphore_mem>>) src(%arg5 : memref<10240xf32, #tpu.memory_space<hbm>>) dst(%arg12 : memref<10240xf32, #tpu.memory_space<vmem>>)
        tpu.yield
      }) : () -> ()
      "tpu.region"() ({
        %run_scoped3A = tpu.sem_alloc : memref<!tpu.dma_semaphore, #tpu.memory_space<semaphore_mem>>
        tpu.enqueue_dma source(%arg6 : memref<16xf32, #tpu.memory_space<hbm>>) target(%arg15 : memref<16xf32, #tpu.memory_space<vmem>>) target_semaphore(%run_scoped3A : memref<!tpu.dma_semaphore, #tpu.memory_space<semaphore_mem>>)
        tpu.wait_dma2 semaphore(%run_scoped3A : memref<!tpu.dma_semaphore, #tpu.memory_space<semaphore_mem>>) src(%arg6 : memref<16xf32, #tpu.memory_space<hbm>>) dst(%arg15 : memref<16xf32, #tpu.memory_space<vmem>>)
        tpu.yield
      }) : () -> ()
      %mul3A = arith.constant 640 : i32
      %mul3A_7 = arith.muli %arg1, %mul3A : i32
      %add3A = arith.constant 0 : i32
      %add3A_8 = arith.addi %add3A, %mul3A_7 : i32
      "tpu.region"() ({
        %run_scoped3A = tpu.sem_alloc : memref<!tpu.dma_semaphore, #tpu.memory_space<semaphore_mem>>
        %dma_start3A = arith.constant 0 : i32
        %dma_start3A_77 = tpu.memref_slice %arg13[%dma_start3A] : memref<10240xf32, #tpu.memory_space<vmem>> -> memref<640xf32, #tpu.memory_space<vmem>>
        %dma_start3A_78 = tpu.memref_slice %arg16[%add3A_8] : memref<163840xf32, #tpu.memory_space<vmem_shared>> -> memref<640xf32, #tpu.memory_space<vmem_shared>>
        %dma_start3A_79 = arith.constant 0 : i32
        %dma_start3A_80 = tpu.memref_slice %arg13[%dma_start3A_79] : memref<10240xf32, #tpu.memory_space<vmem>> -> memref<640xf32, #tpu.memory_space<vmem>>
        %dma_start3A_81 = tpu.memref_slice %arg16[%add3A_8] : memref<163840xf32, #tpu.memory_space<vmem_shared>> -> memref<640xf32, #tpu.memory_space<vmem_shared>>
        tpu.enqueue_dma source(%dma_start3A_81 : memref<640xf32, #tpu.memory_space<vmem_shared>>) target(%dma_start3A_80 : memref<640xf32, #tpu.memory_space<vmem>>) target_semaphore(%run_scoped3A : memref<!tpu.dma_semaphore, #tpu.memory_space<semaphore_mem>>)
        %dma_wait3A = arith.constant 0 : i32
        %dma_wait3A_82 = tpu.memref_slice %arg13[%dma_wait3A] : memref<10240xf32, #tpu.memory_space<vmem>> -> memref<640xf32, #tpu.memory_space<vmem>>
        %dma_wait3A_83 = tpu.memref_slice %arg16[%add3A_8] : memref<163840xf32, #tpu.memory_space<vmem_shared>> -> memref<640xf32, #tpu.memory_space<vmem_shared>>
        %dma_wait3A_84 = arith.constant 0 : i32
        %dma_wait3A_85 = tpu.memref_slice %arg13[%dma_wait3A_84] : memref<10240xf32, #tpu.memory_space<vmem>> -> memref<640xf32, #tpu.memory_space<vmem>>
        %dma_wait3A_86 = tpu.memref_slice %arg16[%add3A_8] : memref<163840xf32, #tpu.memory_space<vmem_shared>> -> memref<640xf32, #tpu.memory_space<vmem_shared>>
        tpu.wait_dma2 semaphore(%run_scoped3A : memref<!tpu.dma_semaphore, #tpu.memory_space<semaphore_mem>>) src(%dma_wait3A_86 : memref<640xf32, #tpu.memory_space<vmem_shared>>) dst(%dma_wait3A_85 : memref<640xf32, #tpu.memory_space<vmem>>)
        tpu.yield
      }) : () -> ()
      %mul3A_9 = arith.constant 640 : i32
      %mul3A_10 = arith.muli %arg1, %mul3A_9 : i32
      %add3A_11 = arith.constant 10240 : i32
      %add3A_12 = arith.addi %add3A_11, %mul3A_10 : i32
      "tpu.region"() ({
        %run_scoped3A = tpu.sem_alloc : memref<!tpu.dma_semaphore, #tpu.memory_space<semaphore_mem>>
        %dma_start3A = arith.constant 640 : i32
        %dma_start3A_77 = tpu.memref_slice %arg13[%dma_start3A] : memref<10240xf32, #tpu.memory_space<vmem>> -> memref<640xf32, #tpu.memory_space<vmem>>
        %dma_start3A_78 = tpu.memref_slice %arg16[%add3A_12] : memref<163840xf32, #tpu.memory_space<vmem_shared>> -> memref<640xf32, #tpu.memory_space<vmem_shared>>
        %dma_start3A_79 = arith.constant 640 : i32
        %dma_start3A_80 = tpu.memref_slice %arg13[%dma_start3A_79] : memref<10240xf32, #tpu.memory_space<vmem>> -> memref<640xf32, #tpu.memory_space<vmem>>
        %dma_start3A_81 = tpu.memref_slice %arg16[%add3A_12] : memref<163840xf32, #tpu.memory_space<vmem_shared>> -> memref<640xf32, #tpu.memory_space<vmem_shared>>
        tpu.enqueue_dma source(%dma_start3A_81 : memref<640xf32, #tpu.memory_space<vmem_shared>>) target(%dma_start3A_80 : memref<640xf32, #tpu.memory_space<vmem>>) target_semaphore(%run_scoped3A : memref<!tpu.dma_semaphore, #tpu.memory_space<semaphore_mem>>)
        %dma_wait3A = arith.constant 640 : i32
        %dma_wait3A_82 = tpu.memref_slice %arg13[%dma_wait3A] : memref<10240xf32, #tpu.memory_space<vmem>> -> memref<640xf32, #tpu.memory_space<vmem>>
        %dma_wait3A_83 = tpu.memref_slice %arg16[%add3A_12] : memref<163840xf32, #tpu.memory_space<vmem_shared>> -> memref<640xf32, #tpu.memory_space<vmem_shared>>
        %dma_wait3A_84 = arith.constant 640 : i32
        %dma_wait3A_85 = tpu.memref_slice %arg13[%dma_wait3A_84] : memref<10240xf32, #tpu.memory_space<vmem>> -> memref<640xf32, #tpu.memory_space<vmem>>
        %dma_wait3A_86 = tpu.memref_slice %arg16[%add3A_12] : memref<163840xf32, #tpu.memory_space<vmem_shared>> -> memref<640xf32, #tpu.memory_space<vmem_shared>>
        tpu.wait_dma2 semaphore(%run_scoped3A : memref<!tpu.dma_semaphore, #tpu.memory_space<semaphore_mem>>) src(%dma_wait3A_86 : memref<640xf32, #tpu.memory_space<vmem_shared>>) dst(%dma_wait3A_85 : memref<640xf32, #tpu.memory_space<vmem>>)
        tpu.yield
      }) : () -> ()
      %mul3A_13 = arith.constant 640 : i32
      %mul3A_14 = arith.muli %arg1, %mul3A_13 : i32
      %add3A_15 = arith.constant 20480 : i32
      %add3A_16 = arith.addi %add3A_15, %mul3A_14 : i32
      "tpu.region"() ({
        %run_scoped3A = tpu.sem_alloc : memref<!tpu.dma_semaphore, #tpu.memory_space<semaphore_mem>>
        %dma_start3A = arith.constant 1280 : i32
        %dma_start3A_77 = tpu.memref_slice %arg13[%dma_start3A] : memref<10240xf32, #tpu.memory_space<vmem>> -> memref<640xf32, #tpu.memory_space<vmem>>
        %dma_start3A_78 = tpu.memref_slice %arg16[%add3A_16] : memref<163840xf32, #tpu.memory_space<vmem_shared>> -> memref<640xf32, #tpu.memory_space<vmem_shared>>
        %dma_start3A_79 = arith.constant 1280 : i32
        %dma_start3A_80 = tpu.memref_slice %arg13[%dma_start3A_79] : memref<10240xf32, #tpu.memory_space<vmem>> -> memref<640xf32, #tpu.memory_space<vmem>>
        %dma_start3A_81 = tpu.memref_slice %arg16[%add3A_16] : memref<163840xf32, #tpu.memory_space<vmem_shared>> -> memref<640xf32, #tpu.memory_space<vmem_shared>>
        tpu.enqueue_dma source(%dma_start3A_81 : memref<640xf32, #tpu.memory_space<vmem_shared>>) target(%dma_start3A_80 : memref<640xf32, #tpu.memory_space<vmem>>) target_semaphore(%run_scoped3A : memref<!tpu.dma_semaphore, #tpu.memory_space<semaphore_mem>>)
        %dma_wait3A = arith.constant 1280 : i32
        %dma_wait3A_82 = tpu.memref_slice %arg13[%dma_wait3A] : memref<10240xf32, #tpu.memory_space<vmem>> -> memref<640xf32, #tpu.memory_space<vmem>>
        %dma_wait3A_83 = tpu.memref_slice %arg16[%add3A_16] : memref<163840xf32, #tpu.memory_space<vmem_shared>> -> memref<640xf32, #tpu.memory_space<vmem_shared>>
        %dma_wait3A_84 = arith.constant 1280 : i32
        %dma_wait3A_85 = tpu.memref_slice %arg13[%dma_wait3A_84] : memref<10240xf32, #tpu.memory_space<vmem>> -> memref<640xf32, #tpu.memory_space<vmem>>
        %dma_wait3A_86 = tpu.memref_slice %arg16[%add3A_16] : memref<163840xf32, #tpu.memory_space<vmem_shared>> -> memref<640xf32, #tpu.memory_space<vmem_shared>>
        tpu.wait_dma2 semaphore(%run_scoped3A : memref<!tpu.dma_semaphore, #tpu.memory_space<semaphore_mem>>) src(%dma_wait3A_86 : memref<640xf32, #tpu.memory_space<vmem_shared>>) dst(%dma_wait3A_85 : memref<640xf32, #tpu.memory_space<vmem>>)
        tpu.yield
      }) : () -> ()
      %mul3A_17 = arith.constant 640 : i32
      %mul3A_18 = arith.muli %arg1, %mul3A_17 : i32
      %add3A_19 = arith.constant 30720 : i32
      %add3A_20 = arith.addi %add3A_19, %mul3A_18 : i32
      "tpu.region"() ({
        %run_scoped3A = tpu.sem_alloc : memref<!tpu.dma_semaphore, #tpu.memory_space<semaphore_mem>>
        %dma_start3A = arith.constant 1920 : i32
        %dma_start3A_77 = tpu.memref_slice %arg13[%dma_start3A] : memref<10240xf32, #tpu.memory_space<vmem>> -> memref<640xf32, #tpu.memory_space<vmem>>
        %dma_start3A_78 = tpu.memref_slice %arg16[%add3A_20] : memref<163840xf32, #tpu.memory_space<vmem_shared>> -> memref<640xf32, #tpu.memory_space<vmem_shared>>
        %dma_start3A_79 = arith.constant 1920 : i32
        %dma_start3A_80 = tpu.memref_slice %arg13[%dma_start3A_79] : memref<10240xf32, #tpu.memory_space<vmem>> -> memref<640xf32, #tpu.memory_space<vmem>>
        %dma_start3A_81 = tpu.memref_slice %arg16[%add3A_20] : memref<163840xf32, #tpu.memory_space<vmem_shared>> -> memref<640xf32, #tpu.memory_space<vmem_shared>>
        tpu.enqueue_dma source(%dma_start3A_81 : memref<640xf32, #tpu.memory_space<vmem_shared>>) target(%dma_start3A_80 : memref<640xf32, #tpu.memory_space<vmem>>) target_semaphore(%run_scoped3A : memref<!tpu.dma_semaphore, #tpu.memory_space<semaphore_mem>>)
        %dma_wait3A = arith.constant 1920 : i32
        %dma_wait3A_82 = tpu.memref_slice %arg13[%dma_wait3A] : memref<10240xf32, #tpu.memory_space<vmem>> -> memref<640xf32, #tpu.memory_space<vmem>>
        %dma_wait3A_83 = tpu.memref_slice %arg16[%add3A_20] : memref<163840xf32, #tpu.memory_space<vmem_shared>> -> memref<640xf32, #tpu.memory_space<vmem_shared>>
        %dma_wait3A_84 = arith.constant 1920 : i32
        %dma_wait3A_85 = tpu.memref_slice %arg13[%dma_wait3A_84] : memref<10240xf32, #tpu.memory_space<vmem>> -> memref<640xf32, #tpu.memory_space<vmem>>
        %dma_wait3A_86 = tpu.memref_slice %arg16[%add3A_20] : memref<163840xf32, #tpu.memory_space<vmem_shared>> -> memref<640xf32, #tpu.memory_space<vmem_shared>>
        tpu.wait_dma2 semaphore(%run_scoped3A : memref<!tpu.dma_semaphore, #tpu.memory_space<semaphore_mem>>) src(%dma_wait3A_86 : memref<640xf32, #tpu.memory_space<vmem_shared>>) dst(%dma_wait3A_85 : memref<640xf32, #tpu.memory_space<vmem>>)
        tpu.yield
      }) : () -> ()
      %mul3A_21 = arith.constant 640 : i32
      %mul3A_22 = arith.muli %arg1, %mul3A_21 : i32
      %add3A_23 = arith.constant 40960 : i32
      %add3A_24 = arith.addi %add3A_23, %mul3A_22 : i32
      "tpu.region"() ({
        %run_scoped3A = tpu.sem_alloc : memref<!tpu.dma_semaphore, #tpu.memory_space<semaphore_mem>>
        %dma_start3A = arith.constant 2560 : i32
        %dma_start3A_77 = tpu.memref_slice %arg13[%dma_start3A] : memref<10240xf32, #tpu.memory_space<vmem>> -> memref<640xf32, #tpu.memory_space<vmem>>
        %dma_start3A_78 = tpu.memref_slice %arg16[%add3A_24] : memref<163840xf32, #tpu.memory_space<vmem_shared>> -> memref<640xf32, #tpu.memory_space<vmem_shared>>
        %dma_start3A_79 = arith.constant 2560 : i32
        %dma_start3A_80 = tpu.memref_slice %arg13[%dma_start3A_79] : memref<10240xf32, #tpu.memory_space<vmem>> -> memref<640xf32, #tpu.memory_space<vmem>>
        %dma_start3A_81 = tpu.memref_slice %arg16[%add3A_24] : memref<163840xf32, #tpu.memory_space<vmem_shared>> -> memref<640xf32, #tpu.memory_space<vmem_shared>>
        tpu.enqueue_dma source(%dma_start3A_81 : memref<640xf32, #tpu.memory_space<vmem_shared>>) target(%dma_start3A_80 : memref<640xf32, #tpu.memory_space<vmem>>) target_semaphore(%run_scoped3A : memref<!tpu.dma_semaphore, #tpu.memory_space<semaphore_mem>>)
        %dma_wait3A = arith.constant 2560 : i32
        %dma_wait3A_82 = tpu.memref_slice %arg13[%dma_wait3A] : memref<10240xf32, #tpu.memory_space<vmem>> -> memref<640xf32, #tpu.memory_space<vmem>>
        %dma_wait3A_83 = tpu.memref_slice %arg16[%add3A_24] : memref<163840xf32, #tpu.memory_space<vmem_shared>> -> memref<640xf32, #tpu.memory_space<vmem_shared>>
        %dma_wait3A_84 = arith.constant 2560 : i32
        %dma_wait3A_85 = tpu.memref_slice %arg13[%dma_wait3A_84] : memref<10240xf32, #tpu.memory_space<vmem>> -> memref<640xf32, #tpu.memory_space<vmem>>
        %dma_wait3A_86 = tpu.memref_slice %arg16[%add3A_24] : memref<163840xf32, #tpu.memory_space<vmem_shared>> -> memref<640xf32, #tpu.memory_space<vmem_shared>>
        tpu.wait_dma2 semaphore(%run_scoped3A : memref<!tpu.dma_semaphore, #tpu.memory_space<semaphore_mem>>) src(%dma_wait3A_86 : memref<640xf32, #tpu.memory_space<vmem_shared>>) dst(%dma_wait3A_85 : memref<640xf32, #tpu.memory_space<vmem>>)
        tpu.yield
      }) : () -> ()
      %mul3A_25 = arith.constant 640 : i32
      %mul3A_26 = arith.muli %arg1, %mul3A_25 : i32
      %add3A_27 = arith.constant 51200 : i32
      %add3A_28 = arith.addi %add3A_27, %mul3A_26 : i32
      "tpu.region"() ({
        %run_scoped3A = tpu.sem_alloc : memref<!tpu.dma_semaphore, #tpu.memory_space<semaphore_mem>>
        %dma_start3A = arith.constant 3200 : i32
        %dma_start3A_77 = tpu.memref_slice %arg13[%dma_start3A] : memref<10240xf32, #tpu.memory_space<vmem>> -> memref<640xf32, #tpu.memory_space<vmem>>
        %dma_start3A_78 = tpu.memref_slice %arg16[%add3A_28] : memref<163840xf32, #tpu.memory_space<vmem_shared>> -> memref<640xf32, #tpu.memory_space<vmem_shared>>
        %dma_start3A_79 = arith.constant 3200 : i32
        %dma_start3A_80 = tpu.memref_slice %arg13[%dma_start3A_79] : memref<10240xf32, #tpu.memory_space<vmem>> -> memref<640xf32, #tpu.memory_space<vmem>>
        %dma_start3A_81 = tpu.memref_slice %arg16[%add3A_28] : memref<163840xf32, #tpu.memory_space<vmem_shared>> -> memref<640xf32, #tpu.memory_space<vmem_shared>>
        tpu.enqueue_dma source(%dma_start3A_81 : memref<640xf32, #tpu.memory_space<vmem_shared>>) target(%dma_start3A_80 : memref<640xf32, #tpu.memory_space<vmem>>) target_semaphore(%run_scoped3A : memref<!tpu.dma_semaphore, #tpu.memory_space<semaphore_mem>>)
        %dma_wait3A = arith.constant 3200 : i32
        %dma_wait3A_82 = tpu.memref_slice %arg13[%dma_wait3A] : memref<10240xf32, #tpu.memory_space<vmem>> -> memref<640xf32, #tpu.memory_space<vmem>>
        %dma_wait3A_83 = tpu.memref_slice %arg16[%add3A_28] : memref<163840xf32, #tpu.memory_space<vmem_shared>> -> memref<640xf32, #tpu.memory_space<vmem_shared>>
        %dma_wait3A_84 = arith.constant 3200 : i32
        %dma_wait3A_85 = tpu.memref_slice %arg13[%dma_wait3A_84] : memref<10240xf32, #tpu.memory_space<vmem>> -> memref<640xf32, #tpu.memory_space<vmem>>
        %dma_wait3A_86 = tpu.memref_slice %arg16[%add3A_28] : memref<163840xf32, #tpu.memory_space<vmem_shared>> -> memref<640xf32, #tpu.memory_space<vmem_shared>>
        tpu.wait_dma2 semaphore(%run_scoped3A : memref<!tpu.dma_semaphore, #tpu.memory_space<semaphore_mem>>) src(%dma_wait3A_86 : memref<640xf32, #tpu.memory_space<vmem_shared>>) dst(%dma_wait3A_85 : memref<640xf32, #tpu.memory_space<vmem>>)
        tpu.yield
      }) : () -> ()
      %mul3A_29 = arith.constant 640 : i32
      %mul3A_30 = arith.muli %arg1, %mul3A_29 : i32
      %add3A_31 = arith.constant 61440 : i32
      %add3A_32 = arith.addi %add3A_31, %mul3A_30 : i32
      "tpu.region"() ({
        %run_scoped3A = tpu.sem_alloc : memref<!tpu.dma_semaphore, #tpu.memory_space<semaphore_mem>>
        %dma_start3A = arith.constant 3840 : i32
        %dma_start3A_77 = tpu.memref_slice %arg13[%dma_start3A] : memref<10240xf32, #tpu.memory_space<vmem>> -> memref<640xf32, #tpu.memory_space<vmem>>
        %dma_start3A_78 = tpu.memref_slice %arg16[%add3A_32] : memref<163840xf32, #tpu.memory_space<vmem_shared>> -> memref<640xf32, #tpu.memory_space<vmem_shared>>
        %dma_start3A_79 = arith.constant 3840 : i32
        %dma_start3A_80 = tpu.memref_slice %arg13[%dma_start3A_79] : memref<10240xf32, #tpu.memory_space<vmem>> -> memref<640xf32, #tpu.memory_space<vmem>>
        %dma_start3A_81 = tpu.memref_slice %arg16[%add3A_32] : memref<163840xf32, #tpu.memory_space<vmem_shared>> -> memref<640xf32, #tpu.memory_space<vmem_shared>>
        tpu.enqueue_dma source(%dma_start3A_81 : memref<640xf32, #tpu.memory_space<vmem_shared>>) target(%dma_start3A_80 : memref<640xf32, #tpu.memory_space<vmem>>) target_semaphore(%run_scoped3A : memref<!tpu.dma_semaphore, #tpu.memory_space<semaphore_mem>>)
        %dma_wait3A = arith.constant 3840 : i32
        %dma_wait3A_82 = tpu.memref_slice %arg13[%dma_wait3A] : memref<10240xf32, #tpu.memory_space<vmem>> -> memref<640xf32, #tpu.memory_space<vmem>>
        %dma_wait3A_83 = tpu.memref_slice %arg16[%add3A_32] : memref<163840xf32, #tpu.memory_space<vmem_shared>> -> memref<640xf32, #tpu.memory_space<vmem_shared>>
        %dma_wait3A_84 = arith.constant 3840 : i32
        %dma_wait3A_85 = tpu.memref_slice %arg13[%dma_wait3A_84] : memref<10240xf32, #tpu.memory_space<vmem>> -> memref<640xf32, #tpu.memory_space<vmem>>
        %dma_wait3A_86 = tpu.memref_slice %arg16[%add3A_32] : memref<163840xf32, #tpu.memory_space<vmem_shared>> -> memref<640xf32, #tpu.memory_space<vmem_shared>>
        tpu.wait_dma2 semaphore(%run_scoped3A : memref<!tpu.dma_semaphore, #tpu.memory_space<semaphore_mem>>) src(%dma_wait3A_86 : memref<640xf32, #tpu.memory_space<vmem_shared>>) dst(%dma_wait3A_85 : memref<640xf32, #tpu.memory_space<vmem>>)
        tpu.yield
      }) : () -> ()
      %mul3A_33 = arith.constant 640 : i32
      %mul3A_34 = arith.muli %arg1, %mul3A_33 : i32
      %add3A_35 = arith.constant 71680 : i32
      %add3A_36 = arith.addi %add3A_35, %mul3A_34 : i32
      "tpu.region"() ({
        %run_scoped3A = tpu.sem_alloc : memref<!tpu.dma_semaphore, #tpu.memory_space<semaphore_mem>>
        %dma_start3A = arith.constant 4480 : i32
        %dma_start3A_77 = tpu.memref_slice %arg13[%dma_start3A] : memref<10240xf32, #tpu.memory_space<vmem>> -> memref<640xf32, #tpu.memory_space<vmem>>
        %dma_start3A_78 = tpu.memref_slice %arg16[%add3A_36] : memref<163840xf32, #tpu.memory_space<vmem_shared>> -> memref<640xf32, #tpu.memory_space<vmem_shared>>
        %dma_start3A_79 = arith.constant 4480 : i32
        %dma_start3A_80 = tpu.memref_slice %arg13[%dma_start3A_79] : memref<10240xf32, #tpu.memory_space<vmem>> -> memref<640xf32, #tpu.memory_space<vmem>>
        %dma_start3A_81 = tpu.memref_slice %arg16[%add3A_36] : memref<163840xf32, #tpu.memory_space<vmem_shared>> -> memref<640xf32, #tpu.memory_space<vmem_shared>>
        tpu.enqueue_dma source(%dma_start3A_81 : memref<640xf32, #tpu.memory_space<vmem_shared>>) target(%dma_start3A_80 : memref<640xf32, #tpu.memory_space<vmem>>) target_semaphore(%run_scoped3A : memref<!tpu.dma_semaphore, #tpu.memory_space<semaphore_mem>>)
        %dma_wait3A = arith.constant 4480 : i32
        %dma_wait3A_82 = tpu.memref_slice %arg13[%dma_wait3A] : memref<10240xf32, #tpu.memory_space<vmem>> -> memref<640xf32, #tpu.memory_space<vmem>>
        %dma_wait3A_83 = tpu.memref_slice %arg16[%add3A_36] : memref<163840xf32, #tpu.memory_space<vmem_shared>> -> memref<640xf32, #tpu.memory_space<vmem_shared>>
        %dma_wait3A_84 = arith.constant 4480 : i32
        %dma_wait3A_85 = tpu.memref_slice %arg13[%dma_wait3A_84] : memref<10240xf32, #tpu.memory_space<vmem>> -> memref<640xf32, #tpu.memory_space<vmem>>
        %dma_wait3A_86 = tpu.memref_slice %arg16[%add3A_36] : memref<163840xf32, #tpu.memory_space<vmem_shared>> -> memref<640xf32, #tpu.memory_space<vmem_shared>>
        tpu.wait_dma2 semaphore(%run_scoped3A : memref<!tpu.dma_semaphore, #tpu.memory_space<semaphore_mem>>) src(%dma_wait3A_86 : memref<640xf32, #tpu.memory_space<vmem_shared>>) dst(%dma_wait3A_85 : memref<640xf32, #tpu.memory_space<vmem>>)
        tpu.yield
      }) : () -> ()
      %mul3A_37 = arith.constant 640 : i32
      %mul3A_38 = arith.muli %arg1, %mul3A_37 : i32
      %add3A_39 = arith.constant 81920 : i32
      %add3A_40 = arith.addi %add3A_39, %mul3A_38 : i32
      "tpu.region"() ({
        %run_scoped3A = tpu.sem_alloc : memref<!tpu.dma_semaphore, #tpu.memory_space<semaphore_mem>>
        %dma_start3A = arith.constant 5120 : i32
        %dma_start3A_77 = tpu.memref_slice %arg13[%dma_start3A] : memref<10240xf32, #tpu.memory_space<vmem>> -> memref<640xf32, #tpu.memory_space<vmem>>
        %dma_start3A_78 = tpu.memref_slice %arg16[%add3A_40] : memref<163840xf32, #tpu.memory_space<vmem_shared>> -> memref<640xf32, #tpu.memory_space<vmem_shared>>
        %dma_start3A_79 = arith.constant 5120 : i32
        %dma_start3A_80 = tpu.memref_slice %arg13[%dma_start3A_79] : memref<10240xf32, #tpu.memory_space<vmem>> -> memref<640xf32, #tpu.memory_space<vmem>>
        %dma_start3A_81 = tpu.memref_slice %arg16[%add3A_40] : memref<163840xf32, #tpu.memory_space<vmem_shared>> -> memref<640xf32, #tpu.memory_space<vmem_shared>>
        tpu.enqueue_dma source(%dma_start3A_81 : memref<640xf32, #tpu.memory_space<vmem_shared>>) target(%dma_start3A_80 : memref<640xf32, #tpu.memory_space<vmem>>) target_semaphore(%run_scoped3A : memref<!tpu.dma_semaphore, #tpu.memory_space<semaphore_mem>>)
        %dma_wait3A = arith.constant 5120 : i32
        %dma_wait3A_82 = tpu.memref_slice %arg13[%dma_wait3A] : memref<10240xf32, #tpu.memory_space<vmem>> -> memref<640xf32, #tpu.memory_space<vmem>>
        %dma_wait3A_83 = tpu.memref_slice %arg16[%add3A_40] : memref<163840xf32, #tpu.memory_space<vmem_shared>> -> memref<640xf32, #tpu.memory_space<vmem_shared>>
        %dma_wait3A_84 = arith.constant 5120 : i32
        %dma_wait3A_85 = tpu.memref_slice %arg13[%dma_wait3A_84] : memref<10240xf32, #tpu.memory_space<vmem>> -> memref<640xf32, #tpu.memory_space<vmem>>
        %dma_wait3A_86 = tpu.memref_slice %arg16[%add3A_40] : memref<163840xf32, #tpu.memory_space<vmem_shared>> -> memref<640xf32, #tpu.memory_space<vmem_shared>>
        tpu.wait_dma2 semaphore(%run_scoped3A : memref<!tpu.dma_semaphore, #tpu.memory_space<semaphore_mem>>) src(%dma_wait3A_86 : memref<640xf32, #tpu.memory_space<vmem_shared>>) dst(%dma_wait3A_85 : memref<640xf32, #tpu.memory_space<vmem>>)
        tpu.yield
      }) : () -> ()
      %mul3A_41 = arith.constant 640 : i32
      %mul3A_42 = arith.muli %arg1, %mul3A_41 : i32
      %add3A_43 = arith.constant 92160 : i32
      %add3A_44 = arith.addi %add3A_43, %mul3A_42 : i32
      "tpu.region"() ({
        %run_scoped3A = tpu.sem_alloc : memref<!tpu.dma_semaphore, #tpu.memory_space<semaphore_mem>>
        %dma_start3A = arith.constant 5760 : i32
        %dma_start3A_77 = tpu.memref_slice %arg13[%dma_start3A] : memref<10240xf32, #tpu.memory_space<vmem>> -> memref<640xf32, #tpu.memory_space<vmem>>
        %dma_start3A_78 = tpu.memref_slice %arg16[%add3A_44] : memref<163840xf32, #tpu.memory_space<vmem_shared>> -> memref<640xf32, #tpu.memory_space<vmem_shared>>
        %dma_start3A_79 = arith.constant 5760 : i32
        %dma_start3A_80 = tpu.memref_slice %arg13[%dma_start3A_79] : memref<10240xf32, #tpu.memory_space<vmem>> -> memref<640xf32, #tpu.memory_space<vmem>>
        %dma_start3A_81 = tpu.memref_slice %arg16[%add3A_44] : memref<163840xf32, #tpu.memory_space<vmem_shared>> -> memref<640xf32, #tpu.memory_space<vmem_shared>>
        tpu.enqueue_dma source(%dma_start3A_81 : memref<640xf32, #tpu.memory_space<vmem_shared>>) target(%dma_start3A_80 : memref<640xf32, #tpu.memory_space<vmem>>) target_semaphore(%run_scoped3A : memref<!tpu.dma_semaphore, #tpu.memory_space<semaphore_mem>>)
        %dma_wait3A = arith.constant 5760 : i32
        %dma_wait3A_82 = tpu.memref_slice %arg13[%dma_wait3A] : memref<10240xf32, #tpu.memory_space<vmem>> -> memref<640xf32, #tpu.memory_space<vmem>>
        %dma_wait3A_83 = tpu.memref_slice %arg16[%add3A_44] : memref<163840xf32, #tpu.memory_space<vmem_shared>> -> memref<640xf32, #tpu.memory_space<vmem_shared>>
        %dma_wait3A_84 = arith.constant 5760 : i32
        %dma_wait3A_85 = tpu.memref_slice %arg13[%dma_wait3A_84] : memref<10240xf32, #tpu.memory_space<vmem>> -> memref<640xf32, #tpu.memory_space<vmem>>
        %dma_wait3A_86 = tpu.memref_slice %arg16[%add3A_44] : memref<163840xf32, #tpu.memory_space<vmem_shared>> -> memref<640xf32, #tpu.memory_space<vmem_shared>>
        tpu.wait_dma2 semaphore(%run_scoped3A : memref<!tpu.dma_semaphore, #tpu.memory_space<semaphore_mem>>) src(%dma_wait3A_86 : memref<640xf32, #tpu.memory_space<vmem_shared>>) dst(%dma_wait3A_85 : memref<640xf32, #tpu.memory_space<vmem>>)
        tpu.yield
      }) : () -> ()
      %mul3A_45 = arith.constant 640 : i32
      %mul3A_46 = arith.muli %arg1, %mul3A_45 : i32
      %add3A_47 = arith.constant 102400 : i32
      %add3A_48 = arith.addi %add3A_47, %mul3A_46 : i32
      "tpu.region"() ({
        %run_scoped3A = tpu.sem_alloc : memref<!tpu.dma_semaphore, #tpu.memory_space<semaphore_mem>>
        %dma_start3A = arith.constant 6400 : i32
        %dma_start3A_77 = tpu.memref_slice %arg13[%dma_start3A] : memref<10240xf32, #tpu.memory_space<vmem>> -> memref<640xf32, #tpu.memory_space<vmem>>
        %dma_start3A_78 = tpu.memref_slice %arg16[%add3A_48] : memref<163840xf32, #tpu.memory_space<vmem_shared>> -> memref<640xf32, #tpu.memory_space<vmem_shared>>
        %dma_start3A_79 = arith.constant 6400 : i32
        %dma_start3A_80 = tpu.memref_slice %arg13[%dma_start3A_79] : memref<10240xf32, #tpu.memory_space<vmem>> -> memref<640xf32, #tpu.memory_space<vmem>>
        %dma_start3A_81 = tpu.memref_slice %arg16[%add3A_48] : memref<163840xf32, #tpu.memory_space<vmem_shared>> -> memref<640xf32, #tpu.memory_space<vmem_shared>>
        tpu.enqueue_dma source(%dma_start3A_81 : memref<640xf32, #tpu.memory_space<vmem_shared>>) target(%dma_start3A_80 : memref<640xf32, #tpu.memory_space<vmem>>) target_semaphore(%run_scoped3A : memref<!tpu.dma_semaphore, #tpu.memory_space<semaphore_mem>>)
        %dma_wait3A = arith.constant 6400 : i32
        %dma_wait3A_82 = tpu.memref_slice %arg13[%dma_wait3A] : memref<10240xf32, #tpu.memory_space<vmem>> -> memref<640xf32, #tpu.memory_space<vmem>>
        %dma_wait3A_83 = tpu.memref_slice %arg16[%add3A_48] : memref<163840xf32, #tpu.memory_space<vmem_shared>> -> memref<640xf32, #tpu.memory_space<vmem_shared>>
        %dma_wait3A_84 = arith.constant 6400 : i32
        %dma_wait3A_85 = tpu.memref_slice %arg13[%dma_wait3A_84] : memref<10240xf32, #tpu.memory_space<vmem>> -> memref<640xf32, #tpu.memory_space<vmem>>
        %dma_wait3A_86 = tpu.memref_slice %arg16[%add3A_48] : memref<163840xf32, #tpu.memory_space<vmem_shared>> -> memref<640xf32, #tpu.memory_space<vmem_shared>>
        tpu.wait_dma2 semaphore(%run_scoped3A : memref<!tpu.dma_semaphore, #tpu.memory_space<semaphore_mem>>) src(%dma_wait3A_86 : memref<640xf32, #tpu.memory_space<vmem_shared>>) dst(%dma_wait3A_85 : memref<640xf32, #tpu.memory_space<vmem>>)
        tpu.yield
      }) : () -> ()
      %mul3A_49 = arith.constant 640 : i32
      %mul3A_50 = arith.muli %arg1, %mul3A_49 : i32
      %add3A_51 = arith.constant 112640 : i32
      %add3A_52 = arith.addi %add3A_51, %mul3A_50 : i32
      "tpu.region"() ({
        %run_scoped3A = tpu.sem_alloc : memref<!tpu.dma_semaphore, #tpu.memory_space<semaphore_mem>>
        %dma_start3A = arith.constant 7040 : i32
        %dma_start3A_77 = tpu.memref_slice %arg13[%dma_start3A] : memref<10240xf32, #tpu.memory_space<vmem>> -> memref<640xf32, #tpu.memory_space<vmem>>
        %dma_start3A_78 = tpu.memref_slice %arg16[%add3A_52] : memref<163840xf32, #tpu.memory_space<vmem_shared>> -> memref<640xf32, #tpu.memory_space<vmem_shared>>
        %dma_start3A_79 = arith.constant 7040 : i32
        %dma_start3A_80 = tpu.memref_slice %arg13[%dma_start3A_79] : memref<10240xf32, #tpu.memory_space<vmem>> -> memref<640xf32, #tpu.memory_space<vmem>>
        %dma_start3A_81 = tpu.memref_slice %arg16[%add3A_52] : memref<163840xf32, #tpu.memory_space<vmem_shared>> -> memref<640xf32, #tpu.memory_space<vmem_shared>>
        tpu.enqueue_dma source(%dma_start3A_81 : memref<640xf32, #tpu.memory_space<vmem_shared>>) target(%dma_start3A_80 : memref<640xf32, #tpu.memory_space<vmem>>) target_semaphore(%run_scoped3A : memref<!tpu.dma_semaphore, #tpu.memory_space<semaphore_mem>>)
        %dma_wait3A = arith.constant 7040 : i32
        %dma_wait3A_82 = tpu.memref_slice %arg13[%dma_wait3A] : memref<10240xf32, #tpu.memory_space<vmem>> -> memref<640xf32, #tpu.memory_space<vmem>>
        %dma_wait3A_83 = tpu.memref_slice %arg16[%add3A_52] : memref<163840xf32, #tpu.memory_space<vmem_shared>> -> memref<640xf32, #tpu.memory_space<vmem_shared>>
        %dma_wait3A_84 = arith.constant 7040 : i32
        %dma_wait3A_85 = tpu.memref_slice %arg13[%dma_wait3A_84] : memref<10240xf32, #tpu.memory_space<vmem>> -> memref<640xf32, #tpu.memory_space<vmem>>
        %dma_wait3A_86 = tpu.memref_slice %arg16[%add3A_52] : memref<163840xf32, #tpu.memory_space<vmem_shared>> -> memref<640xf32, #tpu.memory_space<vmem_shared>>
        tpu.wait_dma2 semaphore(%run_scoped3A : memref<!tpu.dma_semaphore, #tpu.memory_space<semaphore_mem>>) src(%dma_wait3A_86 : memref<640xf32, #tpu.memory_space<vmem_shared>>) dst(%dma_wait3A_85 : memref<640xf32, #tpu.memory_space<vmem>>)
        tpu.yield
      }) : () -> ()
      %mul3A_53 = arith.constant 640 : i32
      %mul3A_54 = arith.muli %arg1, %mul3A_53 : i32
      %add3A_55 = arith.constant 122880 : i32
      %add3A_56 = arith.addi %add3A_55, %mul3A_54 : i32
      "tpu.region"() ({
        %run_scoped3A = tpu.sem_alloc : memref<!tpu.dma_semaphore, #tpu.memory_space<semaphore_mem>>
        %dma_start3A = arith.constant 7680 : i32
        %dma_start3A_77 = tpu.memref_slice %arg13[%dma_start3A] : memref<10240xf32, #tpu.memory_space<vmem>> -> memref<640xf32, #tpu.memory_space<vmem>>
        %dma_start3A_78 = tpu.memref_slice %arg16[%add3A_56] : memref<163840xf32, #tpu.memory_space<vmem_shared>> -> memref<640xf32, #tpu.memory_space<vmem_shared>>
        %dma_start3A_79 = arith.constant 7680 : i32
        %dma_start3A_80 = tpu.memref_slice %arg13[%dma_start3A_79] : memref<10240xf32, #tpu.memory_space<vmem>> -> memref<640xf32, #tpu.memory_space<vmem>>
        %dma_start3A_81 = tpu.memref_slice %arg16[%add3A_56] : memref<163840xf32, #tpu.memory_space<vmem_shared>> -> memref<640xf32, #tpu.memory_space<vmem_shared>>
        tpu.enqueue_dma source(%dma_start3A_81 : memref<640xf32, #tpu.memory_space<vmem_shared>>) target(%dma_start3A_80 : memref<640xf32, #tpu.memory_space<vmem>>) target_semaphore(%run_scoped3A : memref<!tpu.dma_semaphore, #tpu.memory_space<semaphore_mem>>)
        %dma_wait3A = arith.constant 7680 : i32
        %dma_wait3A_82 = tpu.memref_slice %arg13[%dma_wait3A] : memref<10240xf32, #tpu.memory_space<vmem>> -> memref<640xf32, #tpu.memory_space<vmem>>
        %dma_wait3A_83 = tpu.memref_slice %arg16[%add3A_56] : memref<163840xf32, #tpu.memory_space<vmem_shared>> -> memref<640xf32, #tpu.memory_space<vmem_shared>>
        %dma_wait3A_84 = arith.constant 7680 : i32
        %dma_wait3A_85 = tpu.memref_slice %arg13[%dma_wait3A_84] : memref<10240xf32, #tpu.memory_space<vmem>> -> memref<640xf32, #tpu.memory_space<vmem>>
        %dma_wait3A_86 = tpu.memref_slice %arg16[%add3A_56] : memref<163840xf32, #tpu.memory_space<vmem_shared>> -> memref<640xf32, #tpu.memory_space<vmem_shared>>
        tpu.wait_dma2 semaphore(%run_scoped3A : memref<!tpu.dma_semaphore, #tpu.memory_space<semaphore_mem>>) src(%dma_wait3A_86 : memref<640xf32, #tpu.memory_space<vmem_shared>>) dst(%dma_wait3A_85 : memref<640xf32, #tpu.memory_space<vmem>>)
        tpu.yield
      }) : () -> ()
      %mul3A_57 = arith.constant 640 : i32
      %mul3A_58 = arith.muli %arg1, %mul3A_57 : i32
      %add3A_59 = arith.constant 133120 : i32
      %add3A_60 = arith.addi %add3A_59, %mul3A_58 : i32
      "tpu.region"() ({
        %run_scoped3A = tpu.sem_alloc : memref<!tpu.dma_semaphore, #tpu.memory_space<semaphore_mem>>
        %dma_start3A = arith.constant 8320 : i32
        %dma_start3A_77 = tpu.memref_slice %arg13[%dma_start3A] : memref<10240xf32, #tpu.memory_space<vmem>> -> memref<640xf32, #tpu.memory_space<vmem>>
        %dma_start3A_78 = tpu.memref_slice %arg16[%add3A_60] : memref<163840xf32, #tpu.memory_space<vmem_shared>> -> memref<640xf32, #tpu.memory_space<vmem_shared>>
        %dma_start3A_79 = arith.constant 8320 : i32
        %dma_start3A_80 = tpu.memref_slice %arg13[%dma_start3A_79] : memref<10240xf32, #tpu.memory_space<vmem>> -> memref<640xf32, #tpu.memory_space<vmem>>
        %dma_start3A_81 = tpu.memref_slice %arg16[%add3A_60] : memref<163840xf32, #tpu.memory_space<vmem_shared>> -> memref<640xf32, #tpu.memory_space<vmem_shared>>
        tpu.enqueue_dma source(%dma_start3A_81 : memref<640xf32, #tpu.memory_space<vmem_shared>>) target(%dma_start3A_80 : memref<640xf32, #tpu.memory_space<vmem>>) target_semaphore(%run_scoped3A : memref<!tpu.dma_semaphore, #tpu.memory_space<semaphore_mem>>)
        %dma_wait3A = arith.constant 8320 : i32
        %dma_wait3A_82 = tpu.memref_slice %arg13[%dma_wait3A] : memref<10240xf32, #tpu.memory_space<vmem>> -> memref<640xf32, #tpu.memory_space<vmem>>
        %dma_wait3A_83 = tpu.memref_slice %arg16[%add3A_60] : memref<163840xf32, #tpu.memory_space<vmem_shared>> -> memref<640xf32, #tpu.memory_space<vmem_shared>>
        %dma_wait3A_84 = arith.constant 8320 : i32
        %dma_wait3A_85 = tpu.memref_slice %arg13[%dma_wait3A_84] : memref<10240xf32, #tpu.memory_space<vmem>> -> memref<640xf32, #tpu.memory_space<vmem>>
        %dma_wait3A_86 = tpu.memref_slice %arg16[%add3A_60] : memref<163840xf32, #tpu.memory_space<vmem_shared>> -> memref<640xf32, #tpu.memory_space<vmem_shared>>
        tpu.wait_dma2 semaphore(%run_scoped3A : memref<!tpu.dma_semaphore, #tpu.memory_space<semaphore_mem>>) src(%dma_wait3A_86 : memref<640xf32, #tpu.memory_space<vmem_shared>>) dst(%dma_wait3A_85 : memref<640xf32, #tpu.memory_space<vmem>>)
        tpu.yield
      }) : () -> ()
      %mul3A_61 = arith.constant 640 : i32
      %mul3A_62 = arith.muli %arg1, %mul3A_61 : i32
      %add3A_63 = arith.constant 143360 : i32
      %add3A_64 = arith.addi %add3A_63, %mul3A_62 : i32
      "tpu.region"() ({
        %run_scoped3A = tpu.sem_alloc : memref<!tpu.dma_semaphore, #tpu.memory_space<semaphore_mem>>
        %dma_start3A = arith.constant 8960 : i32
        %dma_start3A_77 = tpu.memref_slice %arg13[%dma_start3A] : memref<10240xf32, #tpu.memory_space<vmem>> -> memref<640xf32, #tpu.memory_space<vmem>>
        %dma_start3A_78 = tpu.memref_slice %arg16[%add3A_64] : memref<163840xf32, #tpu.memory_space<vmem_shared>> -> memref<640xf32, #tpu.memory_space<vmem_shared>>
        %dma_start3A_79 = arith.constant 8960 : i32
        %dma_start3A_80 = tpu.memref_slice %arg13[%dma_start3A_79] : memref<10240xf32, #tpu.memory_space<vmem>> -> memref<640xf32, #tpu.memory_space<vmem>>
        %dma_start3A_81 = tpu.memref_slice %arg16[%add3A_64] : memref<163840xf32, #tpu.memory_space<vmem_shared>> -> memref<640xf32, #tpu.memory_space<vmem_shared>>
        tpu.enqueue_dma source(%dma_start3A_81 : memref<640xf32, #tpu.memory_space<vmem_shared>>) target(%dma_start3A_80 : memref<640xf32, #tpu.memory_space<vmem>>) target_semaphore(%run_scoped3A : memref<!tpu.dma_semaphore, #tpu.memory_space<semaphore_mem>>)
        %dma_wait3A = arith.constant 8960 : i32
        %dma_wait3A_82 = tpu.memref_slice %arg13[%dma_wait3A] : memref<10240xf32, #tpu.memory_space<vmem>> -> memref<640xf32, #tpu.memory_space<vmem>>
        %dma_wait3A_83 = tpu.memref_slice %arg16[%add3A_64] : memref<163840xf32, #tpu.memory_space<vmem_shared>> -> memref<640xf32, #tpu.memory_space<vmem_shared>>
        %dma_wait3A_84 = arith.constant 8960 : i32
        %dma_wait3A_85 = tpu.memref_slice %arg13[%dma_wait3A_84] : memref<10240xf32, #tpu.memory_space<vmem>> -> memref<640xf32, #tpu.memory_space<vmem>>
        %dma_wait3A_86 = tpu.memref_slice %arg16[%add3A_64] : memref<163840xf32, #tpu.memory_space<vmem_shared>> -> memref<640xf32, #tpu.memory_space<vmem_shared>>
        tpu.wait_dma2 semaphore(%run_scoped3A : memref<!tpu.dma_semaphore, #tpu.memory_space<semaphore_mem>>) src(%dma_wait3A_86 : memref<640xf32, #tpu.memory_space<vmem_shared>>) dst(%dma_wait3A_85 : memref<640xf32, #tpu.memory_space<vmem>>)
        tpu.yield
      }) : () -> ()
      %mul3A_65 = arith.constant 640 : i32
      %mul3A_66 = arith.muli %arg1, %mul3A_65 : i32
      %add3A_67 = arith.constant 153600 : i32
      %add3A_68 = arith.addi %add3A_67, %mul3A_66 : i32
      "tpu.region"() ({
        %run_scoped3A = tpu.sem_alloc : memref<!tpu.dma_semaphore, #tpu.memory_space<semaphore_mem>>
        %dma_start3A = arith.constant 9600 : i32
        %dma_start3A_77 = tpu.memref_slice %arg13[%dma_start3A] : memref<10240xf32, #tpu.memory_space<vmem>> -> memref<640xf32, #tpu.memory_space<vmem>>
        %dma_start3A_78 = tpu.memref_slice %arg16[%add3A_68] : memref<163840xf32, #tpu.memory_space<vmem_shared>> -> memref<640xf32, #tpu.memory_space<vmem_shared>>
        %dma_start3A_79 = arith.constant 9600 : i32
        %dma_start3A_80 = tpu.memref_slice %arg13[%dma_start3A_79] : memref<10240xf32, #tpu.memory_space<vmem>> -> memref<640xf32, #tpu.memory_space<vmem>>
        %dma_start3A_81 = tpu.memref_slice %arg16[%add3A_68] : memref<163840xf32, #tpu.memory_space<vmem_shared>> -> memref<640xf32, #tpu.memory_space<vmem_shared>>
        tpu.enqueue_dma source(%dma_start3A_81 : memref<640xf32, #tpu.memory_space<vmem_shared>>) target(%dma_start3A_80 : memref<640xf32, #tpu.memory_space<vmem>>) target_semaphore(%run_scoped3A : memref<!tpu.dma_semaphore, #tpu.memory_space<semaphore_mem>>)
        %dma_wait3A = arith.constant 9600 : i32
        %dma_wait3A_82 = tpu.memref_slice %arg13[%dma_wait3A] : memref<10240xf32, #tpu.memory_space<vmem>> -> memref<640xf32, #tpu.memory_space<vmem>>
        %dma_wait3A_83 = tpu.memref_slice %arg16[%add3A_68] : memref<163840xf32, #tpu.memory_space<vmem_shared>> -> memref<640xf32, #tpu.memory_space<vmem_shared>>
        %dma_wait3A_84 = arith.constant 9600 : i32
        %dma_wait3A_85 = tpu.memref_slice %arg13[%dma_wait3A_84] : memref<10240xf32, #tpu.memory_space<vmem>> -> memref<640xf32, #tpu.memory_space<vmem>>
        %dma_wait3A_86 = tpu.memref_slice %arg16[%add3A_68] : memref<163840xf32, #tpu.memory_space<vmem_shared>> -> memref<640xf32, #tpu.memory_space<vmem_shared>>
        tpu.wait_dma2 semaphore(%run_scoped3A : memref<!tpu.dma_semaphore, #tpu.memory_space<semaphore_mem>>) src(%dma_wait3A_86 : memref<640xf32, #tpu.memory_space<vmem_shared>>) dst(%dma_wait3A_85 : memref<640xf32, #tpu.memory_space<vmem>>)
        tpu.yield
      }) : () -> ()
      %get3A = arith.constant 0 : index
      %get3A_69 = tpu.vector_load %arg15[%get3A] {strides = array<i32>} : memref<16xf32, #tpu.memory_space<vmem>>, vector<16xf32>,
      %scan3A = arith.constant 0 : i32
      %scan3A_70 = arith.constant 0 : i32
      %scan3A_71 = arith.constant 40 : i32
      %scan3A_72 = arith.addi %scan3A_70, %scan3A_71 : i32
      %scan3A_73 = arith.constant 1 : i32
      scf.for %scan3A_77 = %scan3A_70 to %scan3A_72 step %scan3A_73  : i32 {
        %mul3A_78 = arith.constant 16 : i32
        %mul3A_79 = arith.muli %scan3A_77, %mul3A_78 : i32
        %get3A_80 = arith.index_cast %mul3A_79 : i32 to index
        %get3A_81 = tpu.vector_load %arg13[%get3A_80] {strides = array<i32>} : memref<10240xf32, #tpu.memory_space<vmem>>, vector<16xf32>,
        %mul3A_82 = arith.constant 16 : i32
        %mul3A_83 = arith.muli %scan3A_77, %mul3A_82 : i32
        %add3A_84 = arith.constant 640 : i32
        %add3A_85 = arith.addi %add3A_84, %mul3A_83 : i32
        %get3A_86 = arith.index_cast %add3A_85 : i32 to index
        %get3A_87 = tpu.vector_load %arg13[%get3A_86] {strides = array<i32>} : memref<10240xf32, #tpu.memory_space<vmem>>, vector<16xf32>,
        %add3A_88 = arith.addf %get3A_81, %get3A_87 : vector<16xf32>
        %mul3A_89 = arith.constant 16 : i32
        %mul3A_90 = arith.muli %scan3A_77, %mul3A_89 : i32
        %add3A_91 = arith.constant 1280 : i32
        %add3A_92 = arith.addi %add3A_91, %mul3A_90 : i32
        %get3A_93 = arith.index_cast %add3A_92 : i32 to index
        %get3A_94 = tpu.vector_load %arg13[%get3A_93] {strides = array<i32>} : memref<10240xf32, #tpu.memory_space<vmem>>, vector<16xf32>,
        %add3A_95 = arith.addf %add3A_88, %get3A_94 : vector<16xf32>
        %mul3A_96 = arith.constant 16 : i32
        %mul3A_97 = arith.muli %scan3A_77, %mul3A_96 : i32
        %add3A_98 = arith.constant 1920 : i32
        %add3A_99 = arith.addi %add3A_98, %mul3A_97 : i32
        %get3A_100 = arith.index_cast %add3A_99 : i32 to index
        %get3A_101 = tpu.vector_load %arg13[%get3A_100] {strides = array<i32>} : memref<10240xf32, #tpu.memory_space<vmem>>, vector<16xf32>,
        %add3A_102 = arith.addf %add3A_95, %get3A_101 : vector<16xf32>
        %mul3A_103 = arith.constant 16 : i32
        %mul3A_104 = arith.muli %scan3A_77, %mul3A_103 : i32
        %add3A_105 = arith.constant 2560 : i32
        %add3A_106 = arith.addi %add3A_105, %mul3A_104 : i32
        %get3A_107 = arith.index_cast %add3A_106 : i32 to index
        %get3A_108 = tpu.vector_load %arg13[%get3A_107] {strides = array<i32>} : memref<10240xf32, #tpu.memory_space<vmem>>, vector<16xf32>,
        %add3A_109 = arith.addf %add3A_102, %get3A_108 : vector<16xf32>
        %mul3A_110 = arith.constant 16 : i32
        %mul3A_111 = arith.muli %scan3A_77, %mul3A_110 : i32
        %add3A_112 = arith.constant 3200 : i32
        %add3A_113 = arith.addi %add3A_112, %mul3A_111 : i32
        %get3A_114 = arith.index_cast %add3A_113 : i32 to index
        %get3A_115 = tpu.vector_load %arg13[%get3A_114] {strides = array<i32>} : memref<10240xf32, #tpu.memory_space<vmem>>, vector<16xf32>,
        %add3A_116 = arith.addf %add3A_109, %get3A_115 : vector<16xf32>
        %mul3A_117 = arith.constant 16 : i32
        %mul3A_118 = arith.muli %scan3A_77, %mul3A_117 : i32
        %add3A_119 = arith.constant 3840 : i32
        %add3A_120 = arith.addi %add3A_119, %mul3A_118 : i32
        %get3A_121 = arith.index_cast %add3A_120 : i32 to index
        %get3A_122 = tpu.vector_load %arg13[%get3A_121] {strides = array<i32>} : memref<10240xf32, #tpu.memory_space<vmem>>, vector<16xf32>,
        %add3A_123 = arith.addf %add3A_116, %get3A_122 : vector<16xf32>
        %mul3A_124 = arith.constant 16 : i32
        %mul3A_125 = arith.muli %scan3A_77, %mul3A_124 : i32
        %add3A_126 = arith.constant 4480 : i32
        %add3A_127 = arith.addi %add3A_126, %mul3A_125 : i32
        %get3A_128 = arith.index_cast %add3A_127 : i32 to index
        %get3A_129 = tpu.vector_load %arg13[%get3A_128] {strides = array<i32>} : memref<10240xf32, #tpu.memory_space<vmem>>, vector<16xf32>,
        %add3A_130 = arith.addf %add3A_123, %get3A_129 : vector<16xf32>
        %mul3A_131 = arith.constant 16 : i32
        %mul3A_132 = arith.muli %scan3A_77, %mul3A_131 : i32
        %add3A_133 = arith.constant 5120 : i32
        %add3A_134 = arith.addi %add3A_133, %mul3A_132 : i32
        %get3A_135 = arith.index_cast %add3A_134 : i32 to index
        %get3A_136 = tpu.vector_load %arg13[%get3A_135] {strides = array<i32>} : memref<10240xf32, #tpu.memory_space<vmem>>, vector<16xf32>,
        %add3A_137 = arith.addf %add3A_130, %get3A_136 : vector<16xf32>
        %mul3A_138 = arith.constant 16 : i32
        %mul3A_139 = arith.muli %scan3A_77, %mul3A_138 : i32
        %add3A_140 = arith.constant 5760 : i32
        %add3A_141 = arith.addi %add3A_140, %mul3A_139 : i32
        %get3A_142 = arith.index_cast %add3A_141 : i32 to index
        %get3A_143 = tpu.vector_load %arg13[%get3A_142] {strides = array<i32>} : memref<10240xf32, #tpu.memory_space<vmem>>, vector<16xf32>,
        %add3A_144 = arith.addf %add3A_137, %get3A_143 : vector<16xf32>
        %mul3A_145 = arith.constant 16 : i32
        %mul3A_146 = arith.muli %scan3A_77, %mul3A_145 : i32
        %add3A_147 = arith.constant 6400 : i32
        %add3A_148 = arith.addi %add3A_147, %mul3A_146 : i32
        %get3A_149 = arith.index_cast %add3A_148 : i32 to index
        %get3A_150 = tpu.vector_load %arg13[%get3A_149] {strides = array<i32>} : memref<10240xf32, #tpu.memory_space<vmem>>, vector<16xf32>,
        %add3A_151 = arith.addf %add3A_144, %get3A_150 : vector<16xf32>
        %mul3A_152 = arith.constant 16 : i32
        %mul3A_153 = arith.muli %scan3A_77, %mul3A_152 : i32
        %add3A_154 = arith.constant 7040 : i32
        %add3A_155 = arith.addi %add3A_154, %mul3A_153 : i32
        %get3A_156 = arith.index_cast %add3A_155 : i32 to index
        %get3A_157 = tpu.vector_load %arg13[%get3A_156] {strides = array<i32>} : memref<10240xf32, #tpu.memory_space<vmem>>, vector<16xf32>,
        %add3A_158 = arith.addf %add3A_151, %get3A_157 : vector<16xf32>
        %mul3A_159 = arith.constant 16 : i32
        %mul3A_160 = arith.muli %scan3A_77, %mul3A_159 : i32
        %add3A_161 = arith.constant 7680 : i32
        %add3A_162 = arith.addi %add3A_161, %mul3A_160 : i32
        %get3A_163 = arith.index_cast %add3A_162 : i32 to index
        %get3A_164 = tpu.vector_load %arg13[%get3A_163] {strides = array<i32>} : memref<10240xf32, #tpu.memory_space<vmem>>, vector<16xf32>,
        %add3A_165 = arith.addf %add3A_158, %get3A_164 : vector<16xf32>
        %mul3A_166 = arith.constant 16 : i32
        %mul3A_167 = arith.muli %scan3A_77, %mul3A_166 : i32
        %add3A_168 = arith.constant 8320 : i32
        %add3A_169 = arith.addi %add3A_168, %mul3A_167 : i32
        %get3A_170 = arith.index_cast %add3A_169 : i32 to index
        %get3A_171 = tpu.vector_load %arg13[%get3A_170] {strides = array<i32>} : memref<10240xf32, #tpu.memory_space<vmem>>, vector<16xf32>,
        %add3A_172 = arith.addf %add3A_165, %get3A_171 : vector<16xf32>
        %mul3A_173 = arith.constant 16 : i32
        %mul3A_174 = arith.muli %scan3A_77, %mul3A_173 : i32
        %add3A_175 = arith.constant 8960 : i32
        %add3A_176 = arith.addi %add3A_175, %mul3A_174 : i32
        %get3A_177 = arith.index_cast %add3A_176 : i32 to index
        %get3A_178 = tpu.vector_load %arg13[%get3A_177] {strides = array<i32>} : memref<10240xf32, #tpu.memory_space<vmem>>, vector<16xf32>,
        %add3A_179 = arith.addf %add3A_172, %get3A_178 : vector<16xf32>
        %mul3A_180 = arith.constant 16 : i32
        %mul3A_181 = arith.muli %scan3A_77, %mul3A_180 : i32
        %add3A_182 = arith.constant 9600 : i32
        %add3A_183 = arith.addi %add3A_182, %mul3A_181 : i32
        %get3A_184 = arith.index_cast %add3A_183 : i32 to index
        %get3A_185 = tpu.vector_load %arg13[%get3A_184] {strides = array<i32>} : memref<10240xf32, #tpu.memory_space<vmem>>, vector<16xf32>,
        %add3A_186 = arith.addf %add3A_179, %get3A_185 : vector<16xf32>
        %mul3A_187 = arith.constant 640 : i32
        %mul3A_188 = arith.muli %arg1, %mul3A_187 : i32
        %mul3A_189 = arith.constant 16 : i32
        %mul3A_190 = arith.muli %scan3A_77, %mul3A_189 : i32
        %add3A_191 = arith.addi %mul3A_188, %mul3A_190 : i32
        %get3A_192 = arith.index_cast %add3A_191 : i32 to index
        %get3A_193 = tpu.vector_load %arg12[%get3A_192] {strides = array<i32>} : memref<10240xf32, #tpu.memory_space<vmem>>, vector<16xf32>,
        %get3A_194 = arith.index_cast %add3A_191 : i32 to index
        %get3A_195 = tpu.vector_load %arg10[%get3A_194] {strides = array<i32>} : memref<10240xf32, #tpu.memory_space<vmem>>, vector<16xf32>,
        %add3A_196 = arith.addf %add3A_186, %get3A_195 : vector<16xf32>
        %mul3A_197 = arith.mulf %get3A_193, %add3A_196 : vector<16xf32>
        %add3A_198 = arith.addf %mul3A_197, %get3A_69 : vector<16xf32>
        %max3A = arith.constant 0.000000e+00 : f32
        %max3A_199 = vector.broadcast %max3A : f32 to vector<16xf32>
        %max3A_200 = arith.maximumf %add3A_198, %max3A_199 : vector<16xf32>
        %mul3A_201 = arith.constant 16 : i32
        %mul3A_202 = arith.muli %scan3A_77, %mul3A_201 : i32
        %swap3A = arith.index_cast %mul3A_202 : i32 to index
        %swap3A_203 = tpu.vector_load %arg14[%swap3A] {strides = array<i32>} : memref<640xf32, #tpu.memory_space<vmem>>, vector<16xf32>,
        tpu.vector_store %arg14[%swap3A], %max3A_200 {strides = array<i32>} : memref<640xf32, #tpu.memory_space<vmem>>, vector<16xf32>,
      }
      %scan3A_74 = arith.constant 40 : i32
      %mul3A_75 = arith.constant 640 : i32
      %mul3A_76 = arith.muli %arg1, %mul3A_75 : i32
      "tpu.region"() ({
        %run_scoped3A = tpu.sem_alloc : memref<!tpu.dma_semaphore, #tpu.memory_space<semaphore_mem>>
        %dma_start3A = tpu.memref_slice %arg7[%mul3A_76] : memref<10240xf32, #tpu.memory_space<hbm>> -> memref<640xf32, #tpu.memory_space<hbm>>
        %dma_start3A_77 = tpu.memref_slice %arg7[%mul3A_76] : memref<10240xf32, #tpu.memory_space<hbm>> -> memref<640xf32, #tpu.memory_space<hbm>>
        tpu.enqueue_dma source(%arg14 : memref<640xf32, #tpu.memory_space<vmem>>) target(%dma_start3A_77 : memref<640xf32, #tpu.memory_space<hbm>>) target_semaphore(%run_scoped3A : memref<!tpu.dma_semaphore, #tpu.memory_space<semaphore_mem>>)
        %dma_wait3A = tpu.memref_slice %arg7[%mul3A_76] : memref<10240xf32, #tpu.memory_space<hbm>> -> memref<640xf32, #tpu.memory_space<hbm>>
        %dma_wait3A_78 = tpu.memref_slice %arg7[%mul3A_76] : memref<10240xf32, #tpu.memory_space<hbm>> -> memref<640xf32, #tpu.memory_space<hbm>>
        tpu.wait_dma2 semaphore(%run_scoped3A : memref<!tpu.dma_semaphore, #tpu.memory_space<semaphore_mem>>) src(%arg14 : memref<640xf32, #tpu.memory_space<vmem>>) dst(%dma_wait3A_78 : memref<640xf32, #tpu.memory_space<hbm>>)
        tpu.yield
      }) : () -> ()
    } else {
    }
    return
  }
}

#map = affine_map<(d0, d1) -> (0, 0, 0)>
#map1 = affine_map<(d0, d1) -> (0, 0)>
#map2 = affine_map<(d0, d1) -> (0)>
module attributes {stable_mosaic.version = 14 : i64} {
  func.func @_mm2_kernel(%arg0: i32, %arg1: i32, %arg2: memref<2x10240x64xf32, #tpu.memory_space<hbm>>, %arg3: memref<10240x64xf32, #tpu.memory_space<hbm>>, %arg4: memref<10240xf32, #tpu.memory_space<hbm>>, %arg5: memref<64xf32, #tpu.memory_space<hbm>>, %arg6: memref<64xf32, #tpu.memory_space<hbm>>, %arg7: memref<10240xf32, #tpu.memory_space<hbm>>, %arg8: memref<320x64xf32, #tpu.memory_space<vmem>>, %arg9: memref<320x64xf32, #tpu.memory_space<vmem>>, %arg10: memref<320x64xf32, #tpu.memory_space<vmem>>, %arg11: memref<320xf32, #tpu.memory_space<vmem>>, %arg12: memref<320xf32, #tpu.memory_space<vmem>>, %arg13: memref<64xf32, #tpu.memory_space<vmem>>, %arg14: memref<64xf32, #tpu.memory_space<vmem>>) attributes {dimension_semantics = [#tpu.dimension_semantics<core_parallel>, #tpu.dimension_semantics<subcore_parallel>], iteration_bounds = array<i64: 2, 16>, scalar_prefetch = 0 : i64, scratch_operands = 7 : i64, tpu.core_type = #tpu.core_type<sc_vector_subcore>, window_params = [{transform_indices = #map}, {transform_indices = #map1}, {transform_indices = #map2}, {transform_indices = #map2}, {transform_indices = #map2}, {transform_indices = #map2}]} {
    %mul3A = arith.constant 2 : i32
    %mul3A_0 = arith.muli %arg1, %mul3A : i32
    %add3A = arith.addi %mul3A_0, %arg0 : i32
    %mul3A_1 = arith.constant 320 : i32
    %mul3A_2 = arith.muli %add3A, %mul3A_1 : i32
    "tpu.region"() ({
      %run_scoped3A_82 = tpu.sem_alloc : memref<!tpu.dma_semaphore, #tpu.memory_space<semaphore_mem>>
      %dma_start3A = arith.constant 0 : i32
      %dma_start3A_83 = tpu.memref_slice %arg3[%mul3A_2, %dma_start3A] : memref<10240x64xf32, #tpu.memory_space<hbm>> -> memref<320x64xf32, #tpu.memory_space<hbm>>
      %dma_start3A_84 = arith.constant 0 : i32
      %dma_start3A_85 = tpu.memref_slice %arg3[%mul3A_2, %dma_start3A_84] : memref<10240x64xf32, #tpu.memory_space<hbm>> -> memref<320x64xf32, #tpu.memory_space<hbm>>
      tpu.enqueue_dma source(%dma_start3A_85 : memref<320x64xf32, #tpu.memory_space<hbm>>) target(%arg8 : memref<320x64xf32, #tpu.memory_space<vmem>>) target_semaphore(%run_scoped3A_82 : memref<!tpu.dma_semaphore, #tpu.memory_space<semaphore_mem>>)
      %dma_wait3A = arith.constant 0 : i32
      %dma_wait3A_86 = tpu.memref_slice %arg3[%mul3A_2, %dma_wait3A] : memref<10240x64xf32, #tpu.memory_space<hbm>> -> memref<320x64xf32, #tpu.memory_space<hbm>>
      %dma_wait3A_87 = arith.constant 0 : i32
      %dma_wait3A_88 = tpu.memref_slice %arg3[%mul3A_2, %dma_wait3A_87] : memref<10240x64xf32, #tpu.memory_space<hbm>> -> memref<320x64xf32, #tpu.memory_space<hbm>>
      tpu.wait_dma2 semaphore(%run_scoped3A_82 : memref<!tpu.dma_semaphore, #tpu.memory_space<semaphore_mem>>) src(%dma_wait3A_88 : memref<320x64xf32, #tpu.memory_space<hbm>>) dst(%arg8 : memref<320x64xf32, #tpu.memory_space<vmem>>)
      tpu.yield
    }) : () -> ()
    %run_scoped3A = arith.constant 0 : i32
    "tpu.region"() ({
      %run_scoped3A_82 = tpu.sem_alloc : memref<!tpu.dma_semaphore, #tpu.memory_space<semaphore_mem>>
      %dma_start3A = arith.constant 0 : i32
      %dma_start3A_83 = tpu.memref_slice %arg2[%run_scoped3A, %mul3A_2, %dma_start3A] : memref<2x10240x64xf32, #tpu.memory_space<hbm>> -> memref<1x320x64xf32, #tpu.memory_space<hbm>>
      %dma_start3A_84 = tpu.memref_squeeze %dma_start3A_83 : memref<1x320x64xf32, #tpu.memory_space<hbm>> -> memref<320x64xf32, #tpu.memory_space<hbm>>
      %dma_start3A_85 = arith.constant 0 : i32
      %dma_start3A_86 = tpu.memref_slice %arg2[%run_scoped3A, %mul3A_2, %dma_start3A_85] : memref<2x10240x64xf32, #tpu.memory_space<hbm>> -> memref<1x320x64xf32, #tpu.memory_space<hbm>>
      %dma_start3A_87 = tpu.memref_squeeze %dma_start3A_86 : memref<1x320x64xf32, #tpu.memory_space<hbm>> -> memref<320x64xf32, #tpu.memory_space<hbm>>
      tpu.enqueue_dma source(%dma_start3A_87 : memref<320x64xf32, #tpu.memory_space<hbm>>) target(%arg9 : memref<320x64xf32, #tpu.memory_space<vmem>>) target_semaphore(%run_scoped3A_82 : memref<!tpu.dma_semaphore, #tpu.memory_space<semaphore_mem>>)
      %dma_wait3A = arith.constant 0 : i32
      %dma_wait3A_88 = tpu.memref_slice %arg2[%run_scoped3A, %mul3A_2, %dma_wait3A] : memref<2x10240x64xf32, #tpu.memory_space<hbm>> -> memref<1x320x64xf32, #tpu.memory_space<hbm>>
      %dma_wait3A_89 = tpu.memref_squeeze %dma_wait3A_88 : memref<1x320x64xf32, #tpu.memory_space<hbm>> -> memref<320x64xf32, #tpu.memory_space<hbm>>
      %dma_wait3A_90 = arith.constant 0 : i32
      %dma_wait3A_91 = tpu.memref_slice %arg2[%run_scoped3A, %mul3A_2, %dma_wait3A_90] : memref<2x10240x64xf32, #tpu.memory_space<hbm>> -> memref<1x320x64xf32, #tpu.memory_space<hbm>>
      %dma_wait3A_92 = tpu.memref_squeeze %dma_wait3A_91 : memref<1x320x64xf32, #tpu.memory_space<hbm>> -> memref<320x64xf32, #tpu.memory_space<hbm>>
      tpu.wait_dma2 semaphore(%run_scoped3A_82 : memref<!tpu.dma_semaphore, #tpu.memory_space<semaphore_mem>>) src(%dma_wait3A_92 : memref<320x64xf32, #tpu.memory_space<hbm>>) dst(%arg9 : memref<320x64xf32, #tpu.memory_space<vmem>>)
      tpu.yield
    }) : () -> ()
    %run_scoped3A_3 = arith.constant 1 : i32
    "tpu.region"() ({
      %run_scoped3A_82 = tpu.sem_alloc : memref<!tpu.dma_semaphore, #tpu.memory_space<semaphore_mem>>
      %dma_start3A = arith.constant 0 : i32
      %dma_start3A_83 = tpu.memref_slice %arg2[%run_scoped3A_3, %mul3A_2, %dma_start3A] : memref<2x10240x64xf32, #tpu.memory_space<hbm>> -> memref<1x320x64xf32, #tpu.memory_space<hbm>>
      %dma_start3A_84 = tpu.memref_squeeze %dma_start3A_83 : memref<1x320x64xf32, #tpu.memory_space<hbm>> -> memref<320x64xf32, #tpu.memory_space<hbm>>
      %dma_start3A_85 = arith.constant 0 : i32
      %dma_start3A_86 = tpu.memref_slice %arg2[%run_scoped3A_3, %mul3A_2, %dma_start3A_85] : memref<2x10240x64xf32, #tpu.memory_space<hbm>> -> memref<1x320x64xf32, #tpu.memory_space<hbm>>
      %dma_start3A_87 = tpu.memref_squeeze %dma_start3A_86 : memref<1x320x64xf32, #tpu.memory_space<hbm>> -> memref<320x64xf32, #tpu.memory_space<hbm>>
      tpu.enqueue_dma source(%dma_start3A_87 : memref<320x64xf32, #tpu.memory_space<hbm>>) target(%arg10 : memref<320x64xf32, #tpu.memory_space<vmem>>) target_semaphore(%run_scoped3A_82 : memref<!tpu.dma_semaphore, #tpu.memory_space<semaphore_mem>>)
      %dma_wait3A = arith.constant 0 : i32
      %dma_wait3A_88 = tpu.memref_slice %arg2[%run_scoped3A_3, %mul3A_2, %dma_wait3A] : memref<2x10240x64xf32, #tpu.memory_space<hbm>> -> memref<1x320x64xf32, #tpu.memory_space<hbm>>
      %dma_wait3A_89 = tpu.memref_squeeze %dma_wait3A_88 : memref<1x320x64xf32, #tpu.memory_space<hbm>> -> memref<320x64xf32, #tpu.memory_space<hbm>>
      %dma_wait3A_90 = arith.constant 0 : i32
      %dma_wait3A_91 = tpu.memref_slice %arg2[%run_scoped3A_3, %mul3A_2, %dma_wait3A_90] : memref<2x10240x64xf32, #tpu.memory_space<hbm>> -> memref<1x320x64xf32, #tpu.memory_space<hbm>>
      %dma_wait3A_92 = tpu.memref_squeeze %dma_wait3A_91 : memref<1x320x64xf32, #tpu.memory_space<hbm>> -> memref<320x64xf32, #tpu.memory_space<hbm>>
      tpu.wait_dma2 semaphore(%run_scoped3A_82 : memref<!tpu.dma_semaphore, #tpu.memory_space<semaphore_mem>>) src(%dma_wait3A_92 : memref<320x64xf32, #tpu.memory_space<hbm>>) dst(%arg10 : memref<320x64xf32, #tpu.memory_space<vmem>>)
      tpu.yield
    }) : () -> ()
    "tpu.region"() ({
      %run_scoped3A_82 = tpu.sem_alloc : memref<!tpu.dma_semaphore, #tpu.memory_space<semaphore_mem>>
      %dma_start3A = tpu.memref_slice %arg4[%mul3A_2] : memref<10240xf32, #tpu.memory_space<hbm>> -> memref<320xf32, #tpu.memory_space<hbm>>
      %dma_start3A_83 = tpu.memref_slice %arg4[%mul3A_2] : memref<10240xf32, #tpu.memory_space<hbm>> -> memref<320xf32, #tpu.memory_space<hbm>>
      tpu.enqueue_dma source(%dma_start3A_83 : memref<320xf32, #tpu.memory_space<hbm>>) target(%arg11 : memref<320xf32, #tpu.memory_space<vmem>>) target_semaphore(%run_scoped3A_82 : memref<!tpu.dma_semaphore, #tpu.memory_space<semaphore_mem>>)
      %dma_wait3A = tpu.memref_slice %arg4[%mul3A_2] : memref<10240xf32, #tpu.memory_space<hbm>> -> memref<320xf32, #tpu.memory_space<hbm>>
      %dma_wait3A_84 = tpu.memref_slice %arg4[%mul3A_2] : memref<10240xf32, #tpu.memory_space<hbm>> -> memref<320xf32, #tpu.memory_space<hbm>>
      tpu.wait_dma2 semaphore(%run_scoped3A_82 : memref<!tpu.dma_semaphore, #tpu.memory_space<semaphore_mem>>) src(%dma_wait3A_84 : memref<320xf32, #tpu.memory_space<hbm>>) dst(%arg11 : memref<320xf32, #tpu.memory_space<vmem>>)
      tpu.yield
    }) : () -> ()
    "tpu.region"() ({
      %run_scoped3A_82 = tpu.sem_alloc : memref<!tpu.dma_semaphore, #tpu.memory_space<semaphore_mem>>
      tpu.enqueue_dma source(%arg5 : memref<64xf32, #tpu.memory_space<hbm>>) target(%arg13 : memref<64xf32, #tpu.memory_space<vmem>>) target_semaphore(%run_scoped3A_82 : memref<!tpu.dma_semaphore, #tpu.memory_space<semaphore_mem>>)
      tpu.wait_dma2 semaphore(%run_scoped3A_82 : memref<!tpu.dma_semaphore, #tpu.memory_space<semaphore_mem>>) src(%arg5 : memref<64xf32, #tpu.memory_space<hbm>>) dst(%arg13 : memref<64xf32, #tpu.memory_space<vmem>>)
      tpu.yield
    }) : () -> ()
    "tpu.region"() ({
      %run_scoped3A_82 = tpu.sem_alloc : memref<!tpu.dma_semaphore, #tpu.memory_space<semaphore_mem>>
      tpu.enqueue_dma source(%arg6 : memref<64xf32, #tpu.memory_space<hbm>>) target(%arg14 : memref<64xf32, #tpu.memory_space<vmem>>) target_semaphore(%run_scoped3A_82 : memref<!tpu.dma_semaphore, #tpu.memory_space<semaphore_mem>>)
      tpu.wait_dma2 semaphore(%run_scoped3A_82 : memref<!tpu.dma_semaphore, #tpu.memory_space<semaphore_mem>>) src(%arg6 : memref<64xf32, #tpu.memory_space<hbm>>) dst(%arg14 : memref<64xf32, #tpu.memory_space<vmem>>)
      tpu.yield
    }) : () -> ()
    %iota3A = tpu.iota {dimensions = array<i32: 0>} : vector<16xi32>
    %eq3A = arith.constant 0 : i32
    %eq3A_4 = vector.broadcast %eq3A : i32 to vector<16xi32>
    %eq3A_5 = arith.cmpi eq, %iota3A, %eq3A_4 : vector<16xi32>
    %get3A = arith.constant 0 : index
    %get3A_6 = tpu.vector_load %arg14[%get3A] {strides = array<i32>} : memref<64xf32, #tpu.memory_space<vmem>>, vector<16xf32>,
    %bitcast3A = vector.bitcast %get3A_6 : vector<16xf32> to vector<16xi32>
    %add3A_7 = arith.constant 32767 : i32
    %add3A_8 = vector.broadcast %add3A_7 : i32 to vector<16xi32>
    %add3A_9 = arith.addi %bitcast3A, %add3A_8 : vector<16xi32>
    %shift_right_arithmetic3A = arith.constant 16 : i32
    %shift_right_arithmetic3A_10 = vector.broadcast %shift_right_arithmetic3A : i32 to vector<16xi32>
    %shift_right_arithmetic3A_11 = arith.shrsi %bitcast3A, %shift_right_arithmetic3A_10 : vector<16xi32>
    %and3A = arith.constant 1 : i32
    %and3A_12 = vector.broadcast %and3A : i32 to vector<16xi32>
    %and3A_13 = arith.andi %shift_right_arithmetic3A_11, %and3A_12 : vector<16xi32>
    %add3A_14 = arith.addi %add3A_9, %and3A_13 : vector<16xi32>
    %and3A_15 = arith.constant -65536 : i32
    %and3A_16 = vector.broadcast %and3A_15 : i32 to vector<16xi32>
    %and3A_17 = arith.andi %add3A_14, %and3A_16 : vector<16xi32>
    %bitcast3A_18 = vector.bitcast %and3A_17 : vector<16xi32> to vector<16xf32>
    %swap3A = arith.constant 0 : index
    %swap3A_19 = tpu.vector_load %arg14[%swap3A] {strides = array<i32>} : memref<64xf32, #tpu.memory_space<vmem>>, vector<16xf32>,
    tpu.vector_store %arg14[%swap3A], %bitcast3A_18 {strides = array<i32>} : memref<64xf32, #tpu.memory_space<vmem>>, vector<16xf32>,
    %get3A_20 = arith.constant 16 : index
    %get3A_21 = tpu.vector_load %arg14[%get3A_20] {strides = array<i32>} : memref<64xf32, #tpu.memory_space<vmem>>, vector<16xf32>,
    %bitcast3A_22 = vector.bitcast %get3A_21 : vector<16xf32> to vector<16xi32>
    %add3A_23 = arith.constant 32767 : i32
    %add3A_24 = vector.broadcast %add3A_23 : i32 to vector<16xi32>
    %add3A_25 = arith.addi %bitcast3A_22, %add3A_24 : vector<16xi32>
    %shift_right_arithmetic3A_26 = arith.constant 16 : i32
    %shift_right_arithmetic3A_27 = vector.broadcast %shift_right_arithmetic3A_26 : i32 to vector<16xi32>
    %shift_right_arithmetic3A_28 = arith.shrsi %bitcast3A_22, %shift_right_arithmetic3A_27 : vector<16xi32>
    %and3A_29 = arith.constant 1 : i32
    %and3A_30 = vector.broadcast %and3A_29 : i32 to vector<16xi32>
    %and3A_31 = arith.andi %shift_right_arithmetic3A_28, %and3A_30 : vector<16xi32>
    %add3A_32 = arith.addi %add3A_25, %and3A_31 : vector<16xi32>
    %and3A_33 = arith.constant -65536 : i32
    %and3A_34 = vector.broadcast %and3A_33 : i32 to vector<16xi32>
    %and3A_35 = arith.andi %add3A_32, %and3A_34 : vector<16xi32>
    %bitcast3A_36 = vector.bitcast %and3A_35 : vector<16xi32> to vector<16xf32>
    %swap3A_37 = arith.constant 16 : index
    %swap3A_38 = tpu.vector_load %arg14[%swap3A_37] {strides = array<i32>} : memref<64xf32, #tpu.memory_space<vmem>>, vector<16xf32>,
    tpu.vector_store %arg14[%swap3A_37], %bitcast3A_36 {strides = array<i32>} : memref<64xf32, #tpu.memory_space<vmem>>, vector<16xf32>,
    %get3A_39 = arith.constant 32 : index
    %get3A_40 = tpu.vector_load %arg14[%get3A_39] {strides = array<i32>} : memref<64xf32, #tpu.memory_space<vmem>>, vector<16xf32>,
    %bitcast3A_41 = vector.bitcast %get3A_40 : vector<16xf32> to vector<16xi32>
    %add3A_42 = arith.constant 32767 : i32
    %add3A_43 = vector.broadcast %add3A_42 : i32 to vector<16xi32>
    %add3A_44 = arith.addi %bitcast3A_41, %add3A_43 : vector<16xi32>
    %shift_right_arithmetic3A_45 = arith.constant 16 : i32
    %shift_right_arithmetic3A_46 = vector.broadcast %shift_right_arithmetic3A_45 : i32 to vector<16xi32>
    %shift_right_arithmetic3A_47 = arith.shrsi %bitcast3A_41, %shift_right_arithmetic3A_46 : vector<16xi32>
    %and3A_48 = arith.constant 1 : i32
    %and3A_49 = vector.broadcast %and3A_48 : i32 to vector<16xi32>
    %and3A_50 = arith.andi %shift_right_arithmetic3A_47, %and3A_49 : vector<16xi32>
    %add3A_51 = arith.addi %add3A_44, %and3A_50 : vector<16xi32>
    %and3A_52 = arith.constant -65536 : i32
    %and3A_53 = vector.broadcast %and3A_52 : i32 to vector<16xi32>
    %and3A_54 = arith.andi %add3A_51, %and3A_53 : vector<16xi32>
    %bitcast3A_55 = vector.bitcast %and3A_54 : vector<16xi32> to vector<16xf32>
    %swap3A_56 = arith.constant 32 : index
    %swap3A_57 = tpu.vector_load %arg14[%swap3A_56] {strides = array<i32>} : memref<64xf32, #tpu.memory_space<vmem>>, vector<16xf32>,
    tpu.vector_store %arg14[%swap3A_56], %bitcast3A_55 {strides = array<i32>} : memref<64xf32, #tpu.memory_space<vmem>>, vector<16xf32>,
    %get3A_58 = arith.constant 48 : index
    %get3A_59 = tpu.vector_load %arg14[%get3A_58] {strides = array<i32>} : memref<64xf32, #tpu.memory_space<vmem>>, vector<16xf32>,
    %bitcast3A_60 = vector.bitcast %get3A_59 : vector<16xf32> to vector<16xi32>
    %add3A_61 = arith.constant 32767 : i32
    %add3A_62 = vector.broadcast %add3A_61 : i32 to vector<16xi32>
    %add3A_63 = arith.addi %bitcast3A_60, %add3A_62 : vector<16xi32>
    %shift_right_arithmetic3A_64 = arith.constant 16 : i32
    %shift_right_arithmetic3A_65 = vector.broadcast %shift_right_arithmetic3A_64 : i32 to vector<16xi32>
    %shift_right_arithmetic3A_66 = arith.shrsi %bitcast3A_60, %shift_right_arithmetic3A_65 : vector<16xi32>
    %and3A_67 = arith.constant 1 : i32
    %and3A_68 = vector.broadcast %and3A_67 : i32 to vector<16xi32>
    %and3A_69 = arith.andi %shift_right_arithmetic3A_66, %and3A_68 : vector<16xi32>
    %add3A_70 = arith.addi %add3A_63, %and3A_69 : vector<16xi32>
    %and3A_71 = arith.constant -65536 : i32
    %and3A_72 = vector.broadcast %and3A_71 : i32 to vector<16xi32>
    %and3A_73 = arith.andi %add3A_70, %and3A_72 : vector<16xi32>
    %bitcast3A_74 = vector.bitcast %and3A_73 : vector<16xi32> to vector<16xf32>
    %swap3A_75 = arith.constant 48 : index
    %swap3A_76 = tpu.vector_load %arg14[%swap3A_75] {strides = array<i32>} : memref<64xf32, #tpu.memory_space<vmem>>, vector<16xf32>,
    tpu.vector_store %arg14[%swap3A_75], %bitcast3A_74 {strides = array<i32>} : memref<64xf32, #tpu.memory_space<vmem>>, vector<16xf32>,
    %scan3A = arith.constant 0 : i32
    %scan3A_77 = arith.constant 0 : i32
    %scan3A_78 = arith.constant 320 : i32
    %scan3A_79 = arith.addi %scan3A_77, %scan3A_78 : i32
    %scan3A_80 = arith.constant 1 : i32
    scf.for %scan3A_82 = %scan3A_77 to %scan3A_79 step %scan3A_80  : i32 {
      %broadcast_in_dim3A = vector.broadcast %scan3A_82 : i32 to vector<16xi32>
      %gather3A = tpu.vector_load_idx %arg11[%broadcast_in_dim3A] : memref<320xf32, #tpu.memory_space<vmem>>[vector<16xi32>], vector<16xf32>,
      %broadcast_in_dim3A_83 = arith.constant 0.000000e+00 : f32
      %broadcast_in_dim3A_84 = vector.broadcast %broadcast_in_dim3A_83 : f32 to vector<16xf32>
      %get3A_85 = arith.index_cast %scan3A_82 : i32 to index
      %get3A_86 = arith.constant 0 : index
      %get3A_87 = tpu.vector_load %arg9[%get3A_85, %get3A_86] {strides = array<i32>} : memref<320x64xf32, #tpu.memory_space<vmem>>, vector<16xf32>,
      %get3A_88 = arith.index_cast %scan3A_82 : i32 to index
      %get3A_89 = arith.constant 0 : index
      %get3A_90 = tpu.vector_load %arg10[%get3A_88, %get3A_89] {strides = array<i32>} : memref<320x64xf32, #tpu.memory_space<vmem>>, vector<16xf32>,
      %add3A_91 = arith.addf %get3A_87, %get3A_90 : vector<16xf32>
      %get3A_92 = arith.index_cast %scan3A_82 : i32 to index
      %get3A_93 = arith.constant 0 : index
      %get3A_94 = tpu.vector_load %arg8[%get3A_92, %get3A_93] {strides = array<i32>} : memref<320x64xf32, #tpu.memory_space<vmem>>, vector<16xf32>,
      %add3A_95 = arith.addf %add3A_91, %get3A_94 : vector<16xf32>
      %mul3A_96 = arith.mulf %gather3A, %add3A_95 : vector<16xf32>
      %get3A_97 = arith.constant 0 : index
      %get3A_98 = tpu.vector_load %arg13[%get3A_97] {strides = array<i32>} : memref<64xf32, #tpu.memory_space<vmem>>, vector<16xf32>,
      %add3A_99 = arith.addf %mul3A_96, %get3A_98 : vector<16xf32>
      %max3A = arith.constant 0.000000e+00 : f32
      %max3A_100 = vector.broadcast %max3A : f32 to vector<16xf32>
      %max3A_101 = arith.maximumf %add3A_99, %max3A_100 : vector<16xf32>
      %bitcast3A_102 = vector.bitcast %max3A_101 : vector<16xf32> to vector<16xi32>
      %add3A_103 = arith.constant 32767 : i32
      %add3A_104 = vector.broadcast %add3A_103 : i32 to vector<16xi32>
      %add3A_105 = arith.addi %bitcast3A_102, %add3A_104 : vector<16xi32>
      %shift_right_arithmetic3A_106 = arith.constant 16 : i32
      %shift_right_arithmetic3A_107 = vector.broadcast %shift_right_arithmetic3A_106 : i32 to vector<16xi32>
      %shift_right_arithmetic3A_108 = arith.shrsi %bitcast3A_102, %shift_right_arithmetic3A_107 : vector<16xi32>
      %and3A_109 = arith.constant 1 : i32
      %and3A_110 = vector.broadcast %and3A_109 : i32 to vector<16xi32>
      %and3A_111 = arith.andi %shift_right_arithmetic3A_108, %and3A_110 : vector<16xi32>
      %add3A_112 = arith.addi %add3A_105, %and3A_111 : vector<16xi32>
      %and3A_113 = arith.constant -65536 : i32
      %and3A_114 = vector.broadcast %and3A_113 : i32 to vector<16xi32>
      %and3A_115 = arith.andi %add3A_112, %and3A_114 : vector<16xi32>
      %bitcast3A_116 = vector.bitcast %and3A_115 : vector<16xi32> to vector<16xf32>
      %get3A_117 = arith.constant 0 : index
      %get3A_118 = tpu.vector_load %arg14[%get3A_117] {strides = array<i32>} : memref<64xf32, #tpu.memory_space<vmem>>, vector<16xf32>,
      %mul3A_119 = arith.mulf %bitcast3A_116, %get3A_118 : vector<16xf32>
      %add3A_120 = arith.addf %broadcast_in_dim3A_84, %mul3A_119 : vector<16xf32>
      %get3A_121 = arith.index_cast %scan3A_82 : i32 to index
      %get3A_122 = arith.constant 16 : index
      %get3A_123 = tpu.vector_load %arg9[%get3A_121, %get3A_122] {strides = array<i32>} : memref<320x64xf32, #tpu.memory_space<vmem>>, vector<16xf32>,
      %get3A_124 = arith.index_cast %scan3A_82 : i32 to index
      %get3A_125 = arith.constant 16 : index
      %get3A_126 = tpu.vector_load %arg10[%get3A_124, %get3A_125] {strides = array<i32>} : memref<320x64xf32, #tpu.memory_space<vmem>>, vector<16xf32>,
      %add3A_127 = arith.addf %get3A_123, %get3A_126 : vector<16xf32>
      %get3A_128 = arith.index_cast %scan3A_82 : i32 to index
      %get3A_129 = arith.constant 16 : index
      %get3A_130 = tpu.vector_load %arg8[%get3A_128, %get3A_129] {strides = array<i32>} : memref<320x64xf32, #tpu.memory_space<vmem>>, vector<16xf32>,
      %add3A_131 = arith.addf %add3A_127, %get3A_130 : vector<16xf32>
      %mul3A_132 = arith.mulf %gather3A, %add3A_131 : vector<16xf32>
      %get3A_133 = arith.constant 16 : index
      %get3A_134 = tpu.vector_load %arg13[%get3A_133] {strides = array<i32>} : memref<64xf32, #tpu.memory_space<vmem>>, vector<16xf32>,
      %add3A_135 = arith.addf %mul3A_132, %get3A_134 : vector<16xf32>
      %max3A_136 = arith.constant 0.000000e+00 : f32
      %max3A_137 = vector.broadcast %max3A_136 : f32 to vector<16xf32>
      %max3A_138 = arith.maximumf %add3A_135, %max3A_137 : vector<16xf32>
      %bitcast3A_139 = vector.bitcast %max3A_138 : vector<16xf32> to vector<16xi32>
      %add3A_140 = arith.constant 32767 : i32
      %add3A_141 = vector.broadcast %add3A_140 : i32 to vector<16xi32>
      %add3A_142 = arith.addi %bitcast3A_139, %add3A_141 : vector<16xi32>
      %shift_right_arithmetic3A_143 = arith.constant 16 : i32
      %shift_right_arithmetic3A_144 = vector.broadcast %shift_right_arithmetic3A_143 : i32 to vector<16xi32>
      %shift_right_arithmetic3A_145 = arith.shrsi %bitcast3A_139, %shift_right_arithmetic3A_144 : vector<16xi32>
      %and3A_146 = arith.constant 1 : i32
      %and3A_147 = vector.broadcast %and3A_146 : i32 to vector<16xi32>
      %and3A_148 = arith.andi %shift_right_arithmetic3A_145, %and3A_147 : vector<16xi32>
      %add3A_149 = arith.addi %add3A_142, %and3A_148 : vector<16xi32>
      %and3A_150 = arith.constant -65536 : i32
      %and3A_151 = vector.broadcast %and3A_150 : i32 to vector<16xi32>
      %and3A_152 = arith.andi %add3A_149, %and3A_151 : vector<16xi32>
      %bitcast3A_153 = vector.bitcast %and3A_152 : vector<16xi32> to vector<16xf32>
      %get3A_154 = arith.constant 16 : index
      %get3A_155 = tpu.vector_load %arg14[%get3A_154] {strides = array<i32>} : memref<64xf32, #tpu.memory_space<vmem>>, vector<16xf32>,
      %mul3A_156 = arith.mulf %bitcast3A_153, %get3A_155 : vector<16xf32>
      %add3A_157 = arith.addf %add3A_120, %mul3A_156 : vector<16xf32>
      %get3A_158 = arith.index_cast %scan3A_82 : i32 to index
      %get3A_159 = arith.constant 32 : index
      %get3A_160 = tpu.vector_load %arg9[%get3A_158, %get3A_159] {strides = array<i32>} : memref<320x64xf32, #tpu.memory_space<vmem>>, vector<16xf32>,
      %get3A_161 = arith.index_cast %scan3A_82 : i32 to index
      %get3A_162 = arith.constant 32 : index
      %get3A_163 = tpu.vector_load %arg10[%get3A_161, %get3A_162] {strides = array<i32>} : memref<320x64xf32, #tpu.memory_space<vmem>>, vector<16xf32>,
      %add3A_164 = arith.addf %get3A_160, %get3A_163 : vector<16xf32>
      %get3A_165 = arith.index_cast %scan3A_82 : i32 to index
      %get3A_166 = arith.constant 32 : index
      %get3A_167 = tpu.vector_load %arg8[%get3A_165, %get3A_166] {strides = array<i32>} : memref<320x64xf32, #tpu.memory_space<vmem>>, vector<16xf32>,
      %add3A_168 = arith.addf %add3A_164, %get3A_167 : vector<16xf32>
      %mul3A_169 = arith.mulf %gather3A, %add3A_168 : vector<16xf32>
      %get3A_170 = arith.constant 32 : index
      %get3A_171 = tpu.vector_load %arg13[%get3A_170] {strides = array<i32>} : memref<64xf32, #tpu.memory_space<vmem>>, vector<16xf32>,
      %add3A_172 = arith.addf %mul3A_169, %get3A_171 : vector<16xf32>
      %max3A_173 = arith.constant 0.000000e+00 : f32
      %max3A_174 = vector.broadcast %max3A_173 : f32 to vector<16xf32>
      %max3A_175 = arith.maximumf %add3A_172, %max3A_174 : vector<16xf32>
      %bitcast3A_176 = vector.bitcast %max3A_175 : vector<16xf32> to vector<16xi32>
      %add3A_177 = arith.constant 32767 : i32
      %add3A_178 = vector.broadcast %add3A_177 : i32 to vector<16xi32>
      %add3A_179 = arith.addi %bitcast3A_176, %add3A_178 : vector<16xi32>
      %shift_right_arithmetic3A_180 = arith.constant 16 : i32
      %shift_right_arithmetic3A_181 = vector.broadcast %shift_right_arithmetic3A_180 : i32 to vector<16xi32>
      %shift_right_arithmetic3A_182 = arith.shrsi %bitcast3A_176, %shift_right_arithmetic3A_181 : vector<16xi32>
      %and3A_183 = arith.constant 1 : i32
      %and3A_184 = vector.broadcast %and3A_183 : i32 to vector<16xi32>
      %and3A_185 = arith.andi %shift_right_arithmetic3A_182, %and3A_184 : vector<16xi32>
      %add3A_186 = arith.addi %add3A_179, %and3A_185 : vector<16xi32>
      %and3A_187 = arith.constant -65536 : i32
      %and3A_188 = vector.broadcast %and3A_187 : i32 to vector<16xi32>
      %and3A_189 = arith.andi %add3A_186, %and3A_188 : vector<16xi32>
      %bitcast3A_190 = vector.bitcast %and3A_189 : vector<16xi32> to vector<16xf32>
      %get3A_191 = arith.constant 32 : index
      %get3A_192 = tpu.vector_load %arg14[%get3A_191] {strides = array<i32>} : memref<64xf32, #tpu.memory_space<vmem>>, vector<16xf32>,
      %mul3A_193 = arith.mulf %bitcast3A_190, %get3A_192 : vector<16xf32>
      %add3A_194 = arith.addf %add3A_157, %mul3A_193 : vector<16xf32>
      %get3A_195 = arith.index_cast %scan3A_82 : i32 to index
      %get3A_196 = arith.constant 48 : index
      %get3A_197 = tpu.vector_load %arg9[%get3A_195, %get3A_196] {strides = array<i32>} : memref<320x64xf32, #tpu.memory_space<vmem>>, vector<16xf32>,
      %get3A_198 = arith.index_cast %scan3A_82 : i32 to index
      %get3A_199 = arith.constant 48 : index
      %get3A_200 = tpu.vector_load %arg10[%get3A_198, %get3A_199] {strides = array<i32>} : memref<320x64xf32, #tpu.memory_space<vmem>>, vector<16xf32>,
      %add3A_201 = arith.addf %get3A_197, %get3A_200 : vector<16xf32>
      %get3A_202 = arith.index_cast %scan3A_82 : i32 to index
      %get3A_203 = arith.constant 48 : index
      %get3A_204 = tpu.vector_load %arg8[%get3A_202, %get3A_203] {strides = array<i32>} : memref<320x64xf32, #tpu.memory_space<vmem>>, vector<16xf32>,
      %add3A_205 = arith.addf %add3A_201, %get3A_204 : vector<16xf32>
      %mul3A_206 = arith.mulf %gather3A, %add3A_205 : vector<16xf32>
      %get3A_207 = arith.constant 48 : index
      %get3A_208 = tpu.vector_load %arg13[%get3A_207] {strides = array<i32>} : memref<64xf32, #tpu.memory_space<vmem>>, vector<16xf32>,
      %add3A_209 = arith.addf %mul3A_206, %get3A_208 : vector<16xf32>
      %max3A_210 = arith.constant 0.000000e+00 : f32
      %max3A_211 = vector.broadcast %max3A_210 : f32 to vector<16xf32>
      %max3A_212 = arith.maximumf %add3A_209, %max3A_211 : vector<16xf32>
      %bitcast3A_213 = vector.bitcast %max3A_212 : vector<16xf32> to vector<16xi32>
      %add3A_214 = arith.constant 32767 : i32
      %add3A_215 = vector.broadcast %add3A_214 : i32 to vector<16xi32>
      %add3A_216 = arith.addi %bitcast3A_213, %add3A_215 : vector<16xi32>
      %shift_right_arithmetic3A_217 = arith.constant 16 : i32
      %shift_right_arithmetic3A_218 = vector.broadcast %shift_right_arithmetic3A_217 : i32 to vector<16xi32>
      %shift_right_arithmetic3A_219 = arith.shrsi %bitcast3A_213, %shift_right_arithmetic3A_218 : vector<16xi32>
      %and3A_220 = arith.constant 1 : i32
      %and3A_221 = vector.broadcast %and3A_220 : i32 to vector<16xi32>
      %and3A_222 = arith.andi %shift_right_arithmetic3A_219, %and3A_221 : vector<16xi32>
      %add3A_223 = arith.addi %add3A_216, %and3A_222 : vector<16xi32>
      %and3A_224 = arith.constant -65536 : i32
      %and3A_225 = vector.broadcast %and3A_224 : i32 to vector<16xi32>
      %and3A_226 = arith.andi %add3A_223, %and3A_225 : vector<16xi32>
      %bitcast3A_227 = vector.bitcast %and3A_226 : vector<16xi32> to vector<16xf32>
      %get3A_228 = arith.constant 48 : index
      %get3A_229 = tpu.vector_load %arg14[%get3A_228] {strides = array<i32>} : memref<64xf32, #tpu.memory_space<vmem>>, vector<16xf32>,
      %mul3A_230 = arith.mulf %bitcast3A_227, %get3A_229 : vector<16xf32>
      %add3A_231 = arith.addf %add3A_194, %mul3A_230 : vector<16xf32>
      %reduce_sum3A = arith.constant true
      %reduce_sum3A_232 = vector.broadcast %reduce_sum3A : i1 to vector<16xi1>
      %reduce_sum3A_233 = tpu.scan <sum>, %add3A_231 masked %reduce_sum3A_232 : vector<16xf32>, vector<16xi1> -> vector<16xf32>
      %reduce_sum3A_234 = vector.extract %reduce_sum3A_233[15] : f32 from vector<16xf32>
      %mul3A_235 = vector.broadcast %reduce_sum3A_234 : f32 to vector<16xf32>
      %mul3A_236 = arith.mulf %mul3A_235, %gather3A : vector<16xf32>
      tpu.vector_store_idx %arg12[%broadcast_in_dim3A], %mul3A_236 masked %eq3A_5 : memref<320xf32, #tpu.memory_space<vmem>>[vector<16xi32>], vector<16xf32>, vector<16xi1>
    }
    %scan3A_81 = arith.constant 320 : i32
    "tpu.region"() ({
      %run_scoped3A_82 = tpu.sem_alloc : memref<!tpu.dma_semaphore, #tpu.memory_space<semaphore_mem>>
      %dma_start3A = tpu.memref_slice %arg7[%mul3A_2] : memref<10240xf32, #tpu.memory_space<hbm>> -> memref<320xf32, #tpu.memory_space<hbm>>
      %dma_start3A_83 = tpu.memref_slice %arg7[%mul3A_2] : memref<10240xf32, #tpu.memory_space<hbm>> -> memref<320xf32, #tpu.memory_space<hbm>>
      tpu.enqueue_dma source(%arg12 : memref<320xf32, #tpu.memory_space<vmem>>) target(%dma_start3A_83 : memref<320xf32, #tpu.memory_space<hbm>>) target_semaphore(%run_scoped3A_82 : memref<!tpu.dma_semaphore, #tpu.memory_space<semaphore_mem>>)
      %dma_wait3A = tpu.memref_slice %arg7[%mul3A_2] : memref<10240xf32, #tpu.memory_space<hbm>> -> memref<320xf32, #tpu.memory_space<hbm>>
      %dma_wait3A_84 = tpu.memref_slice %arg7[%mul3A_2] : memref<10240xf32, #tpu.memory_space<hbm>> -> memref<320xf32, #tpu.memory_space<hbm>>
      tpu.wait_dma2 semaphore(%run_scoped3A_82 : memref<!tpu.dma_semaphore, #tpu.memory_space<semaphore_mem>>) src(%arg12 : memref<320xf32, #tpu.memory_space<vmem>>) dst(%dma_wait3A_84 : memref<320xf32, #tpu.memory_space<hbm>>)
      tpu.yield
    }) : () -> ()
    return
  }
}

module attributes {stable_mosaic.version = 14 : i64} {
  func.func @_mm1_body(%arg0: memref<10000x1xf32, #tpu.memory_space<vmem>>, %arg1: memref<10000x128xf32, #tpu.memory_space<vmem>>, %arg2: memref<128x64xf32, #tpu.memory_space<vmem>>, %arg3: memref<10240x64xf32, #tpu.memory_space<vmem>>, %arg4: memref<10000x1xf32, #tpu.memory_space<vmem>>) attributes {dimension_semantics = [], scalar_prefetch = 0 : i64, scratch_operands = 0 : i64, tpu.core_type = #tpu.core_type<tc>} {
    %get3A = arith.constant 0 : index
    %get3A_0 = arith.constant 0 : index
    %get3A_1 = vector.load %arg0[%get3A, %get3A_0] : memref<10000x1xf32, #tpu.memory_space<vmem>>, vector<10000x1xf32>
    %add3A = arith.constant 1.000000e+00 : f32
    %add3A_2 = vector.broadcast %add3A : f32 to vector<10000x1xf32>
    %add3A_3 = arith.addf %get3A_1, %add3A_2 : vector<10000x1xf32>
    %rsqrt3A = math.rsqrt %add3A_3 : vector<10000x1xf32>
    %get3A_4 = arith.constant 0 : index
    %get3A_5 = arith.constant 0 : index
    %get3A_6 = vector.load %arg1[%get3A_4, %get3A_5] : memref<10000x128xf32, #tpu.memory_space<vmem>>, vector<10000x128xf32>
    %get3A_7 = arith.constant 0 : index
    %get3A_8 = arith.constant 0 : index
    %get3A_9 = vector.load %arg2[%get3A_7, %get3A_8] : memref<128x64xf32, #tpu.memory_space<vmem>>, vector<128x64xf32>
    %dot_general3A = arith.constant dense<0.000000e+00> : vector<10000x64xf32>
    %dot_general3A_10 = tpu.matmul %get3A_6, %get3A_9, %dot_general3A {dimension_numbers = #tpu.dot_dimension_numbers<[1], [0], [0], [1], [0, 0, 1, 1], [], []>, transpose_lhs_hint = false} : vector<10000x128xf32>, vector<128x64xf32>, vector<10000x64xf32> -> vector<10000x64xf32>
    %mul3A = vector.broadcast %rsqrt3A : vector<10000x1xf32> to vector<10000x64xf32>
    %mul3A_11 = arith.mulf %dot_general3A_10, %mul3A : vector<10000x64xf32>
    %swap3A = arith.constant 0 : index
    %swap3A_12 = arith.constant 0 : index
    %swap3A_13 = vector.load %arg3[%swap3A, %swap3A_12] : memref<10240x64xf32, #tpu.memory_space<vmem>>, vector<10000x64xf32>
    tpu.vector_store %arg3[%swap3A, %swap3A_12], %mul3A_11 {strides = array<i32>} : memref<10240x64xf32, #tpu.memory_space<vmem>>, vector<10000x64xf32>,
    %broadcast_in_dim3A = arith.constant 0.000000e+00 : f32
    %broadcast_in_dim3A_14 = vector.broadcast %broadcast_in_dim3A : f32 to vector<240x64xf32>
    %swap3A_15 = arith.constant 10000 : index
    %swap3A_16 = arith.constant 0 : index
    %swap3A_17 = vector.load %arg3[%swap3A_15, %swap3A_16] : memref<10240x64xf32, #tpu.memory_space<vmem>>, vector<240x64xf32>
    tpu.vector_store %arg3[%swap3A_15, %swap3A_16], %broadcast_in_dim3A_14 {strides = array<i32>} : memref<10240x64xf32, #tpu.memory_space<vmem>>, vector<240x64xf32>,
    %swap3A_18 = arith.constant 0 : index
    %swap3A_19 = arith.constant 0 : index
    %swap3A_20 = vector.load %arg4[%swap3A_18, %swap3A_19] : memref<10000x1xf32, #tpu.memory_space<vmem>>, vector<10000x1xf32>
    tpu.vector_store %arg4[%swap3A_18, %swap3A_19], %rsqrt3A {strides = array<i32>} : memref<10000x1xf32, #tpu.memory_space<vmem>>, vector<10000x1xf32>,
    return
  }
}

</mosaic_0001>

<sc_bundles>
// kernel: kernel.10.cloned.1.call-start
scs
__scs_entry_jumppad:
0x0: {  	(pc) =	sbr.rel $0x88, $3  }
0x1: {  	(tag) =	ssettag $0x0;
	lr =	simm.s32 $0x1  }
0x2: {  	[smem:$0x3F9B] =	sst lr;
	_ =	strace $0xD0000000  }
0x3: {  	_ = 	snop  }
0x4: {  	_ = 	snop  }
0x5: {  	_ = 	snop  }
0x6: {  	_ = 	snop  }
0x7: {  	_ = 	snop  }
__scs_overlays_trampoline_lowered:
0x8: {  	[smem:$0x3FAA] =	sst s0  }
0x9: {  	[smem:$0x3FAB] =	sst s1  }
0xa: {  	[smem:$0x3FAC] =	sst s2  }
0xb: {  	[smem:$0x3FAD] =	sst s3  }
0xc: {  	[smem:$0x3FAE] =	sst s4  }
0xd: {  	[smem:$0x3FAF] =	sst s5  }
0xe: {  	[smem:$0x3FB0] =	sst s6  }
0xf: {  	[smem:$0x3FB1] =	sst s7  }
0x10: {  	[smem:$0x3FB2] =	sst s8  }
0x11: {  	[smem:$0x3FB3] =	sst s9;
	s0 =	simm.s32 @!p0 $0x0  }
0x12: {  	s1 =	sld [smem:$0x3F99];
	s0 =	simm.s32 @p0 $0x1  }
0x13: {  	[smem:$0x3FB4] =	sst s0;
	s0 =	simm.s32 @!p1 $0x0  }
0x14: {  	s2 =	sld [smem:$0x3F98];
	s0 =	simm.s32 @p1 $0x1  }
0x15: {  	[smem:$0x3FB5] =	sst s0;
	s0 =	simm.s32 @!p2 $0x0  }
0x16: {  	s3 =	sld [smem:$0x3FDB];
	s0 =	simm.s32 @p2 $0x1  }
0x17: {  	s4 =	simm.s32 $0x1BF5;
	[smem:$0x3FB7] =	sst s0  }
0x18: {  	s0 =	sld [smem:$0x3F9A];
	_ =	swait.ge [sflag:s4], $0x0  }
0x19: {  	s7 =	sld [smem:$0x3F9B]  }
0x1a: {  	s8 =	sadd.s32 $0xFFFFE003, lr  }
0x1b: {  	s9 =	sadd.s32 $0xFFFFFEF7, lr;
	s5 =	simm.s32 $0xFFFFFFFF;
	p2 =	slt.u32 s8, $0xFFFFF086  }
0x1c: {  	p1 =	slt.u32 s9, $0xF7A;
	s5 =	simm.s32 @!p2 $0x0  }
0x1d: {  	s5 =	simm.s32 @p1 $0x1;
	p0 =	seq.s32 s7, s2  }
0x1e: {  	s7 =	smul.u32 @!p0 $0xF7A, s2;
	p2 =	seq.s32 @!p0 s5, $0x0  }
0x1f: {  	s9 =	smul.u32 $0xF7A, s1;
	s8 =	simm.s32 @!p0 $0x1BF5;
	p2 =	por !p2, p0  }
0x20: {  	[sflag:s8] =	ssyncset.s32 @!p0 $0xFFFFF086;
	s6 =	sadd.s32 @!p0 s3, s7;
	s7 =	simm.s32 @!p0 $0x108  }
0x21: {  	s3 =	sadd.s32 s3, s9;
	s6 =	sadd.s32 @!p0 $0x88, s6;
	s7 =	simm.s32 @p2 $0x1082  }
0x22: {  	[simem:s7], [sflag:s8] =	dma.local @!p0 [hbm:s6], $0xF7A  }
0x23: {  	s9 =	sor.u32 $0xD0000000, s2;
	s6 =	simm.s32 $0x108;
	_ =	swait.ge @!p0 [sflag:s8], $0x0  }
0x24: {  	s3 =	sadd.s32 $0x88, s3;
	s6 =	simm.s32 @!p1 $0x1082;
	[sflag:s4] =	ssyncset.s32 $0xFFFFF086  }
0x25: {  	[simem:s6], [sflag:s4] =	dma.local [hbm:s3], $0xF7A  }
0x26: {  	[smem:$0x3F9B] =	sst s1;
	(tag) =	ssettag s2;
	_ =	strace s9  }
0x27: {  	s1 =	sld [smem:$0x3FAB]  }
0x28: {  	s2 =	sld [smem:$0x3FAC]  }
0x29: {  	s4 =	sld [smem:$0x3FAE]  }
0x2a: {  	p0 =	seq.s32 s5, $0x0;
	s5 =	sld [smem:$0x3FAF]  }
0x2b: {  	s6 =	sld [smem:$0x3FB0]  }
0x2c: {  	s7 =	sld [smem:$0x3FB1]  }
0x2d: {  	s3 =	simm.s32 $0x108;
	s8 =	sld [smem:$0x3FB2]  }
0x2e: {  	s3 =	simm.s32 @!p0 $0x1082;
	s9 =	sld [smem:$0x3FB3]  }
0x2f: {  	lr =	sadd.s32 s0, s3;
	s0 =	sld [smem:$0x3FAA]  }
0x30: {  	s3 =	sld [smem:$0x3FAD]  }
0x31: {  	[smem:$0x3FB6] =	sst s10  }
0x32: {  	s10 =	sld [smem:$0x3FB4];
	_ =	sdelay $0x3  }
0x33: {  	p0 =	seq.s32 s10, $0x1;
	s10 =	sld [smem:$0x3FB6];
	_ =	sdelay $0x3  }
0x34: {  	[smem:$0x3FB6] =	sst s10  }
0x35: {  	s10 =	sld [smem:$0x3FB5];
	_ =	sdelay $0x3  }
0x36: {  	p1 =	seq.s32 s10, $0x1;
	s10 =	sld [smem:$0x3FB6];
	_ =	sdelay $0x3  }
0x37: {  	[smem:$0x3FB6] =	sst s10  }
0x38: {  	s10 =	sld [smem:$0x3FB7]  }
0x39: {  	_ = 	snop;
	(pc) =	sbr.ind lr, $3  }
0x3a: {  	_ = 	snop  }
0x3b: {  	_ = 	snop  }
0x3c: {  	p2 =	seq.s32 s10, $0x1;
	s10 =	sld [smem:$0x3FB6]  }
0x3d: {  	_ =	shalt  }
0x3e: {  	_ =	shalt  }
0x3f: {  	_ =	shalt  }
0x40: {  	_ =	shalt  }
0x41: {  	_ =	shalt  }
0x42: {  	_ =	shalt  }
0x43: {  	_ =	shalt  }
0x44: {  	_ =	shalt  }
0x45: {  	_ =	shalt  }
0x46: {  	_ =	shalt  }
0x47: {  	_ =	shalt  }
0x48: {  	_ =	shalt  }
0x49: {  	_ =	shalt  }
0x4a: {  	_ =	shalt  }
0x4b: {  	_ =	shalt  }
0x4c: {  	_ =	shalt  }
0x4d: {  	_ =	shalt  }
0x4e: {  	_ =	shalt  }
0x4f: {  	_ =	shalt  }
0x50: {  	_ =	shalt  }
0x51: {  	_ =	shalt  }
0x52: {  	_ =	shalt  }
0x53: {  	_ =	shalt  }
0x54: {  	_ =	shalt  }
0x55: {  	_ =	shalt  }
0x56: {  	_ =	shalt  }
0x57: {  	_ =	shalt  }
0x58: {  	_ =	shalt  }
0x59: {  	_ =	shalt  }
0x5a: {  	_ =	shalt  }
0x5b: {  	_ =	shalt  }
0x5c: {  	_ =	shalt  }
0x5d: {  	_ =	shalt  }
0x5e: {  	_ =	shalt  }
0x5f: {  	_ =	shalt  }
0x60: {  	_ =	shalt  }
0x61: {  	_ =	shalt  }
0x62: {  	_ =	shalt  }
0x63: {  	_ =	shalt  }
0x64: {  	_ =	shalt  }
0x65: {  	_ =	shalt  }
0x66: {  	_ =	shalt  }
0x67: {  	_ =	shalt  }
0x68: {  	_ =	shalt  }
0x69: {  	_ =	shalt  }
0x6a: {  	_ =	shalt  }
0x6b: {  	_ =	shalt  }
0x6c: {  	_ =	shalt  }
0x6d: {  	_ =	shalt  }
0x6e: {  	_ =	shalt  }
0x6f: {  	_ =	shalt  }
0x70: {  	_ =	shalt  }
0x71: {  	_ =	shalt  }
0x72: {  	_ =	shalt  }
0x73: {  	_ =	shalt  }
0x74: {  	_ =	shalt  }
0x75: {  	_ =	shalt  }
0x76: {  	_ =	shalt  }
0x77: {  	_ =	shalt  }
0x78: {  	_ =	shalt  }
0x79: {  	_ =	shalt  }
0x7a: {  	_ =	shalt  }
0x7b: {  	_ =	shalt  }
0x7c: {  	_ =	shalt  }
0x7d: {  	_ =	shalt  }
0x7e: {  	_ =	shalt  }
0x7f: {  	_ =	shalt  }
0x80: {  	_ =	shalt  }
0x81: {  	_ =	shalt  }
0x82: {  	_ =	shalt  }
0x83: {  	_ =	shalt  }
0x84: {  	_ =	shalt  }
0x85: {  	_ =	shalt  }
0x86: {  	_ =	shalt  }
0x87: {  	_ =	shalt  }
.Lfunc_end0:
.L_simem_size_0:
called_computation.1_lowered:
.L_overlay_start_0:
0x88: {  	s2 =	sld [smem:$0x3FD9]  }
0x89: {  	s3 =	sld [smem:$0x3FFE];
	_ =	sdelay $0x1  }
0x8a: {  	s1 =	srdreg.scid  }
0x8b: {  	s0 =	sand.u32 $0x1, s1  }
0x8c: {  	s16 =	sshll.u32 s0, $0xA;
	s2 =	sadd.s32 s3, s2  }
0x8d: {  	s2 =	sadd.s32 s2, s16  }
0x8e: {  	[smem:$0x3FC2] =	sst s2  }
0x8f: {  	_ = 	snop  }
0x90: {  	(tm) =	ssettm $0x1  }
0x91: {  	s17 =	sld [smem:$0x3FFB];
	_ =	sdelay $0x3  }
0x92: {  	_ =	strace s17  }
0x93: {  	s2 =	sld [smem:$0x3FFC];
	_ =	sdelay $0x3  }
0x94: {  	_ =	strace s2  }
0x95: {  	s2 =	sld [smem:$0x3FFD];
	_ =	sdelay $0x3  }
0x96: {  	_ =	strace s2  }
0x97: {  	_ =	strace $0x8FFFFFFF  }
0x98: {  	s18 =	sld [smem:$0x3FDB];
	_ =	sdelay $0x1  }
0x99: {  	s19 =	simm.s32 $_scs_section_size  }
0x9a: {  	s4 =	simm.s32 $_size__tile_overlayer_lowered;
	s5 =	simm.s32 $_tile_overlayer_lowered  }
0x9b: {  	s22 =	simm.s32 $0x1BFF;
	s21 =	sshll.u32 s5, $0x1;
	s2 =	sadd.s32 s19, s18  }
0x9c: {  	s6 =	simm.s32 $0x0;
	s20 =	sshll.u32 s4, $0x1;
	s4 =	sadd.s32 s21, s2  }
0x9d: {  	[timem:s6], [sflag:s22] =	dma.local [hbm:s4], s20  }
0x9e: {  	_ =	swait.ge [sflag:s22], s20  }
0x9f: {  	s3 =	ssub.s32 $0x0, s20;
	[sflag:s22] =	ssyncset.done $0x0  }
0xa0: {  	[sflag:s22] =	ssyncadd.s32 s3;
	_ =	sdelay $0x1  }
0xa1: {  	s23 =	simm.s32 $0x1B8B  }
0xa2: {  	_ =	swait.ge [sflag:s23], $0x1  }
0xa3: {  	[sflag:s23] =	ssyncset.done $0x0  }
0xa4: {  	s25 =	simm.s32 $0x1B8E;
	s24 =	sld [smem:$0x3FFE];
	[sflag:s23] =	ssyncadd.s32 $0xFFFFFFFF  }
0xa5: {  	s26 =	simm.s32 $execute0_lowered;
	[smem:$0x3FD2] =	sst s25  }
0xa6: {  	s4 =	sshll.u32 s26, $0x1;
	_ =	strace $0x80000049;
	[dreg:$0x1] =	wrdreg $0xFFFFFFFF  }
0xa7: {  	s28 =	simm.s32 $_size_execute0_lowered;
	s2 =	sadd.s32 s2, s4;
	[dreg:$0x0] =	wrdreg $0x0  }
0xa8: {  	s4 =	sshll.u32 s28, $0x1;
	[dreg:$0x2] =	wrdreg s2  }
0xa9: {  	[dreg:$0x3] =	wrdreg s4  }
0xaa: {  	[dreg:$0x4] =	wrdreg $0xC0  }
0xab: {  	_ =	task [dreg:s6], $0x5FFFF  }
0xac: {  	[dreg:$0x1] =	wrdreg $0xFFFFFFFF  }
0xad: {  	[dreg:$0x0] =	wrdreg $0x60  }
0xae: {  	[dreg:$0x2] =	wrdreg s24  }
0xaf: {  	[dreg:$0x3] =	wrdreg $0x8E800  }
0xb0: {  	[dreg:$0x4] =	wrdreg $0x9  }
0xb1: {  	_ =	task.clear_ibuf [dreg:s6], $0x5FFFF;
	_ =	strace $0x90000049  }
0xb2: {  	s29 =	simm.s32 $0x9;
	_ =	strace $0x8000004B  }
0xb3: {  	_ =	swait.ge [sflag:s29], $0x1  }
0xb4: {  	[sflag:s29] =	ssyncadd.s32 $0xFFFFFFFF  }
0xb5: {  	_ =	strace $0x9000004B  }
0xb6: {  	_ =	sfence  }
0xb7: {  	s30 =	sld [smem:$0x0];
	_ =	sdelay $0x2  }
0xb8: {  	s31 =	sshll.u32 s1, $0xD;
	s1 =	sshrl.u32 s1, $0x2  }
0xb9: {  	s3 =	sand.u32 $0x4000, s31;
	s1 =	sadd.s32 s1, s30  }
0xba: {  	s0 =	sor.u32 s3, s0;
	s1 =	sshll.u32 s1, $0x11  }
0xbb: {  	s0 =	sor.u32 s1, s0  }
0xbc: {  	s0 =	sadd.s32 $0x8F2B, s0  }
0xbd: {  	[sflag:s0] =	ssyncadd.remote.s32 $0x1  }
0xbe: {  	_ =	sfence.sel $0xFFFF  }
0xbf: {  	[dreg:$0x0] =	wrdreg $0xFFFFFFFF;
	(pc) =	sbr.abs _section_cstart, $3  }
0xc0: {  	[dreg:$0x1] =	wrdreg $0xFFFFFFFF  }
0xc1: {  	_ =	task.clear_ibuf [dreg:s6], $0x2FFFF;
	_ =	strace $0x9FFFFFFF  }
0xc2: {  	(tm) =	ssettm $0x7FFFFFFF  }
0xc3: {  	_ =	shalt  }
tec
execute0_lowered:
.L_overlay_start_1:
0x0: {  	(tag) =	ssettag $0x1  }
0x1: {  	s1 =	srdreg.scid  }
0x2: {  	s0 =	stileid.u32;
	s6 =	rddreg [dreg:$0x0]  }
0x3: {  	s2 =	rddreg [dreg:$0x1];
	s3 =	simm.s32 $0x0;
	s14 =	simm.s32 $0x7D  }
0x4: {  	s15 =	simm.s32 $0x5000;
	s16 =	simm.s32 $0x6F40;
	s17 =	simm.s32 $0x1  }
0x5: {  	s18 =	simm.s32 $0x2;
	s19 =	simm.s32 $0x2780;
	s20 =	simm.s32 $0x4F00  }
0x6: {  	s21 =	simm.s32 $0x4F80;
	s22 =	simm.s32 $0x0;
	s5 =	sand.u32 $0x1, s1  }
0x7: {  	s28 =	sshll.u32 s0, $0x1;
	s8 =	smul.u32 $0xA000, s0;
	[smem:$0x7FF] =	sst s3  }
0x8: {  	s4 =	sadd.s32 $0x29000, s6;
	s31 =	sshll.u32 s0, $0x6;
	s1 =	sor.u32 s5, s28  }
0x9: {  	s9 =	smul.u32 $0xA0000, s5;
	s30 =	ssub.s32 $0x2, s5;
	s5 =	sadd.s32 $0x3D000, s6  }
0xa: {  	s7 =	smul.u32 $0x500, s1;
	s1 =	rddreg [dreg:$0x2];
	_ =	strace $0x8000004A  }
0xb: {  	s11 =	sshrl.u32 s30, $0x1;
	s13 =	sadd.s32 s8, s2;
	s29 =	sadd.s32 s8, s9  }
0xc: {  	s11 =	ssub.s32 s30, s11;
	s10 =	sadd.s32 s7, s6;
	s7 =	sshrl.u32 s29, $0x3  }
0xd: {  	s12 =	sadd.s32 s7, s6;
	s6 =	sor.u32 $0x1C03, s31;
	s7 =	sadd.s32 $0x1F000, s10  }
0xe: {  	s8 =	sadd.s32 $0x15000, s10;
	s10 =	smax.u32 s11, $0x1;
	s11 =	sshrl.u32 s13, $0x3  }
0xf: {  	s13 =	simm.s32 $0x2800;
	s9 =	sadd.s32 $0x3E400, s12;
	s12 =	simm.s32 $0x3  }
.LBB2_1:
0x10: {  	[spmem:s11], [sflag:s6] =	dma.local [hbm:s5], $0x1400  }
0x11: {  	_ =	swait.ge [sflag:s12], $0x1400  }
0x12: {  	[sflag:s12] =	ssyncset.done $0x0  }
0x13: {  	[sflag:s12] =	ssyncadd.s32 $0xFFFFEC00  }
0x14: {  	[tilespmem:s3], [sflag:$0x3] =	stream.linear.gather [hbm4b:s7+s3], $0x2800, $0x38;
	[tilespmem:$0x12E80] =	vst v63  }
0x15: {  	_ =	swait.ge [sflag:s12], $0x2800  }
0x16: {  	[sflag:s12] =	ssyncset.done $0x0  }
0x17: {  	[sflag:s12] =	ssyncadd.s32 $0xFFFFD800  }
0x18: {  	[tilespmem:s13], [sflag:$0x3] =	stream.linear.gather [hbm4b:s8+s3], $0x2800, $0x38;
	[tilespmem:$0x12E80] =	vst v63  }
0x19: {  	_ =	swait.ge [sflag:s12], $0x2800  }
0x1a: {  	[sflag:s12] =	ssyncset.done $0x0  }
0x1b: {  	[sflag:s12] =	ssyncadd.s32 $0xFFFFD800  }
0x1c: {  	[bflag:$0x0] =	sbarrier.arrive $0xFFFF  }
0x1d: {  	[tilespmem:s15], [sflag:$0x1] =	stream.indirect.gather [hbm4b:s4+s14], $0x40, s3, s14, $0xb8;
	[tilespmem:$0x12E80] =	vst v63  }
0x1e: {  	s23 =	simm.s32 $0x80  }
0x1f: {  	[tilespmem:s16], [sflag:$0x2] =	stream.indirect.gather [hbm4b:s4+s14], $0x40, s23, s14, $0xb8;
	[tilespmem:$0x12E80] =	vst v63  }
0x20: {  	_ =	swait.ge [sflag:s17], $0x1F40  }
0x21: {  	[sflag:s17] =	ssyncset.done $0x0  }
0x22: {  	s29 =	simm.s32 $0x2800;
	[sflag:s17] =	ssyncadd.s32 $0xFFFFE0C0  }
0x23: {  	[spmem:s2] =	stream.indirect.scatter.add.f32 [tilespmem:s15], [sflag:$0x3], $0x40, s29, s14, $0xb8;
	[tilespmem:$0x12E80] =	vst v63  }
0x24: {  	_ =	swait.ge [sflag:s12], $0x1F40  }
0x25: {  	[sflag:s12] =	ssyncset.done $0x0  }
0x26: {  	s30 =	simm.s32 $0x100;
	[sflag:s12] =	ssyncadd.s32 $0xFFFFE0C0  }
0x27: {  	[tilespmem:s15], [sflag:$0x1] =	stream.indirect.gather [hbm4b:s4+s14], $0x40, s30, s14, $0xb8;
	[tilespmem:$0x12E80] =	vst v63  }
0x28: {  	_ =	swait.ge [sflag:s18], $0x1F40  }
0x29: {  	[sflag:s18] =	ssyncset.done $0x0  }
0x2a: {  	s31 =	simm.s32 $0x2880;
	[sflag:s18] =	ssyncadd.s32 $0xFFFFE0C0  }
0x2b: {  	[spmem:s2] =	stream.indirect.scatter.add.f32 [tilespmem:s16], [sflag:$0x3], $0x40, s31, s14, $0xb8;
	[tilespmem:$0x12E80] =	vst v63  }
0x2c: {  	_ =	swait.ge [sflag:s12], $0x1F40  }
0x2d: {  	s24 =	simm.s32 $0x800;
	s23 =	simm.s32 $0x100;
	[sflag:s12] =	ssyncset.done $0x0  }
.LBB2_2:
0x2e: {  	s25 =	sadd.s32 $0x80, s23  }
0x2f: {  	[sflag:s12] =	ssyncadd.s32 $0xFFFFE0C0;
	s26 =	smov.u32 s24;
	s28 =	sadd.s32 $0x400, s24  }
0x30: {  	[tilespmem:s16], [sflag:$0x2] =	stream.indirect.gather [hbm4b:s4+s14], $0x40, s25, s14, $0xb8;
	[tilespmem:$0x12E80] =	vst v63  }
0x31: {  	p0 =	sne.s32 s24, $0x9800;
	_ =	swait.ge [sflag:s17], $0x1F40  }
0x32: {  	[sflag:s17] =	ssyncset.done $0x0  }
0x33: {  	s24 =	sadd.s32 $0x2800, s23;
	[sflag:s17] =	ssyncadd.s32 $0xFFFFE0C0  }
0x34: {  	[spmem:s2] =	stream.indirect.scatter.add.f32 [tilespmem:s15], [sflag:$0x3], $0x40, s24, s14, $0xb8;
	[tilespmem:$0x12E80] =	vst v63  }
0x35: {  	_ =	swait.ge [sflag:s12], $0x1F40  }
0x36: {  	[sflag:s12] =	ssyncset.done $0x0  }
0x37: {  	s24 =	sadd.s32 $0x100, s23;
	[sflag:s12] =	ssyncadd.s32 $0xFFFFE0C0  }
0x38: {  	[tilespmem:s15], [sflag:$0x1] =	stream.indirect.gather [hbm4b:s4+s14], $0x40, s24, s14, $0xb8;
	[tilespmem:$0x12E80] =	vst v63  }
0x39: {  	_ =	swait.ge [sflag:s18], $0x1F40  }
.Ltmp0:
0x3a: {  	[sflag:s18] =	ssyncset.done $0x0;
	(pc) =	sbr.rel @p0 .LBB2_2-.Ltmp0, $4  }
0x3b: {  	s23 =	sadd.s32 $0x2880, s23;
	[sflag:s18] =	ssyncadd.s32 $0xFFFFE0C0  }
0x3c: {  	[spmem:s2] =	stream.indirect.scatter.add.f32 [tilespmem:s16], [sflag:$0x3], $0x40, s23, s14, $0xb8;
	[tilespmem:$0x12E80] =	vst v63  }
0x3d: {  	_ =	swait.ge [sflag:s12], $0x1F40  }
0x3e: {  	s24 =	smov.u32 s28;
	s23 =	sshra.s32 s26, $0x2;
	[sflag:s12] =	ssyncset.done $0x0  }
0x3f: {  	s24 =	sadd.s32 $0x80, s23;
	[sflag:s12] =	ssyncadd.s32 $0xFFFFE0C0  }
0x40: {  	[tilespmem:s16], [sflag:$0x2] =	stream.indirect.gather [hbm4b:s4+s14], $0x40, s24, s14, $0xb8;
	[tilespmem:$0x12E80] =	vst v63  }
0x41: {  	_ =	swait.ge [sflag:s17], $0x1F40  }
0x42: {  	[sflag:s17] =	ssyncset.done $0x0  }
0x43: {  	s29 =	sadd.s32 $0x2800, s23;
	[sflag:s17] =	ssyncadd.s32 $0xFFFFE0C0  }
0x44: {  	[spmem:s2] =	stream.indirect.scatter.add.f32 [tilespmem:s15], [sflag:$0x3], $0x40, s29, s14, $0xb8;
	[tilespmem:$0x12E80] =	vst v63  }
0x45: {  	_ =	swait.ge [sflag:s12], $0x1F40  }
0x46: {  	[sflag:s12] =	ssyncset.done $0x0  }
0x47: {  	s30 =	sadd.s32 $0x100, s23;
	[sflag:s12] =	ssyncadd.s32 $0xFFFFE0C0  }
0x48: {  	[tilespmem:s15], [sflag:$0x1] =	stream.indirect.gather [hbm4b:s4+s14], $0x40, s30, s14, $0xb8;
	[tilespmem:$0x12E80] =	vst v63  }
0x49: {  	_ =	swait.ge [sflag:s18], $0x1F40  }
0x4a: {  	[sflag:s18] =	ssyncset.done $0x0  }
0x4b: {  	s31 =	sadd.s32 $0x2880, s23;
	[sflag:s18] =	ssyncadd.s32 $0xFFFFE0C0  }
0x4c: {  	[spmem:s2] =	stream.indirect.scatter.add.f32 [tilespmem:s16], [sflag:$0x3], $0x40, s31, s14, $0xb8;
	[tilespmem:$0x12E80] =	vst v63  }
0x4d: {  	_ =	swait.ge [sflag:s12], $0x1F40  }
0x4e: {  	[sflag:s12] =	ssyncset.done $0x0  }
0x4f: {  	[sflag:s12] =	ssyncadd.s32 $0xFFFFE0C0  }
0x50: {  	[tilespmem:s16], [sflag:$0x2] =	stream.indirect.gather [hbm4b:s4+s14], $0x40, s19, s14, $0xb8;
	[tilespmem:$0x12E80] =	vst v63  }
0x51: {  	_ =	swait.ge [sflag:s17], $0x1F40  }
0x52: {  	[sflag:s17] =	ssyncset.done $0x0  }
0x53: {  	[sflag:s17] =	ssyncadd.s32 $0xFFFFE0C0  }
0x54: {  	[spmem:s2] =	stream.indirect.scatter.add.f32 [tilespmem:s15], [sflag:$0x3], $0x40, s20, s14, $0xb8;
	[tilespmem:$0x12E80] =	vst v63  }
0x55: {  	_ =	swait.ge [sflag:s12], $0x1F40  }
0x56: {  	[sflag:s12] =	ssyncset.done $0x0  }
0x57: {  	[sflag:s12] =	ssyncadd.s32 $0xFFFFE0C0  }
0x58: {  	_ =	swait.ge [sflag:s18], $0x1F40  }
0x59: {  	[sflag:s18] =	ssyncset.done $0x0  }
0x5a: {  	[sflag:s18] =	ssyncadd.s32 $0xFFFFE0C0  }
0x5b: {  	[spmem:s2] =	stream.indirect.scatter.add.f32 [tilespmem:s16], [sflag:$0x3], $0x40, s21, s14, $0xb8;
	[tilespmem:$0x12E80] =	vst v63  }
0x5c: {  	_ =	swait.ge [sflag:s12], $0x1F40  }
0x5d: {  	s22 =	sadd.s32 $0x1, s22;
	[sflag:s12] =	ssyncset.done $0x0  }
0x5e: {  	p0 =	sne.s32 s22, s10;
	[sflag:s12] =	ssyncadd.s32 $0xFFFFE0C0  }
.Ltmp1:
0x5f: {  	[bflag:$0x0] =	sbarrier.arrive $0xFFFF;
	(pc) =	sbr.rel @p0 .LBB2_1-.Ltmp1, $4  }
0x60: {  	[hbm:s9], [sflag:s6] =	dma.local [spmem:s11], $0x1400  }
0x61: {  	_ =	swait.ge [sflag:s12], $0x1400  }
0x62: {  	[sflag:s12] =	ssyncset.done $0x0  }
0x63: {  	[sflag:s12] =	ssyncadd.s32 $0xFFFFEC00  }
0x64: {  	_ =	sfence.sel $0x180000  }
0x65: {  	[bflag:$0x0] =	sbarrier.arrive $0xFFFF  }
0x66: {  	p0 =	sne.s32 s0, $0x0;
	_ =	strace $0x9000004A  }
0x67: {  	s0 =	sadd.s32 @!p0 $0x100000, s1;
	[bflag:$0x2] =	sbarrier.arrive $0xFFFF  }
0x68: {  	[sflag:s0] =	ssyncadd.tile.s32 @!p0 $0x1;
	_ =	shalt  }
.Lfunc_end2:
_tile_overlayer_lowered:
.L_overlay_start_2:
0x69: {  	(tag) =	ssettag $0x2  }
0x6a: {  	s0 =	rddreg [dreg:$0x0];
	s2 =	stileid.u32  }
0x6b: {  	s1 =	rddreg [dreg:$0x1];
	p0 =	sne.s32 s2, $0x0  }
0x6c: {  	s3 =	rddreg [dreg:$0x2];
	[bflag:$0x3] =	sbarrier.arrive $0xFFFF;
	s2 =	simm.s32 @!p0 $0x1C03  }
0x6d: {  	[timem:s3], [sflag:s2] =	dma.local @!p0 [hbm:s0], s1  }
0x6e: {  	s0 =	simm.s32 @!p0 $0x3  }
0x6f: {  	_ =	swait.ge @!p0 [sflag:s0], s1  }
0x70: {  	s1 =	ssub.s32 @!p0 $0x0, s1;
	[sflag:s0] =	ssyncset.done @!p0 $0x0  }
0x71: {  	[sflag:s0] =	ssyncadd.s32 @!p0 s1  }
0x72: {  	[bflag:$0x3] =	sbarrier.arrive $0xFFFF  }
0x73: {  	_ =	shalt  }

// kernel: kernel.13.cloned.1.call-start
scs
__scs_entry_jumppad:
0x0: {  	(pc) =	sbr.rel $0x88, $3  }
0x1: {  	(tag) =	ssettag $0x0;
	lr =	simm.s32 $0x1  }
0x2: {  	[smem:$0x3F9B] =	sst lr;
	_ =	strace $0xD0000000  }
0x3: {  	_ = 	snop  }
0x4: {  	_ = 	snop  }
0x5: {  	_ = 	snop  }
0x6: {  	_ = 	snop  }
0x7: {  	_ = 	snop  }
__scs_overlays_trampoline_lowered:
0x8: {  	[smem:$0x3FAA] =	sst s0  }
0x9: {  	[smem:$0x3FAB] =	sst s1  }
0xa: {  	[smem:$0x3FAC] =	sst s2  }
0xb: {  	[smem:$0x3FAD] =	sst s3  }
0xc: {  	[smem:$0x3FAE] =	sst s4  }
0xd: {  	[smem:$0x3FAF] =	sst s5  }
0xe: {  	[smem:$0x3FB0] =	sst s6  }
0xf: {  	[smem:$0x3FB1] =	sst s7  }
0x10: {  	[smem:$0x3FB2] =	sst s8  }
0x11: {  	[smem:$0x3FB3] =	sst s9;
	s0 =	simm.s32 @!p0 $0x0  }
0x12: {  	s1 =	sld [smem:$0x3F99];
	s0 =	simm.s32 @p0 $0x1  }
0x13: {  	[smem:$0x3FB4] =	sst s0;
	s0 =	simm.s32 @!p1 $0x0  }
0x14: {  	s2 =	sld [smem:$0x3F98];
	s0 =	simm.s32 @p1 $0x1  }
0x15: {  	[smem:$0x3FB5] =	sst s0;
	s0 =	simm.s32 @!p2 $0x0  }
0x16: {  	s3 =	sld [smem:$0x3FDB];
	s0 =	simm.s32 @p2 $0x1  }
0x17: {  	s4 =	simm.s32 $0x1BF5;
	[smem:$0x3FB7] =	sst s0  }
0x18: {  	s0 =	sld [smem:$0x3F9A];
	_ =	swait.ge [sflag:s4], $0x0  }
0x19: {  	s7 =	sld [smem:$0x3F9B]  }
0x1a: {  	s8 =	sadd.s32 $0xFFFFE003, lr  }
0x1b: {  	s9 =	sadd.s32 $0xFFFFFEF7, lr;
	s5 =	simm.s32 $0xFFFFFFFF;
	p2 =	slt.u32 s8, $0xFFFFF086  }
0x1c: {  	p1 =	slt.u32 s9, $0xF7A;
	s5 =	simm.s32 @!p2 $0x0  }
0x1d: {  	s5 =	simm.s32 @p1 $0x1;
	p0 =	seq.s32 s7, s2  }
0x1e: {  	s7 =	smul.u32 @!p0 $0xF7A, s2;
	p2 =	seq.s32 @!p0 s5, $0x0  }
0x1f: {  	s9 =	smul.u32 $0xF7A, s1;
	s8 =	simm.s32 @!p0 $0x1BF5;
	p2 =	por !p2, p0  }
0x20: {  	[sflag:s8] =	ssyncset.s32 @!p0 $0xFFFFF086;
	s6 =	sadd.s32 @!p0 s3, s7;
	s7 =	simm.s32 @!p0 $0x108  }
0x21: {  	s3 =	sadd.s32 s3, s9;
	s6 =	sadd.s32 @!p0 $0x88, s6;
	s7 =	simm.s32 @p2 $0x1082  }
0x22: {  	[simem:s7], [sflag:s8] =	dma.local @!p0 [hbm:s6], $0xF7A  }
0x23: {  	s9 =	sor.u32 $0xD0000000, s2;
	s6 =	simm.s32 $0x108;
	_ =	swait.ge @!p0 [sflag:s8], $0x0  }
0x24: {  	s3 =	sadd.s32 $0x88, s3;
	s6 =	simm.s32 @!p1 $0x1082;
	[sflag:s4] =	ssyncset.s32 $0xFFFFF086  }
0x25: {  	[simem:s6], [sflag:s4] =	dma.local [hbm:s3], $0xF7A  }
0x26: {  	[smem:$0x3F9B] =	sst s1;
	(tag) =	ssettag s2;
	_ =	strace s9  }
0x27: {  	s1 =	sld [smem:$0x3FAB]  }
0x28: {  	s2 =	sld [smem:$0x3FAC]  }
0x29: {  	s4 =	sld [smem:$0x3FAE]  }
0x2a: {  	p0 =	seq.s32 s5, $0x0;
	s5 =	sld [smem:$0x3FAF]  }
0x2b: {  	s6 =	sld [smem:$0x3FB0]  }
0x2c: {  	s7 =	sld [smem:$0x3FB1]  }
0x2d: {  	s3 =	simm.s32 $0x108;
	s8 =	sld [smem:$0x3FB2]  }
0x2e: {  	s3 =	simm.s32 @!p0 $0x1082;
	s9 =	sld [smem:$0x3FB3]  }
0x2f: {  	lr =	sadd.s32 s0, s3;
	s0 =	sld [smem:$0x3FAA]  }
0x30: {  	s3 =	sld [smem:$0x3FAD]  }
0x31: {  	[smem:$0x3FB6] =	sst s10  }
0x32: {  	s10 =	sld [smem:$0x3FB4];
	_ =	sdelay $0x3  }
0x33: {  	p0 =	seq.s32 s10, $0x1;
	s10 =	sld [smem:$0x3FB6];
	_ =	sdelay $0x3  }
0x34: {  	[smem:$0x3FB6] =	sst s10  }
0x35: {  	s10 =	sld [smem:$0x3FB5];
	_ =	sdelay $0x3  }
0x36: {  	p1 =	seq.s32 s10, $0x1;
	s10 =	sld [smem:$0x3FB6];
	_ =	sdelay $0x3  }
0x37: {  	[smem:$0x3FB6] =	sst s10  }
0x38: {  	s10 =	sld [smem:$0x3FB7]  }
0x39: {  	_ = 	snop;
	(pc) =	sbr.ind lr, $3  }
0x3a: {  	_ = 	snop  }
0x3b: {  	_ = 	snop  }
0x3c: {  	p2 =	seq.s32 s10, $0x1;
	s10 =	sld [smem:$0x3FB6]  }
0x3d: {  	_ =	shalt  }
0x3e: {  	_ =	shalt  }
0x3f: {  	_ =	shalt  }
0x40: {  	_ =	shalt  }
0x41: {  	_ =	shalt  }
0x42: {  	_ =	shalt  }
0x43: {  	_ =	shalt  }
0x44: {  	_ =	shalt  }
0x45: {  	_ =	shalt  }
0x46: {  	_ =	shalt  }
0x47: {  	_ =	shalt  }
0x48: {  	_ =	shalt  }
0x49: {  	_ =	shalt  }
0x4a: {  	_ =	shalt  }
0x4b: {  	_ =	shalt  }
0x4c: {  	_ =	shalt  }
0x4d: {  	_ =	shalt  }
0x4e: {  	_ =	shalt  }
0x4f: {  	_ =	shalt  }
0x50: {  	_ =	shalt  }
0x51: {  	_ =	shalt  }
0x52: {  	_ =	shalt  }
0x53: {  	_ =	shalt  }
0x54: {  	_ =	shalt  }
0x55: {  	_ =	shalt  }
0x56: {  	_ =	shalt  }
0x57: {  	_ =	shalt  }
0x58: {  	_ =	shalt  }
0x59: {  	_ =	shalt  }
0x5a: {  	_ =	shalt  }
0x5b: {  	_ =	shalt  }
0x5c: {  	_ =	shalt  }
0x5d: {  	_ =	shalt  }
0x5e: {  	_ =	shalt  }
0x5f: {  	_ =	shalt  }
0x60: {  	_ =	shalt  }
0x61: {  	_ =	shalt  }
0x62: {  	_ =	shalt  }
0x63: {  	_ =	shalt  }
0x64: {  	_ =	shalt  }
0x65: {  	_ =	shalt  }
0x66: {  	_ =	shalt  }
0x67: {  	_ =	shalt  }
0x68: {  	_ =	shalt  }
0x69: {  	_ =	shalt  }
0x6a: {  	_ =	shalt  }
0x6b: {  	_ =	shalt  }
0x6c: {  	_ =	shalt  }
0x6d: {  	_ =	shalt  }
0x6e: {  	_ =	shalt  }
0x6f: {  	_ =	shalt  }
0x70: {  	_ =	shalt  }
0x71: {  	_ =	shalt  }
0x72: {  	_ =	shalt  }
0x73: {  	_ =	shalt  }
0x74: {  	_ =	shalt  }
0x75: {  	_ =	shalt  }
0x76: {  	_ =	shalt  }
0x77: {  	_ =	shalt  }
0x78: {  	_ =	shalt  }
0x79: {  	_ =	shalt  }
0x7a: {  	_ =	shalt  }
0x7b: {  	_ =	shalt  }
0x7c: {  	_ =	shalt  }
0x7d: {  	_ =	shalt  }
0x7e: {  	_ =	shalt  }
0x7f: {  	_ =	shalt  }
0x80: {  	_ =	shalt  }
0x81: {  	_ =	shalt  }
0x82: {  	_ =	shalt  }
0x83: {  	_ =	shalt  }
0x84: {  	_ =	shalt  }
0x85: {  	_ =	shalt  }
0x86: {  	_ =	shalt  }
0x87: {  	_ =	shalt  }
.Lfunc_end0:
.L_simem_size_0:
called_computation.2_lowered:
.L_overlay_start_0:
0x88: {  	s2 =	sld [smem:$0x3FD9]  }
0x89: {  	s3 =	sld [smem:$0x3FFE];
	_ =	sdelay $0x1  }
0x8a: {  	s1 =	srdreg.scid  }
0x8b: {  	s0 =	sand.u32 $0x1, s1  }
0x8c: {  	s17 =	sshll.u32 s0, $0xA;
	s2 =	sadd.s32 s3, s2  }
0x8d: {  	s2 =	sadd.s32 s2, s17  }
0x8e: {  	[smem:$0x3FC2] =	sst s2  }
0x8f: {  	_ = 	snop  }
0x90: {  	s2 =	sld [smem:$0x3FC6]  }
0x91: {  	s18 =	sld [smem:$0x3FD0];
	(tm) =	ssettm $0x1  }
0x92: {  	s4 =	sld [smem:$0x3FFB];
	_ =	sdelay $0x3  }
0x93: {  	_ =	strace s4  }
0x94: {  	s4 =	sld [smem:$0x3FFC];
	_ =	sdelay $0x3  }
0x95: {  	_ =	strace s4  }
0x96: {  	s4 =	sld [smem:$0x3FFD];
	_ =	sdelay $0x3  }
0x97: {  	_ =	strace s4  }
0x98: {  	_ =	strace $0x8FFFFFFF  }
0x99: {  	s19 =	sld [smem:$0x3FDB];
	_ =	sdelay $0x1  }
0x9a: {  	s5 =	simm.s32 $_scs_section_size  }
0x9b: {  	s6 =	simm.s32 $_size__tile_overlayer_lowered;
	s7 =	simm.s32 $_tile_overlayer_lowered  }
0x9c: {  	s22 =	simm.s32 $0x1BFF;
	s21 =	sshll.u32 s7, $0x1;
	s4 =	sadd.s32 s5, s19  }
0x9d: {  	s8 =	simm.s32 $0x0;
	s20 =	sshll.u32 s6, $0x1;
	s6 =	sadd.s32 s21, s4  }
0x9e: {  	[timem:s8], [sflag:s22] =	dma.local [hbm:s6], s20  }
0x9f: {  	_ =	swait.ge [sflag:s22], s20  }
0xa0: {  	s5 =	ssub.s32 $0x0, s20;
	[sflag:s22] =	ssyncset.done $0x0  }
0xa1: {  	[sflag:s22] =	ssyncadd.s32 s5;
	_ =	sdelay $0x1  }
0xa2: {  	s23 =	simm.s32 $0x1B8B  }
0xa3: {  	_ =	swait.ge [sflag:s23], $0x1  }
0xa4: {  	[sflag:s23] =	ssyncset.done $0x0  }
0xa5: {  	s25 =	simm.s32 $0x1B8E;
	s24 =	sld [smem:$0x3FFE];
	[sflag:s23] =	ssyncadd.s32 $0xFFFFFFFF  }
0xa6: {  	s26 =	simm.s32 $execute0_lowered;
	[smem:$0x3FD2] =	sst s25  }
0xa7: {  	s6 =	sshll.u32 s26, $0x1;
	_ =	strace $0x8000004C;
	[dreg:$0x1] =	wrdreg $0xFFFFFFFF  }
0xa8: {  	s28 =	simm.s32 $_size_execute0_lowered;
	s4 =	sadd.s32 s4, s6;
	[dreg:$0x0] =	wrdreg $0x0  }
0xa9: {  	s6 =	sshll.u32 s28, $0x1;
	[dreg:$0x2] =	wrdreg s4  }
0xaa: {  	[dreg:$0x3] =	wrdreg s6  }
0xab: {  	[dreg:$0x4] =	wrdreg $0xC0  }
0xac: {  	_ =	task [dreg:s8], $0x5FFFF  }
0xad: {  	[dreg:$0x1] =	wrdreg $0xFFFFFFFF  }
0xae: {  	[dreg:$0x0] =	wrdreg $0x60  }
0xaf: {  	[dreg:$0x2] =	wrdreg s24  }
0xb0: {  	[dreg:$0x3] =	wrdreg s2  }
0xb1: {  	[dreg:$0x4] =	wrdreg s18  }
0xb2: {  	[dreg:$0x5] =	wrdreg $0x9  }
0xb3: {  	_ =	task.clear_ibuf [dreg:s8], $0x6FFFF;
	_ =	strace $0x9000004C  }
0xb4: {  	s29 =	simm.s32 $0x9;
	_ =	strace $0x8000004E  }
0xb5: {  	_ =	swait.ge [sflag:s29], $0x1  }
0xb6: {  	[sflag:s29] =	ssyncadd.s32 $0xFFFFFFFF  }
0xb7: {  	_ =	strace $0x9000004E  }
0xb8: {  	_ =	sfence  }
0xb9: {  	s30 =	sld [smem:$0x0];
	_ =	sdelay $0x2  }
0xba: {  	s31 =	sshll.u32 s1, $0xD;
	s1 =	sshrl.u32 s1, $0x2  }
0xbb: {  	s3 =	sand.u32 $0x4000, s31;
	s1 =	sadd.s32 s1, s30  }
0xbc: {  	s0 =	sor.u32 s3, s0;
	s1 =	sshll.u32 s1, $0x11  }
0xbd: {  	s0 =	sor.u32 s1, s0  }
0xbe: {  	s0 =	sadd.s32 $0x8F2B, s0  }
0xbf: {  	[sflag:s0] =	ssyncadd.remote.s32 $0x1  }
0xc0: {  	_ =	sfence.sel $0xFFFF  }
0xc1: {  	[dreg:$0x0] =	wrdreg $0xFFFFFFFF;
	(pc) =	sbr.abs _section_cstart, $3  }
0xc2: {  	[dreg:$0x1] =	wrdreg $0xFFFFFFFF  }
0xc3: {  	_ =	task.clear_ibuf [dreg:s8], $0x2FFFF;
	_ =	strace $0x9FFFFFFF  }
0xc4: {  	(tm) =	ssettm $0x7FFFFFFF  }
0xc5: {  	_ =	shalt  }
tec
execute0_lowered:
.L_overlay_start_1:
0x0: {  	(tag) =	ssettag $0x1  }
0x1: {  	s5 =	rddreg [dreg:$0x0];
	s1 =	srdreg.scid  }
0x2: {  	s0 =	stileid.u32;
	s2 =	rddreg [dreg:$0x1]  }
0x3: {  	s3 =	rddreg [dreg:$0x2];
	s4 =	simm.s32 $0x0;
	s11 =	simm.s32 $0x1  }
0x4: {  	s12 =	simm.s32 $0x5000;
	s13 =	simm.s32 $0xA000;
	s14 =	simm.s32 $0xF000  }
0x5: {  	s15 =	simm.s32 $0xF280;
	s6 =	sand.u32 $0x1, s1;
	s30 =	sshll.u32 s0, $0x1  }
0x6: {  	s16 =	simm.s32 $0xF2C0;
	s17 =	simm.s32 $0xF140;
	s7 =	sor.u32 s6, s30  }
0x7: {  	s18 =	simm.s32 $0x0;
	s1 =	rddreg [dreg:$0x3];
	s8 =	smul.u32 $0x5000, s7  }
0x8: {  	[smem:$0x7FF] =	sst s4;
	s6 =	ssub.s32 $0x2, s6;
	s7 =	smul.u32 $0x28, s7  }
0x9: {  	_ =	strace $0x8000004D;
	s31 =	sshrl.u32 s6, $0x1;
	s8 =	sshrl.u32 s8, $0x3  }
0xa: {  	s10 =	ssub.s32 s6, s31;
	s9 =	sadd.s32 s7, s5;
	s8 =	sadd.s32 s8, s5  }
0xb: {  	s10 =	smax.u32 s10, $0x1;
	s5 =	sadd.s32 $0x29000, s8;
	s6 =	sadd.s32 $0x3E400, s8  }
0xc: {  	s7 =	sadd.s32 $0x52400, s8;
	s8 =	sadd.s32 $0x66400, s9;
	s9 =	sadd.s32 $0x3D000, s9  }
.LBB2_1:
0xd: {  	[tilespmem:s4], [sflag:$0x1] =	stream.linear.gather [hbm4b:s5+s4], $0x5000, $0x38;
	[tilespmem:$0xF300] =	vst v63  }
0xe: {  	_ =	swait.ge [sflag:s11], $0x5000  }
0xf: {  	[sflag:s11] =	ssyncset.done $0x0  }
0x10: {  	[sflag:s11] =	ssyncadd.s32 $0xFFFFB000  }
0x11: {  	[tilespmem:s12], [sflag:$0x1] =	stream.linear.gather [hbm4b:s6+s4], $0x5000, $0x38;
	[tilespmem:$0xF300] =	vst v63  }
0x12: {  	_ =	swait.ge [sflag:s11], $0x5000  }
0x13: {  	[sflag:s11] =	ssyncset.done $0x0  }
0x14: {  	[sflag:s11] =	ssyncadd.s32 $0xFFFFB000  }
0x15: {  	[tilespmem:s13], [sflag:$0x1] =	stream.linear.gather [hbm4b:s7+s4], $0x5000, $0x38;
	[tilespmem:$0xF300] =	vst v63  }
0x16: {  	_ =	swait.ge [sflag:s11], $0x5000  }
0x17: {  	[sflag:s11] =	ssyncset.done $0x0  }
0x18: {  	[sflag:s11] =	ssyncadd.s32 $0xFFFFB000  }
0x19: {  	[tilespmem:s14], [sflag:$0x1] =	stream.linear.gather [hbm4b:s8+s4], $0x140, $0x38;
	[tilespmem:$0xF300] =	vst v63  }
0x1a: {  	_ =	swait.ge [sflag:s11], $0x140  }
0x1b: {  	[sflag:s11] =	ssyncset.done $0x0  }
0x1c: {  	[sflag:s11] =	ssyncadd.s32 $0xFFFFFEC0  }
0x1d: {  	[tilespmem:s15], [sflag:$0x1] =	stream.linear.gather [hbm4b:s2+s4], $0x40, $0x38;
	[tilespmem:$0xF300] =	vst v63  }
0x1e: {  	_ =	swait.ge [sflag:s11], $0x40  }
0x1f: {  	[sflag:s11] =	ssyncset.done $0x0  }
0x20: {  	[sflag:s11] =	ssyncadd.s32 $0xFFFFFFC0  }
0x21: {  	[tilespmem:s16], [sflag:$0x1] =	stream.linear.gather [hbm4b:s3+s4], $0x40, $0x38;
	[tilespmem:$0xF300] =	vst v63  }
0x22: {  	_ =	swait.ge [sflag:s11], $0x40  }
0x23: {  	[sflag:s11] =	ssyncset.done $0x0  }
0x24: {  	[sflag:s11] =	ssyncadd.s32 $0xFFFFFFC0  }
0x25: {  	v0 =	vld [tilespmem:$0xF2C0];
	_ =	sdelay $0x2  }
0x26: {  	v1 =	vld [tilespmem:$0xF2D0]  }
0x27: {  	v2 =	vld [tilespmem:$0xF2E0]  }
0x28: {  	v4 =	vld [tilespmem:$0xF2F0];
	v3 =	vshrl.u32 v0, $0x10  }
0x29: {  	v3 =	vand.u32 $0x1, v3  }
0x2a: {  	v0 =	vadd.s32 v3, v0  }
0x2b: {  	v3 =	vshrl.u32 v1, $0x10;
	v0 =	vadd.s32 $0x7FFF, v0  }
0x2c: {  	v5 =	vshrl.u32 v2, $0x10;
	v3 =	vand.u32 $0x1, v3;
	v0 =	vand.u32 $0xFFFF0000, v0  }
0x2d: {  	v1 =	vadd.s32 v3, v1;
	v3 =	vand.u32 $0x1, v5;
	v5 =	vshrl.u32 v4, $0x10  }
0x2e: {  	v1 =	vadd.s32 $0x7FFF, v1;
	v2 =	vadd.s32 v3, v2;
	v3 =	vand.u32 $0x1, v5  }
0x2f: {  	[tilespmem:$0xF2C0] =	vst v0;
	v0 =	vand.u32 $0xFFFF0000, v1;
	v1 =	vadd.s32 $0x7FFF, v2;
	v2 =	vadd.s32 v3, v4  }
0x30: {  	[tilespmem:$0xF2D0] =	vst v0;
	v0 =	vand.u32 $0xFFFF0000, v1;
	v1 =	vadd.s32 $0x7FFF, v2  }
0x31: {  	[tilespmem:$0xF2E0] =	vst v0;
	v0 =	vand.u32 $0xFFFF0000, v1  }
0x32: {  	s19 =	simm.s32 $0x20;
	[tilespmem:$0xF2F0] =	vst v0  }
0x33: {  	s20 =	simm.s32 $0x5020;
	v1 =	vld [tilespmem:s19+$0x10]  }
0x34: {  	s21 =	simm.s32 $0xA020;
	v4 =	vld [tilespmem:s20+$0x10]  }
0x35: {  	v5 =	vld [tilespmem:s21+$0x10]  }
0x36: {  	v2 =	vld [tilespmem:s20+$0x0]  }
0x37: {  	v3 =	vld [tilespmem:s21+$0x0]  }
0x38: {  	s22 =	simm.s32 $0x1;
	v0 =	vmov s4;
	v6 =	vld [tilespmem:s19+$0xFFFFFFE0]  }
.LBB2_2:
0x39: {  	p0 =	sne.s32 s22, $0x13F;
	v7 =	vld [tilespmem:s20+$0xFFFFFFE0]  }
0x3a: {  	v8 =	vld [tilespmem:s21+$0xFFFFFFE0]  }
0x3b: {  	v9 =	vld [tilespmem:s20+$0xFFFFFFF0]  }
0x3c: {  	v10 =	vld [tilespmem:s21+$0xFFFFFFF0]  }
0x3d: {  	v11 =	vld.idx.msk [tilespmem:v0+s14+$0x0], $0xffff  }
0x3e: {  	v12 =	vld [tilespmem:s19+$0xFFFFFFF0]  }
0x3f: {  	v7 =	vadd.f32 v8, v7;
	v8 =	vld [tilespmem:s19+$0x0]  }
0x40: {  	v4 =	vadd.f32 v5, v4;
	v13 =	vld [tilespmem:$0xF280]  }
0x41: {  	v5 =	vadd.f32 v6, v7;
	v6 =	vadd.f32 v10, v9;
	v7 =	vld [tilespmem:$0xF2B0]  }
0x42: {  	v2 =	vadd.f32 v3, v2;
	v9 =	vld [tilespmem:$0xF290]  }
0x43: {  	v1 =	vadd.f32 v1, v4;
	v3 =	vmul.f32 v5, v11;
	v5 =	vadd.f32 v12, v6;
	v6 =	vld [tilespmem:$0xF2A0]  }
0x44: {  	v2 =	vadd.f32 v8, v2  }
0x45: {  	v1 =	vmul.f32 v1, v11;
	v3 =	vadd.f32 v3, v13;
	v4 =	vmul.f32 v5, v11  }
0x46: {  	v2 =	vmul.f32 v2, v11  }
0x47: {  	v1 =	vadd.f32 v1, v7;
	v3 =	vmax.f32 v3, $0.0e+00;
	v4 =	vadd.f32 v4, v9  }
0x48: {  	v5 =	vshrl.u32 v3, $0x10;
	v7 =	vld [tilespmem:$0xF2C0];
	v2 =	vadd.f32 v2, v6  }
0x49: {  	v1 =	vmax.f32 v1, $0.0e+00;
	v5 =	vand.u32 $0x1, v5;
	v4 =	vmax.f32 v4, $0.0e+00  }
0x4a: {  	v3 =	vadd.s32 v5, v3;
	v5 =	vshrl.u32 v4, $0x10;
	v6 =	vld [tilespmem:$0xF2D0];
	v2 =	vmax.f32 v2, $0.0e+00  }
0x4b: {  	v8 =	vshrl.u32 v1, $0x10;
	v3 =	vadd.s32 $0x7FFF, v3;
	v5 =	vand.u32 $0x1, v5  }
0x4c: {  	v3 =	vand.u32 $0xFFFF0000, v3;
	v4 =	vadd.s32 v5, v4;
	v5 =	vshrl.u32 v2, $0x10;
	v9 =	vld [tilespmem:$0xF2E0]  }
0x4d: {  	v3 =	vmul.f32 v3, v7;
	v4 =	vadd.s32 $0x7FFF, v4;
	v5 =	vand.u32 $0x1, v5  }
0x4e: {  	v4 =	vand.u32 $0xFFFF0000, v4;
	v2 =	vadd.s32 v5, v2;
	v5 =	vand.u32 $0x1, v8;
	v7 =	vld [tilespmem:$0xF2F0]  }
0x4f: {  	v3 =	vadd.f32 $0.0e+00, v3;
	v4 =	vmul.f32 v4, v6;
	v2 =	vadd.s32 $0x7FFF, v2  }
0x50: {  	v1 =	vadd.s32 v5, v1;
	v2 =	vand.u32 $0xFFFF0000, v2  }
0x51: {  	v1 =	vadd.s32 $0x7FFF, v1;
	v3 =	vadd.f32 v4, v3;
	v2 =	vmul.f32 v2, v9  }
0x52: {  	v1 =	vand.u32 $0xFFFF0000, v1  }
0x53: {  	v2 =	vadd.f32 v2, v3;
	v1 =	vmul.f32 v1, v7;
	_ =	sdelay $0x1  }
0x54: {  	v1 =	vadd.f32 v1, v2;
	_ =	sdelay $0x1  }
0x55: {  	(xrf2) =	vadd.scan.msk.f32 $0xffff, v1;
	_ =	sdelay $0x9  }
0x56: {  	v1, _, _ =	vpop (xrf2)  }
0x57: {  	v1 =	vbroadcast v1, $0xF;
	_ =	sdelay $0x1  }
0x58: {  	v1 =	vmul.f32 v1, v11;
	_ =	sdelay $0x1  }
0x59: {  	s19 =	sadd.s32 $0x40, s19;
	[tilespmem:v0+s17+$0x0] =	vst.idx.msk $0x1, v1  }
0x5a: {  	s20 =	sadd.s32 $0x40, s20;
	v1 =	vld [tilespmem:s19+$0x10]  }
.Ltmp0:
0x5b: {  	s21 =	sadd.s32 $0x40, s21;
	v4 =	vld [tilespmem:s20+$0x10];
	(pc) =	sbr.rel @p0 .LBB2_2-.Ltmp0, $4  }
0x5c: {  	v5 =	vld [tilespmem:s21+$0x10]  }
0x5d: {  	v2 =	vld [tilespmem:s20+$0x0]  }
0x5e: {  	v3 =	vld [tilespmem:s21+$0x0]  }
0x5f: {  	v0 =	vmov s22;
	s22 =	sadd.s32 $0x1, s22;
	v6 =	vld [tilespmem:s19+$0xFFFFFFE0]  }
0x60: {  	v7 =	vld [tilespmem:s20+$0xFFFFFFE0]  }
0x61: {  	v8 =	vld [tilespmem:s21+$0xFFFFFFE0]  }
0x62: {  	v9 =	vld [tilespmem:s20+$0xFFFFFFF0]  }
0x63: {  	v10 =	vld [tilespmem:s21+$0xFFFFFFF0]  }
0x64: {  	v11 =	vld.idx.msk [tilespmem:v0+s14+$0x0], $0xffff  }
0x65: {  	v12 =	vld [tilespmem:s19+$0xFFFFFFF0]  }
0x66: {  	v46 =	vld [tilespmem:s19+$0x0];
	v7 =	vadd.f32 v8, v7  }
0x67: {  	v13 =	vld [tilespmem:$0xF280];
	v4 =	vadd.f32 v5, v4  }
0x68: {  	v49 =	vld [tilespmem:$0xF2B0];
	v48 =	vadd.f32 v10, v9;
	v47 =	vadd.f32 v6, v7  }
0x69: {  	v50 =	vld [tilespmem:$0xF290];
	v2 =	vadd.f32 v3, v2  }
0x6a: {  	v53 =	vld [tilespmem:$0xF2A0];
	v1 =	vadd.f32 v1, v4;
	v52 =	vadd.f32 v12, v48;
	v51 =	vmul.f32 v47, v11  }
0x6b: {  	v2 =	vadd.f32 v46, v2  }
0x6c: {  	v1 =	vmul.f32 v1, v11;
	v54 =	vmul.f32 v52, v11;
	v3 =	vadd.f32 v51, v13  }
0x6d: {  	v2 =	vmul.f32 v2, v11  }
0x6e: {  	v1 =	vadd.f32 v1, v49;
	v4 =	vadd.f32 v54, v50;
	v3 =	vmax.f32 v3, $0.0e+00  }
0x6f: {  	v56 =	vld [tilespmem:$0xF2C0];
	v2 =	vadd.f32 v2, v53;
	v55 =	vshrl.u32 v3, $0x10  }
0x70: {  	v1 =	vmax.f32 v1, $0.0e+00;
	v4 =	vmax.f32 v4, $0.0e+00;
	v5 =	vand.u32 $0x1, v55  }
0x71: {  	v58 =	vld [tilespmem:$0xF2D0];
	v59 =	vshrl.u32 v1, $0x10;
	v57 =	vshrl.u32 v4, $0x10;
	v3 =	vadd.s32 v5, v3  }
0x72: {  	v2 =	vmax.f32 v2, $0.0e+00;
	v5 =	vand.u32 $0x1, v57;
	v3 =	vadd.s32 $0x7FFF, v3  }
0x73: {  	v61 =	vld [tilespmem:$0xF2E0];
	v60 =	vshrl.u32 v2, $0x10;
	v4 =	vadd.s32 v5, v4;
	v3 =	vand.u32 $0xFFFF0000, v3  }
0x74: {  	v5 =	vand.u32 $0x1, v60;
	v4 =	vadd.s32 $0x7FFF, v4;
	v3 =	vmul.f32 v3, v56  }
0x75: {  	v63 =	vld [tilespmem:$0xF2F0];
	v62 =	vand.u32 $0x1, v59;
	v2 =	vadd.s32 v5, v2;
	v4 =	vand.u32 $0xFFFF0000, v4  }
0x76: {  	v2 =	vadd.s32 $0x7FFF, v2;
	v4 =	vmul.f32 v4, v58;
	v3 =	vadd.f32 $0.0e+00, v3  }
0x77: {  	v1 =	vadd.s32 v62, v1;
	v2 =	vand.u32 $0xFFFF0000, v2  }
0x78: {  	v1 =	vadd.s32 $0x7FFF, v1;
	v2 =	vmul.f32 v2, v61;
	v3 =	vadd.f32 v4, v3  }
0x79: {  	v1 =	vand.u32 $0xFFFF0000, v1  }
0x7a: {  	v1 =	vmul.f32 v1, v63;
	v2 =	vadd.f32 v2, v3;
	_ =	sdelay $0x1  }
0x7b: {  	v1 =	vadd.f32 v1, v2;
	_ =	sdelay $0x1  }
0x7c: {  	(xrf2) =	vadd.scan.msk.f32 $0xffff, v1;
	_ =	sdelay $0x9  }
0x7d: {  	v1, _, _ =	vpop (xrf2)  }
0x7e: {  	v1 =	vbroadcast v1, $0xF;
	_ =	sdelay $0x1  }
0x7f: {  	s18 =	sadd.s32 $0x1, s18;
	v1 =	vmul.f32 v1, v11  }
0x80: {  	p0 =	sne.s32 s18, s10  }
.Ltmp1:
0x81: {  	[tilespmem:v0+s17+$0x0] =	vst.idx.msk $0x1, v1;
	(pc) =	sbr.rel @p0 .LBB2_1-.Ltmp1, $4  }
0x82: {  	[hbm4b:s9+s4] =	stream.linear.scatter [tilespmem:s17], [sflag:$0x1], $0x140, $0x38;
	[tilespmem:$0xF300] =	vst v63  }
0x83: {  	_ =	swait.ge [sflag:s11], $0x140  }
0x84: {  	[sflag:s11] =	ssyncset.done $0x0  }
0x85: {  	[sflag:s11] =	ssyncadd.s32 $0xFFFFFEC0  }
0x86: {  	_ =	sfence.sel $0x180000  }
0x87: {  	[bflag:$0x0] =	sbarrier.arrive $0xFFFF  }
0x88: {  	p0 =	sne.s32 s0, $0x0;
	_ =	strace $0x9000004D  }
0x89: {  	s0 =	sadd.s32 @!p0 $0x100000, s1;
	[bflag:$0x2] =	sbarrier.arrive $0xFFFF  }
0x8a: {  	[sflag:s0] =	ssyncadd.tile.s32 @!p0 $0x1;
	_ =	shalt  }
.Lfunc_end2:
_tile_overlayer_lowered:
.L_overlay_start_2:
0x8b: {  	(tag) =	ssettag $0x2  }
0x8c: {  	s0 =	rddreg [dreg:$0x0];
	s2 =	stileid.u32  }
0x8d: {  	s1 =	rddreg [dreg:$0x1];
	p0 =	sne.s32 s2, $0x0  }
0x8e: {  	s3 =	rddreg [dreg:$0x2];
	[bflag:$0x3] =	sbarrier.arrive $0xFFFF;
	s2 =	simm.s32 @!p0 $0x1C01  }
0x8f: {  	[timem:s3], [sflag:s2] =	dma.local @!p0 [hbm:s0], s1  }
0x90: {  	s0 =	simm.s32 @!p0 $0x1  }
0x91: {  	_ =	swait.ge @!p0 [sflag:s0], s1  }
0x92: {  	s1 =	ssub.s32 @!p0 $0x0, s1;
	[sflag:s0] =	ssyncset.done @!p0 $0x0  }
0x93: {  	[sflag:s0] =	ssyncadd.s32 @!p0 s1  }
0x94: {  	[bflag:$0x3] =	sbarrier.arrive $0xFFFF  }
0x95: {  	_ =	shalt  }

// kernel: kernel.16.cloned.1.call-start
scs
__scs_entry_jumppad:
0x0: {  	(pc) =	sbr.rel $0x88, $3  }
0x1: {  	(tag) =	ssettag $0x0;
	lr =	simm.s32 $0x1  }
0x2: {  	[smem:$0x3F9B] =	sst lr;
	_ =	strace $0xD0000000  }
0x3: {  	_ = 	snop  }
0x4: {  	_ = 	snop  }
0x5: {  	_ = 	snop  }
0x6: {  	_ = 	snop  }
0x7: {  	_ = 	snop  }
__scs_overlays_trampoline_lowered:
0x8: {  	[smem:$0x3FAA] =	sst s0  }
0x9: {  	[smem:$0x3FAB] =	sst s1  }
0xa: {  	[smem:$0x3FAC] =	sst s2  }
0xb: {  	[smem:$0x3FAD] =	sst s3  }
0xc: {  	[smem:$0x3FAE] =	sst s4  }
0xd: {  	[smem:$0x3FAF] =	sst s5  }
0xe: {  	[smem:$0x3FB0] =	sst s6  }
0xf: {  	[smem:$0x3FB1] =	sst s7  }
0x10: {  	[smem:$0x3FB2] =	sst s8  }
0x11: {  	[smem:$0x3FB3] =	sst s9;
	s0 =	simm.s32 @!p0 $0x0  }
0x12: {  	s1 =	sld [smem:$0x3F99];
	s0 =	simm.s32 @p0 $0x1  }
0x13: {  	[smem:$0x3FB4] =	sst s0;
	s0 =	simm.s32 @!p1 $0x0  }
0x14: {  	s2 =	sld [smem:$0x3F98];
	s0 =	simm.s32 @p1 $0x1  }
0x15: {  	[smem:$0x3FB5] =	sst s0;
	s0 =	simm.s32 @!p2 $0x0  }
0x16: {  	s3 =	sld [smem:$0x3FDB];
	s0 =	simm.s32 @p2 $0x1  }
0x17: {  	s4 =	simm.s32 $0x1BF5;
	[smem:$0x3FB7] =	sst s0  }
0x18: {  	s0 =	sld [smem:$0x3F9A];
	_ =	swait.ge [sflag:s4], $0x0  }
0x19: {  	s7 =	sld [smem:$0x3F9B]  }
0x1a: {  	s8 =	sadd.s32 $0xFFFFE003, lr  }
0x1b: {  	s9 =	sadd.s32 $0xFFFFFEF7, lr;
	s5 =	simm.s32 $0xFFFFFFFF;
	p2 =	slt.u32 s8, $0xFFFFF086  }
0x1c: {  	p1 =	slt.u32 s9, $0xF7A;
	s5 =	simm.s32 @!p2 $0x0  }
0x1d: {  	s5 =	simm.s32 @p1 $0x1;
	p0 =	seq.s32 s7, s2  }
0x1e: {  	s7 =	smul.u32 @!p0 $0xF7A, s2;
	p2 =	seq.s32 @!p0 s5, $0x0  }
0x1f: {  	s9 =	smul.u32 $0xF7A, s1;
	s8 =	simm.s32 @!p0 $0x1BF5;
	p2 =	por !p2, p0  }
0x20: {  	[sflag:s8] =	ssyncset.s32 @!p0 $0xFFFFF086;
	s6 =	sadd.s32 @!p0 s3, s7;
	s7 =	simm.s32 @!p0 $0x108  }
0x21: {  	s3 =	sadd.s32 s3, s9;
	s6 =	sadd.s32 @!p0 $0x88, s6;
	s7 =	simm.s32 @p2 $0x1082  }
0x22: {  	[simem:s7], [sflag:s8] =	dma.local @!p0 [hbm:s6], $0xF7A  }
0x23: {  	s9 =	sor.u32 $0xD0000000, s2;
	s6 =	simm.s32 $0x108;
	_ =	swait.ge @!p0 [sflag:s8], $0x0  }
0x24: {  	s3 =	sadd.s32 $0x88, s3;
	s6 =	simm.s32 @!p1 $0x1082;
	[sflag:s4] =	ssyncset.s32 $0xFFFFF086  }
0x25: {  	[simem:s6], [sflag:s4] =	dma.local [hbm:s3], $0xF7A  }
0x26: {  	[smem:$0x3F9B] =	sst s1;
	(tag) =	ssettag s2;
	_ =	strace s9  }
0x27: {  	s1 =	sld [smem:$0x3FAB]  }
0x28: {  	s2 =	sld [smem:$0x3FAC]  }
0x29: {  	s4 =	sld [smem:$0x3FAE]  }
0x2a: {  	p0 =	seq.s32 s5, $0x0;
	s5 =	sld [smem:$0x3FAF]  }
0x2b: {  	s6 =	sld [smem:$0x3FB0]  }
0x2c: {  	s7 =	sld [smem:$0x3FB1]  }
0x2d: {  	s3 =	simm.s32 $0x108;
	s8 =	sld [smem:$0x3FB2]  }
0x2e: {  	s3 =	simm.s32 @!p0 $0x1082;
	s9 =	sld [smem:$0x3FB3]  }
0x2f: {  	lr =	sadd.s32 s0, s3;
	s0 =	sld [smem:$0x3FAA]  }
0x30: {  	s3 =	sld [smem:$0x3FAD]  }
0x31: {  	[smem:$0x3FB6] =	sst s10  }
0x32: {  	s10 =	sld [smem:$0x3FB4];
	_ =	sdelay $0x3  }
0x33: {  	p0 =	seq.s32 s10, $0x1;
	s10 =	sld [smem:$0x3FB6];
	_ =	sdelay $0x3  }
0x34: {  	[smem:$0x3FB6] =	sst s10  }
0x35: {  	s10 =	sld [smem:$0x3FB5];
	_ =	sdelay $0x3  }
0x36: {  	p1 =	seq.s32 s10, $0x1;
	s10 =	sld [smem:$0x3FB6];
	_ =	sdelay $0x3  }
0x37: {  	[smem:$0x3FB6] =	sst s10  }
0x38: {  	s10 =	sld [smem:$0x3FB7]  }
0x39: {  	_ = 	snop;
	(pc) =	sbr.ind lr, $3  }
0x3a: {  	_ = 	snop  }
0x3b: {  	_ = 	snop  }
0x3c: {  	p2 =	seq.s32 s10, $0x1;
	s10 =	sld [smem:$0x3FB6]  }
0x3d: {  	_ =	shalt  }
0x3e: {  	_ =	shalt  }
0x3f: {  	_ =	shalt  }
0x40: {  	_ =	shalt  }
0x41: {  	_ =	shalt  }
0x42: {  	_ =	shalt  }
0x43: {  	_ =	shalt  }
0x44: {  	_ =	shalt  }
0x45: {  	_ =	shalt  }
0x46: {  	_ =	shalt  }
0x47: {  	_ =	shalt  }
0x48: {  	_ =	shalt  }
0x49: {  	_ =	shalt  }
0x4a: {  	_ =	shalt  }
0x4b: {  	_ =	shalt  }
0x4c: {  	_ =	shalt  }
0x4d: {  	_ =	shalt  }
0x4e: {  	_ =	shalt  }
0x4f: {  	_ =	shalt  }
0x50: {  	_ =	shalt  }
0x51: {  	_ =	shalt  }
0x52: {  	_ =	shalt  }
0x53: {  	_ =	shalt  }
0x54: {  	_ =	shalt  }
0x55: {  	_ =	shalt  }
0x56: {  	_ =	shalt  }
0x57: {  	_ =	shalt  }
0x58: {  	_ =	shalt  }
0x59: {  	_ =	shalt  }
0x5a: {  	_ =	shalt  }
0x5b: {  	_ =	shalt  }
0x5c: {  	_ =	shalt  }
0x5d: {  	_ =	shalt  }
0x5e: {  	_ =	shalt  }
0x5f: {  	_ =	shalt  }
0x60: {  	_ =	shalt  }
0x61: {  	_ =	shalt  }
0x62: {  	_ =	shalt  }
0x63: {  	_ =	shalt  }
0x64: {  	_ =	shalt  }
0x65: {  	_ =	shalt  }
0x66: {  	_ =	shalt  }
0x67: {  	_ =	shalt  }
0x68: {  	_ =	shalt  }
0x69: {  	_ =	shalt  }
0x6a: {  	_ =	shalt  }
0x6b: {  	_ =	shalt  }
0x6c: {  	_ =	shalt  }
0x6d: {  	_ =	shalt  }
0x6e: {  	_ =	shalt  }
0x6f: {  	_ =	shalt  }
0x70: {  	_ =	shalt  }
0x71: {  	_ =	shalt  }
0x72: {  	_ =	shalt  }
0x73: {  	_ =	shalt  }
0x74: {  	_ =	shalt  }
0x75: {  	_ =	shalt  }
0x76: {  	_ =	shalt  }
0x77: {  	_ =	shalt  }
0x78: {  	_ =	shalt  }
0x79: {  	_ =	shalt  }
0x7a: {  	_ =	shalt  }
0x7b: {  	_ =	shalt  }
0x7c: {  	_ =	shalt  }
0x7d: {  	_ =	shalt  }
0x7e: {  	_ =	shalt  }
0x7f: {  	_ =	shalt  }
0x80: {  	_ =	shalt  }
0x81: {  	_ =	shalt  }
0x82: {  	_ =	shalt  }
0x83: {  	_ =	shalt  }
0x84: {  	_ =	shalt  }
0x85: {  	_ =	shalt  }
0x86: {  	_ =	shalt  }
0x87: {  	_ =	shalt  }
.Lfunc_end0:
.L_simem_size_0:
called_computation.3_lowered:
.L_overlay_start_0:
0x88: {  	s2 =	sld [smem:$0x3FD9]  }
0x89: {  	s3 =	sld [smem:$0x3FFE];
	_ =	sdelay $0x1  }
0x8a: {  	s1 =	srdreg.scid  }
0x8b: {  	s0 =	sand.u32 $0x1, s1  }
0x8c: {  	s17 =	sshll.u32 s0, $0xA;
	s2 =	sadd.s32 s3, s2  }
0x8d: {  	s2 =	sadd.s32 s2, s17  }
0x8e: {  	[smem:$0x3FC2] =	sst s2  }
0x8f: {  	_ = 	snop  }
0x90: {  	s2 =	sld [smem:$0x3FD0];
	(tm) =	ssettm $0x1  }
0x91: {  	s18 =	sld [smem:$0x3FFB];
	_ =	sdelay $0x3  }
0x92: {  	_ =	strace s18  }
0x93: {  	s3 =	sld [smem:$0x3FFC];
	_ =	sdelay $0x3  }
0x94: {  	_ =	strace s3  }
0x95: {  	s3 =	sld [smem:$0x3FFD];
	_ =	sdelay $0x3  }
0x96: {  	_ =	strace s3  }
0x97: {  	_ =	strace $0x8FFFFFFF  }
0x98: {  	s19 =	sld [smem:$0x3FDB];
	_ =	sdelay $0x1  }
0x99: {  	s4 =	simm.s32 $_scs_section_size  }
0x9a: {  	s5 =	simm.s32 $_size__tile_overlayer_lowered;
	s6 =	simm.s32 $_tile_overlayer_lowered  }
0x9b: {  	s22 =	simm.s32 $0x1BFF;
	s21 =	sshll.u32 s6, $0x1;
	s3 =	sadd.s32 s4, s19  }
0x9c: {  	s7 =	simm.s32 $0x0;
	s20 =	sshll.u32 s5, $0x1;
	s5 =	sadd.s32 s21, s3  }
0x9d: {  	[timem:s7], [sflag:s22] =	dma.local [hbm:s5], s20  }
0x9e: {  	_ =	swait.ge [sflag:s22], s20  }
0x9f: {  	s4 =	ssub.s32 $0x0, s20;
	[sflag:s22] =	ssyncset.done $0x0  }
0xa0: {  	[sflag:s22] =	ssyncadd.s32 s4;
	_ =	sdelay $0x1  }
0xa1: {  	s23 =	simm.s32 $0x1B8B  }
0xa2: {  	_ =	swait.ge [sflag:s23], $0x1  }
0xa3: {  	[sflag:s23] =	ssyncset.done $0x0  }
0xa4: {  	s25 =	simm.s32 $0x1B8E;
	s24 =	sld [smem:$0x3FFE];
	[sflag:s23] =	ssyncadd.s32 $0xFFFFFFFF  }
0xa5: {  	s26 =	simm.s32 $execute0_lowered;
	[smem:$0x3FD2] =	sst s25  }
0xa6: {  	s5 =	sshll.u32 s26, $0x1;
	_ =	strace $0x8000004F;
	[dreg:$0x1] =	wrdreg $0xFFFFFFFF  }
0xa7: {  	s28 =	simm.s32 $_size_execute0_lowered;
	s3 =	sadd.s32 s3, s5;
	[dreg:$0x0] =	wrdreg $0x0  }
0xa8: {  	s5 =	sshll.u32 s28, $0x1;
	[dreg:$0x2] =	wrdreg s3  }
0xa9: {  	[dreg:$0x3] =	wrdreg s5  }
0xaa: {  	[dreg:$0x4] =	wrdreg $0xC0  }
0xab: {  	_ =	task [dreg:s7], $0x5FFFF  }
0xac: {  	[dreg:$0x1] =	wrdreg $0xFFFFFFFF  }
0xad: {  	[dreg:$0x0] =	wrdreg $0x60  }
0xae: {  	[dreg:$0x2] =	wrdreg s24  }
0xaf: {  	[dreg:$0x3] =	wrdreg s2  }
0xb0: {  	[dreg:$0x4] =	wrdreg $0x13ED00  }
0xb1: {  	[dreg:$0x5] =	wrdreg $0x9  }
0xb2: {  	_ =	task.clear_ibuf [dreg:s7], $0x6FFFF;
	_ =	strace $0x9000004F  }
0xb3: {  	s29 =	simm.s32 $0x9;
	_ =	strace $0x80000051  }
0xb4: {  	_ =	swait.ge [sflag:s29], $0x1  }
0xb5: {  	[sflag:s29] =	ssyncadd.s32 $0xFFFFFFFF  }
0xb6: {  	_ =	strace $0x90000051  }
0xb7: {  	_ =	sfence  }
0xb8: {  	s30 =	sld [smem:$0x0];
	_ =	sdelay $0x2  }
0xb9: {  	s31 =	sshll.u32 s1, $0xD;
	s1 =	sshrl.u32 s1, $0x2  }
0xba: {  	s3 =	sand.u32 $0x4000, s31;
	s1 =	sadd.s32 s1, s30  }
0xbb: {  	s0 =	sor.u32 s3, s0;
	s1 =	sshll.u32 s1, $0x11  }
0xbc: {  	s0 =	sor.u32 s1, s0  }
0xbd: {  	s0 =	sadd.s32 $0x8F2B, s0  }
0xbe: {  	[sflag:s0] =	ssyncadd.remote.s32 $0x1  }
0xbf: {  	_ =	sfence.sel $0xFFFF  }
0xc0: {  	[dreg:$0x0] =	wrdreg $0xFFFFFFFF;
	(pc) =	sbr.abs _section_cstart, $3  }
0xc1: {  	[dreg:$0x1] =	wrdreg $0xFFFFFFFF  }
0xc2: {  	_ =	task.clear_ibuf [dreg:s7], $0x2FFFF;
	_ =	strace $0x9FFFFFFF  }
0xc3: {  	(tm) =	ssettm $0x7FFFFFFF  }
tec
execute0_lowered:
.L_overlay_start_1:
0x0: {  	(tag) =	ssettag $0x1  }
0x1: {  	s0 =	rddreg [dreg:$0x0]  }
0x2: {  	s1 =	rddreg [dreg:$0x1]  }
0x3: {  	s2 =	rddreg [dreg:$0x2];
	s20 =	stileid.u32;
	s4 =	simm.s32 $0x0  }
0x4: {  	s21 =	srdreg.scid;
	s28 =	simm.s32 $0x1;
	s30 =	simm.s32 $0x9C40  }
0x5: {  	s31 =	simm.s32 $0xC440;
	s29 =	simm.s32 $0x0;
	s3 =	smul.u32 $0x9C4, s20  }
0x6: {  	[smem:$0x7FF] =	sst s4;
	s24 =	sand.u32 $0x1, s21;
	s8 =	smul.u32 $0xA000, s20  }
0x7: {  	s22 =	sadd.s32 $0x3D000, s0;
	s4 =	sadd.s32 $0x66400, s0;
	s19 =	smul.u32 $0x280, s20  }
0x8: {  	s5 =	sadd.s32 $0x15000, s0;
	s26 =	smul.u32 $0xA00, s20;
	_ =	strace $0x80000050  }
0x9: {  	[dreg:$0x4] =	wrdreg s22;
	s6 =	ssub.s32 $0x2, s24;
	p0 =	sne.s32 s24, $0x0  }
0xa: {  	s3 =	sadd.s32 s3, s0;
	s7 =	sshrl.u32 s6, $0x1;
	s23 =	sshrl.u32 s8, $0x2  }
0xb: {  	s8 =	sadd.s32 s19, s2;
	s25 =	sshrl.u32 s19, $0x3;
	s0 =	ssub.s32 s6, s7  }
0xc: {  	s6 =	sadd.s32 $0xB200, s3;
	s7 =	sadd.s32 $0x1400, s3;
	s9 =	sadd.s32 s23, s2  }
0xd: {  	s10 =	sadd.s32 $0x2800, s8;
	s11 =	sadd.s32 $0x5000, s8;
	s12 =	sadd.s32 $0x7800, s8  }
0xe: {  	s13 =	sadd.s32 $0xA000, s8;
	s14 =	sadd.s32 $0xC800, s8;
	s15 =	sadd.s32 $0xF000, s8  }
.Ltmp0:
0xf: {  	s16 =	sadd.s32 $0x11800, s8;
	s17 =	sadd.s32 $0x14000, s8;
	(pc) =	sbr.rel .LBB2_1-.Ltmp0, $4  }
0x10: {  	s18 =	sadd.s32 $0x16800, s8;
	s19 =	sadd.s32 $0x19000, s8;
	s20 =	sadd.s32 $0x1B800, s8  }
0x11: {  	s21 =	sadd.s32 s1, s25;
	s22 =	sadd.s32 $0x1E000, s8;
	s2 =	sshrl.u32 s26, $0x2  }
0x12: {  	s23 =	smax.u32 s0, $0x1;
	s3 =	sadd.s32 $0x9C40, s2;
	s0 =	sadd.s32 $0xEC40, s2  }
0x13: {  	v2 =	vimm.f32 $0.0e+00;
	s24 =	sadd.s32 $0x20800, s8;
	s25 =	sadd.s32 $0x23000, s8;
	s26 =	sadd.s32 $0x25800, s8;
	v0 =	vmov s0;
	v1 =	vmov s3  }
.LBB2_9:
0x14: {  	[bflag:$0x0] =	sbarrier.arrive $0xFFFF  }
.LBB2_10:
0x15: {  	s29 =	sadd.s32 $0x1, s29  }
0x16: {  	p1 =	sne.s32 s29, s23  }
.Ltmp1:
0x17: {  	_ = 	snop;
	(pc) =	sbr.rel @!p1 .LBB2_11-.Ltmp1, $1  }
0x18: {  	_ =	sdelay $0x3  }
.LBB2_1:
.Ltmp2:
0x19: {  	(pc) =	sbr.rel @p0 .LBB2_9-.Ltmp2, $1  }
0x1a: {  	_ =	sdelay $0x3  }
0x1b: {  	s0 =	simm.s32 $0x0  }
0x1c: {  	[tilespmem:s0], [sflag:$0x1] =	stream.linear.gather [hbm4b:s6+s0], $0x4E20, $0x38;
	[tilespmem:$0x166D0] =	vst v63  }
0x1d: {  	_ =	swait.ge [sflag:s28], $0x4E20  }
0x1e: {  	[sflag:s28] =	ssyncset.done $0x0  }
0x1f: {  	s1 =	simm.s32 $0x4E20;
	[sflag:s28] =	ssyncadd.s32 $0xFFFFB1E0  }
0x20: {  	[tilespmem:s1], [sflag:$0x1] =	stream.linear.gather [hbm4b:s7+s0], $0x4E20, $0x38;
	[tilespmem:$0x166D0] =	vst v63  }
0x21: {  	_ =	swait.ge [sflag:s28], $0x4E20  }
0x22: {  	[sflag:s28] =	ssyncset.done $0x0  }
0x23: {  	s3 =	rddreg [dreg:$0x4];
	[sflag:s28] =	ssyncadd.s32 $0xFFFFB1E0  }
0x24: {  	[tilespmem:s30], [sflag:$0x1] =	stream.linear.gather [hbm4b:s3+s0], $0x2800, $0x38;
	[tilespmem:$0x166D0] =	vst v63  }
0x25: {  	_ =	swait.ge [sflag:s28], $0x2800  }
0x26: {  	[sflag:s28] =	ssyncset.done $0x0  }
0x27: {  	s2 =	simm.s32 $0x0;
	s1 =	simm.s32 $0x40;
	[sflag:s28] =	ssyncadd.s32 $0xFFFFD800  }
.LBB2_3:
0x28: {  	p1 =	sne.s32 s1, $0x9FC0;
	[tilespmem:s2+$0xC440] =	vst v2;
	s2 =	smov.u32 s1;
	s1 =	sadd.s32 $0x40, s1  }
.Ltmp3:
0x29: {  	(pc) =	sbr.rel @p1 .LBB2_3-.Ltmp3, $2  }
0x2a: {  	_ =	sdelay $0x2  }
0x2b: {  	s2 =	sshra.s32 s2, $0x2  }
0x2c: {  	[tilespmem:s2+$0xC440] =	vst v2  }
.LBB2_5:
0x2d: {  	s1 =	sshra.s32 s0, $0x2  }
0x2e: {  	v3 =	vld [tilespmem:s1+$0x0];
	_ =	sdelay $0x4  }
0x2f: {  	v4 =	vld [tilespmem:s1+$0x4E20];
	_ =	sdelay $0x2  }
0x30: {  	v3 =	vld.idx.msk [tilespmem:v3+s30+$0x0], $0xffff;
	_ =	sdelay $0x4  }
0x31: {  	[tilespmem:v4+s31+$0x0] =	vst.idx.add.f32.msk $0xffff, v3  }
0x32: {  	v3 =	vld [tilespmem:s1+$0x10];
	_ =	sdelay $0x4  }
0x33: {  	v4 =	vld [tilespmem:s1+$0x4E30];
	_ =	sdelay $0x2  }
0x34: {  	v3 =	vld.idx.msk [tilespmem:v3+s30+$0x0], $0xffff;
	_ =	sdelay $0x4  }
0x35: {  	[tilespmem:v4+s31+$0x0] =	vst.idx.add.f32.msk $0xffff, v3  }
0x36: {  	v3 =	vld [tilespmem:s1+$0x20];
	_ =	sdelay $0x4  }
0x37: {  	v4 =	vld [tilespmem:s1+$0x4E40];
	_ =	sdelay $0x2  }
0x38: {  	v3 =	vld.idx.msk [tilespmem:v3+s30+$0x0], $0xffff;
	_ =	sdelay $0x4  }
0x39: {  	[tilespmem:v4+s31+$0x0] =	vst.idx.add.f32.msk $0xffff, v3  }
0x3a: {  	v3 =	vld [tilespmem:s1+$0x30];
	_ =	sdelay $0x4  }
0x3b: {  	v4 =	vld [tilespmem:s1+$0x4E50];
	_ =	sdelay $0x2  }
0x3c: {  	v3 =	vld.idx.msk [tilespmem:v3+s30+$0x0], $0xffff;
	_ =	sdelay $0x4  }
0x3d: {  	[tilespmem:v4+s31+$0x0] =	vst.idx.add.f32.msk $0xffff, v3  }
0x3e: {  	v3 =	vld [tilespmem:s1+$0x40];
	_ =	sdelay $0x4  }
0x3f: {  	v4 =	vld [tilespmem:s1+$0x4E60];
	_ =	sdelay $0x2  }
0x40: {  	p1 =	sne.s32 s0, $0x13740;
	v3 =	vld.idx.msk [tilespmem:v3+s30+$0x0], $0xffff  }
.Ltmp4:
0x41: {  	_ = 	snop;
	(pc) =	sbr.rel @p1 .LBB2_5-.Ltmp4, $2  }
0x42: {  	_ =	sdelay $0x2  }
0x43: {  	s0 =	sadd.s32 $0x140, s0;
	[tilespmem:v4+s31+$0x0] =	vst.idx.add.f32.msk $0xffff, v3  }
0x44: {  	[spmem:s9] =	stream.linear.scatter [tilespmem:s31], [sflag:$0x1], $0x2800, $0x38;
	[tilespmem:$0x166D0] =	vst v63  }
0x45: {  	_ =	swait.ge [sflag:s28], $0x2800  }
0x46: {  	[sflag:s28] =	ssyncset.done $0x0  }
0x47: {  	[sflag:s28] =	ssyncadd.s32 $0xFFFFD800  }
0x48: {  	s0 =	simm.s32 $0x0;
	s1 =	simm.s32 $0xEC40;
	[bflag:$0x0] =	sbarrier.arrive $0xFFFF  }
0x49: {  	[tilespmem:s1], [sflag:$0x1] =	stream.linear.gather [hbm4b:s4+s0], $0x2800, $0x38;
	[tilespmem:$0x166D0] =	vst v63  }
0x4a: {  	_ =	swait.ge [sflag:s28], $0x2800  }
0x4b: {  	[sflag:s28] =	ssyncset.done $0x0  }
0x4c: {  	s2 =	simm.s32 $0x13EC0;
	[sflag:s28] =	ssyncadd.s32 $0xFFFFD800  }
0x4d: {  	[tilespmem:s2], [sflag:$0x1] =	stream.linear.gather [hbm4b:s5+s0], $0x10, $0x38;
	[tilespmem:$0x166D0] =	vst v63  }
0x4e: {  	_ =	swait.ge [sflag:s28], $0x10  }
0x4f: {  	[sflag:s28] =	ssyncset.done $0x0  }
0x50: {  	s3 =	simm.s32 $0x11440;
	[sflag:s28] =	ssyncadd.s32 $0xFFFFFFF0  }
0x51: {  	[tilespmem:s3], [sflag:$0x1] =	stream.linear.gather [spmem:s8], $0x280, $0x38;
	[tilespmem:$0x166D0] =	vst v63  }
0x52: {  	_ =	swait.ge [sflag:s28], $0x280  }
0x53: {  	[sflag:s28] =	ssyncset.done $0x0  }
0x54: {  	s1 =	simm.s32 $0x116C0;
	[sflag:s28] =	ssyncadd.s32 $0xFFFFFD80  }
0x55: {  	[tilespmem:s1], [sflag:$0x1] =	stream.linear.gather [spmem:s10], $0x280, $0x38;
	[tilespmem:$0x166D0] =	vst v63  }
0x56: {  	_ =	swait.ge [sflag:s28], $0x280  }
0x57: {  	[sflag:s28] =	ssyncset.done $0x0  }
0x58: {  	s2 =	simm.s32 $0x11940;
	[sflag:s28] =	ssyncadd.s32 $0xFFFFFD80  }
0x59: {  	[tilespmem:s2], [sflag:$0x1] =	stream.linear.gather [spmem:s11], $0x280, $0x38;
	[tilespmem:$0x166D0] =	vst v63  }
0x5a: {  	_ =	swait.ge [sflag:s28], $0x280  }
0x5b: {  	[sflag:s28] =	ssyncset.done $0x0  }
0x5c: {  	s3 =	simm.s32 $0x11BC0;
	[sflag:s28] =	ssyncadd.s32 $0xFFFFFD80  }
0x5d: {  	[tilespmem:s3], [sflag:$0x1] =	stream.linear.gather [spmem:s12], $0x280, $0x38;
	[tilespmem:$0x166D0] =	vst v63  }
0x5e: {  	_ =	swait.ge [sflag:s28], $0x280  }
0x5f: {  	[sflag:s28] =	ssyncset.done $0x0  }
0x60: {  	s1 =	simm.s32 $0x11E40;
	[sflag:s28] =	ssyncadd.s32 $0xFFFFFD80  }
0x61: {  	[tilespmem:s1], [sflag:$0x1] =	stream.linear.gather [spmem:s13], $0x280, $0x38;
	[tilespmem:$0x166D0] =	vst v63  }
0x62: {  	_ =	swait.ge [sflag:s28], $0x280  }
0x63: {  	[sflag:s28] =	ssyncset.done $0x0  }
0x64: {  	s2 =	simm.s32 $0x120C0;
	[sflag:s28] =	ssyncadd.s32 $0xFFFFFD80  }
0x65: {  	[tilespmem:s2], [sflag:$0x1] =	stream.linear.gather [spmem:s14], $0x280, $0x38;
	[tilespmem:$0x166D0] =	vst v63  }
0x66: {  	_ =	swait.ge [sflag:s28], $0x280  }
0x67: {  	[sflag:s28] =	ssyncset.done $0x0  }
0x68: {  	s3 =	simm.s32 $0x12340;
	[sflag:s28] =	ssyncadd.s32 $0xFFFFFD80  }
0x69: {  	[tilespmem:s3], [sflag:$0x1] =	stream.linear.gather [spmem:s15], $0x280, $0x38;
	[tilespmem:$0x166D0] =	vst v63  }
0x6a: {  	_ =	swait.ge [sflag:s28], $0x280  }
0x6b: {  	[sflag:s28] =	ssyncset.done $0x0  }
0x6c: {  	s1 =	simm.s32 $0x125C0;
	[sflag:s28] =	ssyncadd.s32 $0xFFFFFD80  }
0x6d: {  	[tilespmem:s1], [sflag:$0x1] =	stream.linear.gather [spmem:s16], $0x280, $0x38;
	[tilespmem:$0x166D0] =	vst v63  }
0x6e: {  	_ =	swait.ge [sflag:s28], $0x280  }
0x6f: {  	[sflag:s28] =	ssyncset.done $0x0  }
0x70: {  	s2 =	simm.s32 $0x12840;
	[sflag:s28] =	ssyncadd.s32 $0xFFFFFD80  }
0x71: {  	[tilespmem:s2], [sflag:$0x1] =	stream.linear.gather [spmem:s17], $0x280, $0x38;
	[tilespmem:$0x166D0] =	vst v63  }
0x72: {  	_ =	swait.ge [sflag:s28], $0x280  }
0x73: {  	[sflag:s28] =	ssyncset.done $0x0  }
0x74: {  	s3 =	simm.s32 $0x12AC0;
	[sflag:s28] =	ssyncadd.s32 $0xFFFFFD80  }
0x75: {  	[tilespmem:s3], [sflag:$0x1] =	stream.linear.gather [spmem:s18], $0x280, $0x38;
	[tilespmem:$0x166D0] =	vst v63  }
0x76: {  	_ =	swait.ge [sflag:s28], $0x280  }
0x77: {  	[sflag:s28] =	ssyncset.done $0x0  }
0x78: {  	s1 =	simm.s32 $0x12D40;
	[sflag:s28] =	ssyncadd.s32 $0xFFFFFD80  }
0x79: {  	[tilespmem:s1], [sflag:$0x1] =	stream.linear.gather [spmem:s19], $0x280, $0x38;
	[tilespmem:$0x166D0] =	vst v63  }
0x7a: {  	_ =	swait.ge [sflag:s28], $0x280  }
0x7b: {  	[sflag:s28] =	ssyncset.done $0x0  }
0x7c: {  	s2 =	simm.s32 $0x12FC0;
	[sflag:s28] =	ssyncadd.s32 $0xFFFFFD80  }
0x7d: {  	[tilespmem:s2], [sflag:$0x1] =	stream.linear.gather [spmem:s20], $0x280, $0x38;
	[tilespmem:$0x166D0] =	vst v63  }
0x7e: {  	_ =	swait.ge [sflag:s28], $0x280  }
0x7f: {  	[sflag:s28] =	ssyncset.done $0x0  }
0x80: {  	s3 =	simm.s32 $0x13240;
	[sflag:s28] =	ssyncadd.s32 $0xFFFFFD80  }
0x81: {  	[tilespmem:s3], [sflag:$0x1] =	stream.linear.gather [spmem:s22], $0x280, $0x38;
	[tilespmem:$0x166D0] =	vst v63  }
0x82: {  	_ =	swait.ge [sflag:s28], $0x280  }
0x83: {  	[sflag:s28] =	ssyncset.done $0x0  }
0x84: {  	s1 =	simm.s32 $0x134C0;
	[sflag:s28] =	ssyncadd.s32 $0xFFFFFD80  }
0x85: {  	[tilespmem:s1], [sflag:$0x1] =	stream.linear.gather [spmem:s24], $0x280, $0x38;
	[tilespmem:$0x166D0] =	vst v63  }
0x86: {  	_ =	swait.ge [sflag:s28], $0x280  }
0x87: {  	[sflag:s28] =	ssyncset.done $0x0  }
0x88: {  	s2 =	simm.s32 $0x13740;
	[sflag:s28] =	ssyncadd.s32 $0xFFFFFD80  }
0x89: {  	[tilespmem:s2], [sflag:$0x1] =	stream.linear.gather [spmem:s25], $0x280, $0x38;
	[tilespmem:$0x166D0] =	vst v63  }
0x8a: {  	_ =	swait.ge [sflag:s28], $0x280  }
0x8b: {  	[sflag:s28] =	ssyncset.done $0x0  }
0x8c: {  	s3 =	simm.s32 $0x139C0;
	[sflag:s28] =	ssyncadd.s32 $0xFFFFFD80  }
0x8d: {  	[tilespmem:s3], [sflag:$0x1] =	stream.linear.gather [spmem:s26], $0x280, $0x38;
	[tilespmem:$0x166D0] =	vst v63  }
0x8e: {  	_ =	swait.ge [sflag:s28], $0x280  }
0x8f: {  	[sflag:s28] =	ssyncset.done $0x0  }
0x90: {  	s1 =	simm.s32 $0x0;
	[sflag:s28] =	ssyncadd.s32 $0xFFFFFD80  }
0x91: {  	v3 =	vld [tilespmem:s1+$0x11440]  }
0x92: {  	v4 =	vld [tilespmem:s1+$0x116C0];
	_ =	sdelay $0x1  }
0x93: {  	v5 =	vld [tilespmem:s1+$0x11940];
	_ =	sdelay $0x1  }
0x94: {  	v6 =	vld [tilespmem:s1+$0x11BC0]  }
0x95: {  	v3 =	vadd.f32 v4, v3  }
0x96: {  	v4 =	vld [tilespmem:s1+$0x11E40]  }
0x97: {  	v3 =	vadd.f32 v5, v3  }
0x98: {  	v5 =	vld [tilespmem:s1+$0x120C0]  }
0x99: {  	v3 =	vadd.f32 v6, v3  }
0x9a: {  	v6 =	vld [tilespmem:s1+$0x12340]  }
0x9b: {  	v4 =	vadd.f32 v4, v3  }
0x9c: {  	v7 =	vld [tilespmem:s1+$0x125C0]  }
0x9d: {  	v8 =	vld [tilespmem:s1+$0x12AC0];
	v4 =	vadd.f32 v5, v4  }
0x9e: {  	s0 =	simm.s32 $0x10;
	v5 =	vld [tilespmem:s1+$0x12840]  }
0x9f: {  	v9 =	vld [tilespmem:s0+$0x11440];
	v4 =	vadd.f32 v6, v4  }
0xa0: {  	v10 =	vld [tilespmem:s0+$0x11940]  }
0xa1: {  	v6 =	vld [tilespmem:s1+$0x12D40];
	v4 =	vadd.f32 v7, v4  }
0xa2: {  	v7 =	vld [tilespmem:s0+$0x116C0]  }
0xa3: {  	v11 =	vld [tilespmem:s0+$0x11BC0];
	v4 =	vadd.f32 v5, v4  }
0xa4: {  	v5 =	vld [tilespmem:s1+$0x12FC0]  }
0xa5: {  	v12 =	vld [tilespmem:s0+$0x125C0];
	v4 =	vadd.f32 v8, v4  }
0xa6: {  	v8 =	vld [tilespmem:s1+$0x13240]  }
0xa7: {  	v7 =	vadd.f32 v7, v9;
	v9 =	vld [tilespmem:s0+$0x11E40];
	v4 =	vadd.f32 v6, v4  }
0xa8: {  	v6 =	vld [tilespmem:s1+$0x134C0]  }
0xa9: {  	v7 =	vadd.f32 v10, v7;
	v10 =	vld [tilespmem:s0+$0x120C0];
	v4 =	vadd.f32 v5, v4  }
0xaa: {  	v5 =	vld [tilespmem:s1+$0x13740]  }
0xab: {  	v7 =	vadd.f32 v11, v7;
	v11 =	vld [tilespmem:s0+$0x12340];
	v4 =	vadd.f32 v8, v4  }
0xac: {  	v8 =	vld [tilespmem:s1+$0x139C0]  }
0xad: {  	v3 =	vld [tilespmem:$0x13EC0];
	v7 =	vadd.f32 v9, v7;
	v4 =	vadd.f32 v6, v4  }
0xae: {  	v9 =	vld.idx.msk [tilespmem:v1+s1+$0x0 ss:$0x1], $0xffff  }
0xaf: {  	v6 =	vadd.f32 v10, v7;
	v7 =	vld [tilespmem:s0+$0x12840];
	v10 =	vadd.f32 v5, v4  }
0xb0: {  	v5 =	vld.idx.msk [tilespmem:v0+s1+$0x0 ss:$0x1], $0xffff  }
0xb1: {  	v4 =	vld [tilespmem:s0+$0x12D40];
	v11 =	vadd.f32 v11, v6;
	v13 =	vadd.f32 v8, v10  }
0xb2: {  	s2 =	simm.s32 $0x20;
	v8 =	vld [tilespmem:s0+$0x12AC0]  }
0xb3: {  	s3 =	simm.s32 $0xC0;
	v6 =	vld [tilespmem:s2+$0x11440];
	v10 =	vadd.f32 v12, v11;
	v9 =	vadd.f32 v9, v13  }
.LBB2_7:
0xb4: {  	p1 =	sne.s32 s3, $0x9C0;
	v11 =	vld [tilespmem:s2+$0x116C0]  }
0xb5: {  	v7 =	vadd.f32 v7, v10;
	v10 =	vld [tilespmem:s0+$0x12FC0];
	v5 =	vmul.f32 v9, v5  }
0xb6: {  	v9 =	vld [tilespmem:s2+$0x11940]  }
0xb7: {  	v7 =	vadd.f32 v8, v7;
	v8 =	vld [tilespmem:s0+$0x13240];
	v5 =	vadd.f32 v5, v3  }
0xb8: {  	v12 =	vld [tilespmem:s2+$0x11BC0]  }
0xb9: {  	v6 =	vadd.f32 v11, v6;
	v4 =	vadd.f32 v4, v7;
	v7 =	vld [tilespmem:s0+$0x134C0];
	v5 =	vmax.f32 v5, $0.0e+00  }
0xba: {  	v11 =	vld [tilespmem:s2+$0x11E40];
	[tilespmem:s1+$0x13C40] =	vst v5;
	s1 =	smov.u32 s0;
	s0 =	smov.u32 s2  }
0xbb: {  	v5 =	vadd.f32 v9, v6;
	v4 =	vadd.f32 v10, v4;
	v6 =	vld [tilespmem:s1+$0x13740]  }
0xbc: {  	v9 =	vld [tilespmem:s0+$0x120C0]  }
0xbd: {  	v5 =	vadd.f32 v12, v5;
	v4 =	vadd.f32 v8, v4;
	v8 =	vld [tilespmem:s1+$0x139C0]  }
0xbe: {  	v10 =	vld [tilespmem:s0+$0x12340]  }
0xbf: {  	v5 =	vadd.f32 v11, v5;
	v4 =	vadd.f32 v7, v4;
	v11 =	vld.idx.msk [tilespmem:v1+s1+$0x0 ss:$0x1], $0xffff  }
0xc0: {  	v12 =	vld [tilespmem:s0+$0x125C0]  }
.Ltmp5:
0xc1: {  	v9 =	vadd.f32 v9, v5;
	v6 =	vadd.f32 v6, v4;
	v5 =	vld.idx.msk [tilespmem:v0+s1+$0x0 ss:$0x1], $0xffff;
	(pc) =	sbr.rel @p1 .LBB2_7-.Ltmp5, $4  }
0xc2: {  	v7 =	vld [tilespmem:s0+$0x12840]  }
0xc3: {  	v9 =	vadd.f32 v10, v9;
	v4 =	vld [tilespmem:s0+$0x12D40];
	v13 =	vadd.f32 v8, v6  }
0xc4: {  	s2 =	sshra.s32 s3, $0x2;
	v8 =	vld [tilespmem:s0+$0x12AC0]  }
0xc5: {  	s3 =	sadd.s32 $0x40, s3;
	v6 =	vld [tilespmem:s2+$0x11440];
	v10 =	vadd.f32 v12, v9;
	v9 =	vadd.f32 v11, v13  }
0xc6: {  	v11 =	vld [tilespmem:s2+$0x116C0];
	_ =	sdelay $0x1  }
0xc7: {  	v40 =	vld [tilespmem:s2+$0x11940];
	v7 =	vadd.f32 v7, v10;
	v5 =	vmul.f32 v9, v5  }
0xc8: {  	v12 =	vld [tilespmem:s0+$0x12FC0]  }
0xc9: {  	v42 =	vld [tilespmem:s2+$0x11BC0];
	v7 =	vadd.f32 v8, v7;
	v5 =	vadd.f32 v5, v3  }
0xca: {  	v41 =	vld [tilespmem:s0+$0x13240];
	v6 =	vadd.f32 v11, v6  }
0xcb: {  	v44 =	vld [tilespmem:s2+$0x11E40];
	v4 =	vadd.f32 v4, v7;
	v5 =	vmax.f32 v5, $0.0e+00  }
0xcc: {  	v43 =	vld [tilespmem:s0+$0x134C0];
	[tilespmem:s1+$0x13C40] =	vst v5;
	v45 =	vadd.f32 v40, v6  }
0xcd: {  	v4 =	vadd.f32 v12, v4;
	v46 =	vld [tilespmem:s2+$0x120C0]  }
0xce: {  	v47 =	vld [tilespmem:s0+$0x13740];
	v5 =	vadd.f32 v42, v45  }
0xcf: {  	v48 =	vld [tilespmem:s2+$0x12340];
	v4 =	vadd.f32 v41, v4  }
0xd0: {  	v49 =	vld [tilespmem:s0+$0x139C0];
	v5 =	vadd.f32 v44, v5  }
0xd1: {  	v50 =	vld [tilespmem:s2+$0x125C0];
	v4 =	vadd.f32 v43, v4  }
0xd2: {  	v51 =	vld.idx.msk [tilespmem:v1+s0+$0x0 ss:$0x1], $0xffff;
	v5 =	vadd.f32 v46, v5  }
0xd3: {  	v52 =	vld [tilespmem:s2+$0x12840];
	v4 =	vadd.f32 v47, v4  }
0xd4: {  	v53 =	vld.idx.msk [tilespmem:v0+s0+$0x0 ss:$0x1], $0xffff;
	v5 =	vadd.f32 v48, v5  }
0xd5: {  	v54 =	vld [tilespmem:s2+$0x12AC0];
	v4 =	vadd.f32 v49, v4  }
0xd6: {  	v5 =	vadd.f32 v50, v5  }
0xd7: {  	v55 =	vld [tilespmem:s2+$0x12D40];
	v4 =	vadd.f32 v51, v4  }
0xd8: {  	v5 =	vadd.f32 v52, v5  }
0xd9: {  	v56 =	vld [tilespmem:s2+$0x12FC0];
	v4 =	vmul.f32 v4, v53  }
0xda: {  	v5 =	vadd.f32 v54, v5  }
0xdb: {  	v57 =	vld [tilespmem:s2+$0x13240];
	v4 =	vadd.f32 v4, v3  }
0xdc: {  	v5 =	vadd.f32 v55, v5  }
0xdd: {  	v58 =	vld [tilespmem:s2+$0x134C0];
	v4 =	vmax.f32 v4, $0.0e+00  }
0xde: {  	[tilespmem:s0+$0x13C40] =	vst v4;
	v59 =	vadd.f32 v56, v5  }
0xdf: {  	v60 =	vld [tilespmem:s2+$0x13740]  }
0xe0: {  	v4 =	vadd.f32 v57, v59  }
0xe1: {  	v61 =	vld [tilespmem:s2+$0x139C0]  }
0xe2: {  	v4 =	vadd.f32 v58, v4  }
0xe3: {  	v62 =	vld.idx.msk [tilespmem:v1+s2+$0x0 ss:$0x1], $0xffff  }
0xe4: {  	v4 =	vadd.f32 v60, v4  }
0xe5: {  	v63 =	vld.idx.msk [tilespmem:v0+s2+$0x0 ss:$0x1], $0xffff  }
0xe6: {  	v4 =	vadd.f32 v61, v4;
	_ =	sdelay $0x1  }
0xe7: {  	v4 =	vadd.f32 v62, v4;
	_ =	sdelay $0x1  }
0xe8: {  	v4 =	vmul.f32 v4, v63;
	_ =	sdelay $0x1  }
0xe9: {  	v3 =	vadd.f32 v4, v3;
	_ =	sdelay $0x1  }
0xea: {  	v3 =	vmax.f32 v3, $0.0e+00  }
.Ltmp6:
0xeb: {  	s3 =	simm.s32 $0x13C40;
	[tilespmem:s2+$0x13C40] =	vst v3;
	s2 =	simm.s32 $0x0;
	(pc) =	sbr.rel .LBB2_10-.Ltmp6, $4  }
0xec: {  	[hbm4b:s21+s2] =	stream.linear.scatter [tilespmem:s3], [sflag:$0x1], $0x280, $0x38;
	[tilespmem:$0x166D0] =	vst v63  }
0xed: {  	_ =	swait.ge [sflag:s28], $0x280  }
0xee: {  	[sflag:s28] =	ssyncset.done $0x0  }
0xef: {  	[sflag:s28] =	ssyncadd.s32 $0xFFFFFD80  }
.LBB2_11:
0xf0: {  	_ =	sfence.sel $0x180000  }
0xf1: {  	[bflag:$0x0] =	sbarrier.arrive $0xFFFF  }
0xf2: {  	_ =	strace $0x90000050  }
0xf3: {  	s0 =	stileid.u32;
	[bflag:$0x2] =	sbarrier.arrive $0xFFFF  }
0xf4: {  	p0 =	sne.s32 s0, $0x0;
	s0 =	rddreg [dreg:$0x3]  }
0xf5: {  	s0 =	sadd.s32 @!p0 $0x100000, s0  }
0xf6: {  	[sflag:s0] =	ssyncadd.tile.s32 @!p0 $0x1;
	_ =	shalt  }
.Lfunc_end2:
_tile_overlayer_lowered:
.L_overlay_start_2:
0xf7: {  	(tag) =	ssettag $0x2  }
0xf8: {  	s0 =	rddreg [dreg:$0x0];
	s2 =	stileid.u32  }
0xf9: {  	s1 =	rddreg [dreg:$0x1];
	p0 =	sne.s32 s2, $0x0  }
0xfa: {  	s3 =	rddreg [dreg:$0x2];
	[bflag:$0x3] =	sbarrier.arrive $0xFFFF;
	s2 =	simm.s32 @!p0 $0x1C01  }
0xfb: {  	[timem:s3], [sflag:s2] =	dma.local @!p0 [hbm:s0], s1  }
0xfc: {  	s0 =	simm.s32 @!p0 $0x1  }
0xfd: {  	_ =	swait.ge @!p0 [sflag:s0], s1  }
0xfe: {  	s1 =	ssub.s32 @!p0 $0x0, s1;
	[sflag:s0] =	ssyncset.done @!p0 $0x0  }
0xff: {  	[sflag:s0] =	ssyncadd.s32 @!p0 s1  }
0x100: {  	[bflag:$0x3] =	sbarrier.arrive $0xFFFF  }
0x101: {  	_ =	shalt  }

// kernel: kernel.7.cloned.1.call-start
scs
__scs_entry_jumppad:
0x0: {  	(pc) =	sbr.rel $0x88, $3  }
0x1: {  	(tag) =	ssettag $0x0;
	lr =	simm.s32 $0x1  }
0x2: {  	[smem:$0x3F9B] =	sst lr;
	_ =	strace $0xD0000000  }
0x3: {  	_ = 	snop  }
0x4: {  	_ = 	snop  }
0x5: {  	_ = 	snop  }
0x6: {  	_ = 	snop  }
0x7: {  	_ = 	snop  }
__scs_overlays_trampoline_lowered:
0x8: {  	[smem:$0x3FAA] =	sst s0  }
0x9: {  	[smem:$0x3FAB] =	sst s1  }
0xa: {  	[smem:$0x3FAC] =	sst s2  }
0xb: {  	[smem:$0x3FAD] =	sst s3  }
0xc: {  	[smem:$0x3FAE] =	sst s4  }
0xd: {  	[smem:$0x3FAF] =	sst s5  }
0xe: {  	[smem:$0x3FB0] =	sst s6  }
0xf: {  	[smem:$0x3FB1] =	sst s7  }
0x10: {  	[smem:$0x3FB2] =	sst s8  }
0x11: {  	[smem:$0x3FB3] =	sst s9;
	s0 =	simm.s32 @!p0 $0x0  }
0x12: {  	s1 =	sld [smem:$0x3F99];
	s0 =	simm.s32 @p0 $0x1  }
0x13: {  	[smem:$0x3FB4] =	sst s0;
	s0 =	simm.s32 @!p1 $0x0  }
0x14: {  	s2 =	sld [smem:$0x3F98];
	s0 =	simm.s32 @p1 $0x1  }
0x15: {  	[smem:$0x3FB5] =	sst s0;
	s0 =	simm.s32 @!p2 $0x0  }
0x16: {  	s3 =	sld [smem:$0x3FDB];
	s0 =	simm.s32 @p2 $0x1  }
0x17: {  	s4 =	simm.s32 $0x1BF5;
	[smem:$0x3FB7] =	sst s0  }
0x18: {  	s0 =	sld [smem:$0x3F9A];
	_ =	swait.ge [sflag:s4], $0x0  }
0x19: {  	s7 =	sld [smem:$0x3F9B]  }
0x1a: {  	s8 =	sadd.s32 $0xFFFFE003, lr  }
0x1b: {  	s9 =	sadd.s32 $0xFFFFFEF7, lr;
	s5 =	simm.s32 $0xFFFFFFFF;
	p2 =	slt.u32 s8, $0xFFFFF086  }
0x1c: {  	p1 =	slt.u32 s9, $0xF7A;
	s5 =	simm.s32 @!p2 $0x0  }
0x1d: {  	s5 =	simm.s32 @p1 $0x1;
	p0 =	seq.s32 s7, s2  }
0x1e: {  	s7 =	smul.u32 @!p0 $0xF7A, s2;
	p2 =	seq.s32 @!p0 s5, $0x0  }
0x1f: {  	s9 =	smul.u32 $0xF7A, s1;
	s8 =	simm.s32 @!p0 $0x1BF5;
	p2 =	por !p2, p0  }
0x20: {  	[sflag:s8] =	ssyncset.s32 @!p0 $0xFFFFF086;
	s6 =	sadd.s32 @!p0 s3, s7;
	s7 =	simm.s32 @!p0 $0x108  }
0x21: {  	s3 =	sadd.s32 s3, s9;
	s6 =	sadd.s32 @!p0 $0x88, s6;
	s7 =	simm.s32 @p2 $0x1082  }
0x22: {  	[simem:s7], [sflag:s8] =	dma.local @!p0 [hbm:s6], $0xF7A  }
0x23: {  	s9 =	sor.u32 $0xD0000000, s2;
	s6 =	simm.s32 $0x108;
	_ =	swait.ge @!p0 [sflag:s8], $0x0  }
0x24: {  	s3 =	sadd.s32 $0x88, s3;
	s6 =	simm.s32 @!p1 $0x1082;
	[sflag:s4] =	ssyncset.s32 $0xFFFFF086  }
0x25: {  	[simem:s6], [sflag:s4] =	dma.local [hbm:s3], $0xF7A  }
0x26: {  	[smem:$0x3F9B] =	sst s1;
	(tag) =	ssettag s2;
	_ =	strace s9  }
0x27: {  	s1 =	sld [smem:$0x3FAB]  }
0x28: {  	s2 =	sld [smem:$0x3FAC]  }
0x29: {  	s4 =	sld [smem:$0x3FAE]  }
0x2a: {  	p0 =	seq.s32 s5, $0x0;
	s5 =	sld [smem:$0x3FAF]  }
0x2b: {  	s6 =	sld [smem:$0x3FB0]  }
0x2c: {  	s7 =	sld [smem:$0x3FB1]  }
0x2d: {  	s3 =	simm.s32 $0x108;
	s8 =	sld [smem:$0x3FB2]  }
0x2e: {  	s3 =	simm.s32 @!p0 $0x1082;
	s9 =	sld [smem:$0x3FB3]  }
0x2f: {  	lr =	sadd.s32 s0, s3;
	s0 =	sld [smem:$0x3FAA]  }
0x30: {  	s3 =	sld [smem:$0x3FAD]  }
0x31: {  	[smem:$0x3FB6] =	sst s10  }
0x32: {  	s10 =	sld [smem:$0x3FB4];
	_ =	sdelay $0x3  }
0x33: {  	p0 =	seq.s32 s10, $0x1;
	s10 =	sld [smem:$0x3FB6];
	_ =	sdelay $0x3  }
0x34: {  	[smem:$0x3FB6] =	sst s10  }
0x35: {  	s10 =	sld [smem:$0x3FB5];
	_ =	sdelay $0x3  }
0x36: {  	p1 =	seq.s32 s10, $0x1;
	s10 =	sld [smem:$0x3FB6];
	_ =	sdelay $0x3  }
0x37: {  	[smem:$0x3FB6] =	sst s10  }
0x38: {  	s10 =	sld [smem:$0x3FB7]  }
0x39: {  	_ = 	snop;
	(pc) =	sbr.ind lr, $3  }
0x3a: {  	_ = 	snop  }
0x3b: {  	_ = 	snop  }
0x3c: {  	p2 =	seq.s32 s10, $0x1;
	s10 =	sld [smem:$0x3FB6]  }
0x3d: {  	_ =	shalt  }
0x3e: {  	_ =	shalt  }
0x3f: {  	_ =	shalt  }
0x40: {  	_ =	shalt  }
0x41: {  	_ =	shalt  }
0x42: {  	_ =	shalt  }
0x43: {  	_ =	shalt  }
0x44: {  	_ =	shalt  }
0x45: {  	_ =	shalt  }
0x46: {  	_ =	shalt  }
0x47: {  	_ =	shalt  }
0x48: {  	_ =	shalt  }
0x49: {  	_ =	shalt  }
0x4a: {  	_ =	shalt  }
0x4b: {  	_ =	shalt  }
0x4c: {  	_ =	shalt  }
0x4d: {  	_ =	shalt  }
0x4e: {  	_ =	shalt  }
0x4f: {  	_ =	shalt  }
0x50: {  	_ =	shalt  }
0x51: {  	_ =	shalt  }
0x52: {  	_ =	shalt  }
0x53: {  	_ =	shalt  }
0x54: {  	_ =	shalt  }
0x55: {  	_ =	shalt  }
0x56: {  	_ =	shalt  }
0x57: {  	_ =	shalt  }
0x58: {  	_ =	shalt  }
0x59: {  	_ =	shalt  }
0x5a: {  	_ =	shalt  }
0x5b: {  	_ =	shalt  }
0x5c: {  	_ =	shalt  }
0x5d: {  	_ =	shalt  }
0x5e: {  	_ =	shalt  }
0x5f: {  	_ =	shalt  }
0x60: {  	_ =	shalt  }
0x61: {  	_ =	shalt  }
0x62: {  	_ =	shalt  }
0x63: {  	_ =	shalt  }
0x64: {  	_ =	shalt  }
0x65: {  	_ =	shalt  }
0x66: {  	_ =	shalt  }
0x67: {  	_ =	shalt  }
0x68: {  	_ =	shalt  }
0x69: {  	_ =	shalt  }
0x6a: {  	_ =	shalt  }
0x6b: {  	_ =	shalt  }
0x6c: {  	_ =	shalt  }
0x6d: {  	_ =	shalt  }
0x6e: {  	_ =	shalt  }
0x6f: {  	_ =	shalt  }
0x70: {  	_ =	shalt  }
0x71: {  	_ =	shalt  }
0x72: {  	_ =	shalt  }
0x73: {  	_ =	shalt  }
0x74: {  	_ =	shalt  }
0x75: {  	_ =	shalt  }
0x76: {  	_ =	shalt  }
0x77: {  	_ =	shalt  }
0x78: {  	_ =	shalt  }
0x79: {  	_ =	shalt  }
0x7a: {  	_ =	shalt  }
0x7b: {  	_ =	shalt  }
0x7c: {  	_ =	shalt  }
0x7d: {  	_ =	shalt  }
0x7e: {  	_ =	shalt  }
0x7f: {  	_ =	shalt  }
0x80: {  	_ =	shalt  }
0x81: {  	_ =	shalt  }
0x82: {  	_ =	shalt  }
0x83: {  	_ =	shalt  }
0x84: {  	_ =	shalt  }
0x85: {  	_ =	shalt  }
0x86: {  	_ =	shalt  }
0x87: {  	_ =	shalt  }
.Lfunc_end0:
.L_simem_size_0:
called_computation_lowered:
.L_overlay_start_0:
0x88: {  	s2 =	sld [smem:$0x3FD9]  }
0x89: {  	s3 =	sld [smem:$0x3FFE];
	_ =	sdelay $0x1  }
0x8a: {  	s1 =	srdreg.scid  }
0x8b: {  	s0 =	sand.u32 $0x1, s1  }
0x8c: {  	s17 =	sshll.u32 s0, $0xA;
	s2 =	sadd.s32 s3, s2  }
0x8d: {  	s2 =	sadd.s32 s2, s17  }
0x8e: {  	[smem:$0x3FC2] =	sst s2  }
0x8f: {  	_ = 	snop  }
0x90: {  	s2 =	sld [smem:$0x3FD0];
	(tm) =	ssettm $0x1  }
0x91: {  	s18 =	sld [smem:$0x3FFB];
	_ =	sdelay $0x3  }
0x92: {  	_ =	strace s18  }
0x93: {  	s3 =	sld [smem:$0x3FFC];
	_ =	sdelay $0x3  }
0x94: {  	_ =	strace s3  }
0x95: {  	s3 =	sld [smem:$0x3FFD];
	_ =	sdelay $0x3  }
0x96: {  	_ =	strace s3  }
0x97: {  	_ =	strace $0x8FFFFFFF  }
0x98: {  	s19 =	sld [smem:$0x3FDB];
	_ =	sdelay $0x1  }
0x99: {  	s4 =	simm.s32 $_scs_section_size  }
0x9a: {  	s5 =	simm.s32 $_size__tile_overlayer_lowered;
	s6 =	simm.s32 $_tile_overlayer_lowered  }
0x9b: {  	s22 =	simm.s32 $0x1BFF;
	s21 =	sshll.u32 s6, $0x1;
	s3 =	sadd.s32 s4, s19  }
0x9c: {  	s7 =	simm.s32 $0x0;
	s20 =	sshll.u32 s5, $0x1;
	s5 =	sadd.s32 s21, s3  }
0x9d: {  	[timem:s7], [sflag:s22] =	dma.local [hbm:s5], s20  }
0x9e: {  	_ =	swait.ge [sflag:s22], s20  }
0x9f: {  	s4 =	ssub.s32 $0x0, s20;
	[sflag:s22] =	ssyncset.done $0x0  }
0xa0: {  	[sflag:s22] =	ssyncadd.s32 s4;
	_ =	sdelay $0x1  }
0xa1: {  	s23 =	simm.s32 $0x1B8B  }
0xa2: {  	_ =	swait.ge [sflag:s23], $0x1  }
0xa3: {  	[sflag:s23] =	ssyncset.done $0x0  }
0xa4: {  	s25 =	simm.s32 $0x1B8E;
	s24 =	sld [smem:$0x3FFE];
	[sflag:s23] =	ssyncadd.s32 $0xFFFFFFFF  }
0xa5: {  	s26 =	simm.s32 $execute0_lowered;
	[smem:$0x3FD2] =	sst s25  }
0xa6: {  	s5 =	sshll.u32 s26, $0x1;
	_ =	strace $0x80000046;
	[dreg:$0x1] =	wrdreg $0xFFFFFFFF  }
0xa7: {  	s28 =	simm.s32 $_size_execute0_lowered;
	s3 =	sadd.s32 s3, s5;
	[dreg:$0x0] =	wrdreg $0x0  }
0xa8: {  	s5 =	sshll.u32 s28, $0x1;
	[dreg:$0x2] =	wrdreg s3  }
0xa9: {  	[dreg:$0x3] =	wrdreg s5  }
0xaa: {  	[dreg:$0x4] =	wrdreg $0xC0  }
0xab: {  	_ =	task [dreg:s7], $0x5FFFF  }
0xac: {  	[dreg:$0x1] =	wrdreg $0xFFFFFFFF  }
0xad: {  	[dreg:$0x0] =	wrdreg $0x60  }
0xae: {  	[dreg:$0x2] =	wrdreg s24  }
0xaf: {  	[dreg:$0x3] =	wrdreg s2  }
0xb0: {  	[dreg:$0x4] =	wrdreg $0xA0A00  }
0xb1: {  	[dreg:$0x5] =	wrdreg $0x9  }
0xb2: {  	_ =	task.clear_ibuf [dreg:s7], $0x6FFFF;
	_ =	strace $0x90000046  }
0xb3: {  	s29 =	simm.s32 $0x9;
	_ =	strace $0x80000048  }
0xb4: {  	_ =	swait.ge [sflag:s29], $0x1  }
0xb5: {  	[sflag:s29] =	ssyncadd.s32 $0xFFFFFFFF  }
0xb6: {  	_ =	strace $0x90000048  }
0xb7: {  	_ =	sfence  }
0xb8: {  	s30 =	sld [smem:$0x0];
	_ =	sdelay $0x2  }
0xb9: {  	s31 =	sshll.u32 s1, $0xD;
	s1 =	sshrl.u32 s1, $0x2  }
0xba: {  	s3 =	sand.u32 $0x4000, s31;
	s1 =	sadd.s32 s1, s30  }
0xbb: {  	s0 =	sor.u32 s3, s0;
	s1 =	sshll.u32 s1, $0x11  }
0xbc: {  	s0 =	sor.u32 s1, s0  }
0xbd: {  	s0 =	sadd.s32 $0x8F2B, s0  }
0xbe: {  	[sflag:s0] =	ssyncadd.remote.s32 $0x1  }
0xbf: {  	_ =	sfence.sel $0xFFFF  }
0xc0: {  	[dreg:$0x0] =	wrdreg $0xFFFFFFFF;
	(pc) =	sbr.abs _section_cstart, $3  }
0xc1: {  	[dreg:$0x1] =	wrdreg $0xFFFFFFFF  }
0xc2: {  	_ =	task.clear_ibuf [dreg:s7], $0x2FFFF;
	_ =	strace $0x9FFFFFFF  }
0xc3: {  	(tm) =	ssettm $0x7FFFFFFF  }
tec
execute0_lowered:
.L_overlay_start_1:
0x0: {  	(tag) =	ssettag $0x1  }
0x1: {  	s0 =	rddreg [dreg:$0x0]  }
0x2: {  	s1 =	rddreg [dreg:$0x1]  }
0x3: {  	s2 =	rddreg [dreg:$0x2]  }
0x4: {  	s7 =	stileid.u32;
	s3 =	srdreg.scid  }
0x5: {  	s5 =	simm.s32 $0x0;
	s24 =	simm.s32 $0x4E20;
	s4 =	smul.u32 $0x9C4, s7  }
0x6: {  	s30 =	simm.s32 $0x96A0;
	s31 =	simm.s32 $0x9920;
	s26 =	smul.u32 $0xA000, s7  }
0x7: {  	s23 =	sand.u32 $0x1, s3;
	[smem:$0x7FF] =	sst s5;
	s20 =	smul.u32 $0x280, s7  }
0x8: {  	s3 =	ssub.s32 $0x2, s23;
	_ =	strace $0x80000047;
	p0 =	sne.s32 s23, $0x0  }
0x9: {  	s23 =	simm.s32 $0x1;
	s6 =	sshrl.u32 s3, $0x1;
	s0 =	sadd.s32 s4, s0  }
0xa: {  	s28 =	sshrl.u32 s26, $0x2;
	s5 =	sadd.s32 s20, s2;
	s29 =	sshrl.u32 s20, $0x3  }
0xb: {  	s22 =	ssub.s32 s3, s6;
	s3 =	sadd.s32 $0x1400, s0;
	s4 =	sadd.s32 s28, s2  }
0xc: {  	s6 =	sadd.s32 $0x2800, s5;
	s7 =	sadd.s32 $0x5000, s5;
	s8 =	sadd.s32 $0x7800, s5  }
0xd: {  	s9 =	sadd.s32 $0xA000, s5;
	s10 =	sadd.s32 $0xC800, s5;
	s11 =	sadd.s32 $0xF000, s5  }
.Ltmp0:
0xe: {  	s12 =	sadd.s32 $0x11800, s5;
	s13 =	sadd.s32 $0x14000, s5;
	(pc) =	sbr.rel .LBB2_1-.Ltmp0, $4  }
0xf: {  	s14 =	sadd.s32 $0x16800, s5;
	s15 =	sadd.s32 $0x19000, s5;
	s16 =	sadd.s32 $0x1B800, s5  }
0x10: {  	s17 =	sadd.s32 $0x1E000, s5;
	s18 =	sadd.s32 $0x20800, s5;
	s19 =	sadd.s32 $0x23000, s5  }
0x11: {  	s20 =	sadd.s32 $0x25800, s5;
	s21 =	sadd.s32 s1, s29;
	s0 =	simm.s32 $0x9BA0  }
0x12: {  	v0 =	vimm.f32 $0.0e+00;
	v1 =	vimm.f32 $1.000000000e+00;
	s1 =	simm.s32 $0x9E20;
	s2 =	simm.s32 $0x0;
	s22 =	smax.u32 s22, $0x1  }
.LBB2_9:
0x13: {  	[bflag:$0x0] =	sbarrier.arrive $0xFFFF  }
.LBB2_10:
0x14: {  	s2 =	sadd.s32 $0x1, s2  }
0x15: {  	p1 =	sne.s32 s2, s22  }
.Ltmp1:
0x16: {  	_ = 	snop;
	(pc) =	sbr.rel @!p1 .LBB2_11-.Ltmp1, $1  }
0x17: {  	_ =	sdelay $0x3  }
.LBB2_1:
.Ltmp2:
0x18: {  	(pc) =	sbr.rel @p0 .LBB2_9-.Ltmp2, $1  }
0x19: {  	_ =	sdelay $0x3  }
0x1a: {  	s25 =	simm.s32 $0x0  }
0x1b: {  	[tilespmem:s25], [sflag:$0x1] =	stream.linear.gather [hbm4b:s3+s25], $0x4E20, $0x38;
	[tilespmem:$0xC8A0] =	vst v63  }
0x1c: {  	_ =	swait.ge [sflag:s23], $0x4E20  }
0x1d: {  	[sflag:s23] =	ssyncset.done $0x0  }
0x1e: {  	s26 =	simm.s32 $0x40;
	s28 =	simm.s32 $0x0;
	[sflag:s23] =	ssyncadd.s32 $0xFFFFB1E0  }
.LBB2_3:
0x1f: {  	p1 =	sne.s32 s26, $0x9FC0;
	[tilespmem:s28+$0x4E20] =	vst v0;
	s28 =	smov.u32 s26;
	s26 =	sadd.s32 $0x40, s26  }
.Ltmp3:
0x20: {  	(pc) =	sbr.rel @p1 .LBB2_3-.Ltmp3, $2  }
0x21: {  	_ =	sdelay $0x2  }
0x22: {  	s28 =	sshra.s32 s28, $0x2  }
0x23: {  	[tilespmem:s28+$0x4E20] =	vst v0  }
.LBB2_5:
0x24: {  	s26 =	sshra.s32 s25, $0x2  }
0x25: {  	v2 =	vld [tilespmem:s26+$0x0];
	_ =	sdelay $0x7  }
0x26: {  	[tilespmem:v2+s24+$0x0] =	vst.idx.add.f32.msk $0xffff, v1  }
0x27: {  	v2 =	vld [tilespmem:s26+$0x10];
	_ =	sdelay $0x7  }
0x28: {  	[tilespmem:v2+s24+$0x0] =	vst.idx.add.f32.msk $0xffff, v1  }
0x29: {  	v2 =	vld [tilespmem:s26+$0x20];
	_ =	sdelay $0x7  }
0x2a: {  	[tilespmem:v2+s24+$0x0] =	vst.idx.add.f32.msk $0xffff, v1  }
0x2b: {  	v2 =	vld [tilespmem:s26+$0x30];
	_ =	sdelay $0x7  }
0x2c: {  	[tilespmem:v2+s24+$0x0] =	vst.idx.add.f32.msk $0xffff, v1  }
0x2d: {  	v2 =	vld [tilespmem:s26+$0x40];
	_ =	sdelay $0x2  }
0x2e: {  	p1 =	sne.s32 s25, $0x13740  }
.Ltmp4:
0x2f: {  	_ = 	snop;
	(pc) =	sbr.rel @p1 .LBB2_5-.Ltmp4, $2  }
0x30: {  	_ =	sdelay $0x2  }
0x31: {  	s25 =	sadd.s32 $0x140, s25;
	[tilespmem:v2+s24+$0x0] =	vst.idx.add.f32.msk $0xffff, v1  }
0x32: {  	[spmem:s4] =	stream.linear.scatter [tilespmem:s24], [sflag:$0x1], $0x2800, $0x38;
	[tilespmem:$0xC8A0] =	vst v63  }
0x33: {  	_ =	swait.ge [sflag:s23], $0x2800  }
0x34: {  	[sflag:s23] =	ssyncset.done $0x0  }
0x35: {  	[sflag:s23] =	ssyncadd.s32 $0xFFFFD800  }
0x36: {  	s25 =	simm.s32 $0x7620;
	[bflag:$0x0] =	sbarrier.arrive $0xFFFF  }
0x37: {  	[tilespmem:s25], [sflag:$0x1] =	stream.linear.gather [spmem:s5], $0x280, $0x38;
	[tilespmem:$0xC8A0] =	vst v63  }
0x38: {  	_ =	swait.ge [sflag:s23], $0x280  }
0x39: {  	[sflag:s23] =	ssyncset.done $0x0  }
0x3a: {  	s26 =	simm.s32 $0x78A0;
	[sflag:s23] =	ssyncadd.s32 $0xFFFFFD80  }
0x3b: {  	[tilespmem:s26], [sflag:$0x1] =	stream.linear.gather [spmem:s6], $0x280, $0x38;
	[tilespmem:$0xC8A0] =	vst v63  }
0x3c: {  	_ =	swait.ge [sflag:s23], $0x280  }
0x3d: {  	[sflag:s23] =	ssyncset.done $0x0  }
0x3e: {  	s26 =	simm.s32 $0x7B20;
	[sflag:s23] =	ssyncadd.s32 $0xFFFFFD80  }
0x3f: {  	[tilespmem:s26], [sflag:$0x1] =	stream.linear.gather [spmem:s7], $0x280, $0x38;
	[tilespmem:$0xC8A0] =	vst v63  }
0x40: {  	_ =	swait.ge [sflag:s23], $0x280  }
0x41: {  	[sflag:s23] =	ssyncset.done $0x0  }
0x42: {  	s26 =	simm.s32 $0x7DA0;
	[sflag:s23] =	ssyncadd.s32 $0xFFFFFD80  }
0x43: {  	[tilespmem:s26], [sflag:$0x1] =	stream.linear.gather [spmem:s8], $0x280, $0x38;
	[tilespmem:$0xC8A0] =	vst v63  }
0x44: {  	_ =	swait.ge [sflag:s23], $0x280  }
0x45: {  	[sflag:s23] =	ssyncset.done $0x0  }
0x46: {  	s26 =	simm.s32 $0x8020;
	[sflag:s23] =	ssyncadd.s32 $0xFFFFFD80  }
0x47: {  	[tilespmem:s26], [sflag:$0x1] =	stream.linear.gather [spmem:s9], $0x280, $0x38;
	[tilespmem:$0xC8A0] =	vst v63  }
0x48: {  	_ =	swait.ge [sflag:s23], $0x280  }
0x49: {  	[sflag:s23] =	ssyncset.done $0x0  }
0x4a: {  	s26 =	simm.s32 $0x82A0;
	[sflag:s23] =	ssyncadd.s32 $0xFFFFFD80  }
0x4b: {  	[tilespmem:s26], [sflag:$0x1] =	stream.linear.gather [spmem:s10], $0x280, $0x38;
	[tilespmem:$0xC8A0] =	vst v63  }
0x4c: {  	_ =	swait.ge [sflag:s23], $0x280  }
0x4d: {  	[sflag:s23] =	ssyncset.done $0x0  }
0x4e: {  	s26 =	simm.s32 $0x8520;
	[sflag:s23] =	ssyncadd.s32 $0xFFFFFD80  }
0x4f: {  	[tilespmem:s26], [sflag:$0x1] =	stream.linear.gather [spmem:s11], $0x280, $0x38;
	[tilespmem:$0xC8A0] =	vst v63  }
0x50: {  	_ =	swait.ge [sflag:s23], $0x280  }
0x51: {  	[sflag:s23] =	ssyncset.done $0x0  }
0x52: {  	s26 =	simm.s32 $0x87A0;
	[sflag:s23] =	ssyncadd.s32 $0xFFFFFD80  }
0x53: {  	[tilespmem:s26], [sflag:$0x1] =	stream.linear.gather [spmem:s12], $0x280, $0x38;
	[tilespmem:$0xC8A0] =	vst v63  }
0x54: {  	_ =	swait.ge [sflag:s23], $0x280  }
0x55: {  	[sflag:s23] =	ssyncset.done $0x0  }
0x56: {  	s26 =	simm.s32 $0x8A20;
	[sflag:s23] =	ssyncadd.s32 $0xFFFFFD80  }
0x57: {  	[tilespmem:s26], [sflag:$0x1] =	stream.linear.gather [spmem:s13], $0x280, $0x38;
	[tilespmem:$0xC8A0] =	vst v63  }
0x58: {  	_ =	swait.ge [sflag:s23], $0x280  }
0x59: {  	[sflag:s23] =	ssyncset.done $0x0  }
0x5a: {  	s26 =	simm.s32 $0x8CA0;
	[sflag:s23] =	ssyncadd.s32 $0xFFFFFD80  }
0x5b: {  	[tilespmem:s26], [sflag:$0x1] =	stream.linear.gather [spmem:s14], $0x280, $0x38;
	[tilespmem:$0xC8A0] =	vst v63  }
0x5c: {  	_ =	swait.ge [sflag:s23], $0x280  }
0x5d: {  	[sflag:s23] =	ssyncset.done $0x0  }
0x5e: {  	s26 =	simm.s32 $0x8F20;
	[sflag:s23] =	ssyncadd.s32 $0xFFFFFD80  }
0x5f: {  	[tilespmem:s26], [sflag:$0x1] =	stream.linear.gather [spmem:s15], $0x280, $0x38;
	[tilespmem:$0xC8A0] =	vst v63  }
0x60: {  	_ =	swait.ge [sflag:s23], $0x280  }
0x61: {  	[sflag:s23] =	ssyncset.done $0x0  }
0x62: {  	s26 =	simm.s32 $0x91A0;
	[sflag:s23] =	ssyncadd.s32 $0xFFFFFD80  }
0x63: {  	[tilespmem:s26], [sflag:$0x1] =	stream.linear.gather [spmem:s16], $0x280, $0x38;
	[tilespmem:$0xC8A0] =	vst v63  }
0x64: {  	_ =	swait.ge [sflag:s23], $0x280  }
0x65: {  	[sflag:s23] =	ssyncset.done $0x0  }
0x66: {  	s26 =	simm.s32 $0x9420;
	[sflag:s23] =	ssyncadd.s32 $0xFFFFFD80  }
0x67: {  	[tilespmem:s26], [sflag:$0x1] =	stream.linear.gather [spmem:s17], $0x280, $0x38;
	[tilespmem:$0xC8A0] =	vst v63  }
0x68: {  	_ =	swait.ge [sflag:s23], $0x280  }
0x69: {  	[sflag:s23] =	ssyncset.done $0x0  }
0x6a: {  	[sflag:s23] =	ssyncadd.s32 $0xFFFFFD80  }
0x6b: {  	[tilespmem:s30], [sflag:$0x1] =	stream.linear.gather [spmem:s18], $0x280, $0x38;
	[tilespmem:$0xC8A0] =	vst v63  }
0x6c: {  	_ =	swait.ge [sflag:s23], $0x280  }
0x6d: {  	[sflag:s23] =	ssyncset.done $0x0  }
0x6e: {  	[sflag:s23] =	ssyncadd.s32 $0xFFFFFD80  }
0x6f: {  	[tilespmem:s31], [sflag:$0x1] =	stream.linear.gather [spmem:s19], $0x280, $0x38;
	[tilespmem:$0xC8A0] =	vst v63  }
0x70: {  	_ =	swait.ge [sflag:s23], $0x280  }
0x71: {  	[sflag:s23] =	ssyncset.done $0x0  }
0x72: {  	[sflag:s23] =	ssyncadd.s32 $0xFFFFFD80  }
0x73: {  	[tilespmem:s0], [sflag:$0x1] =	stream.linear.gather [spmem:s20], $0x280, $0x38;
	[tilespmem:$0xC8A0] =	vst v63  }
0x74: {  	_ =	swait.ge [sflag:s23], $0x280  }
0x75: {  	[sflag:s23] =	ssyncset.done $0x0  }
0x76: {  	s26 =	simm.s32 $0x0;
	[sflag:s23] =	ssyncadd.s32 $0xFFFFFD80  }
0x77: {  	v2 =	vld [tilespmem:s26+$0x7620]  }
0x78: {  	v3 =	vld [tilespmem:s26+$0x78A0];
	_ =	sdelay $0x1  }
0x79: {  	v4 =	vld [tilespmem:s26+$0x7B20];
	_ =	sdelay $0x1  }
0x7a: {  	v5 =	vld [tilespmem:s26+$0x7DA0]  }
0x7b: {  	v2 =	vadd.f32 v3, v2  }
0x7c: {  	v3 =	vld [tilespmem:s26+$0x8020]  }
0x7d: {  	v2 =	vadd.f32 v4, v2  }
0x7e: {  	v4 =	vld [tilespmem:s26+$0x82A0]  }
0x7f: {  	v2 =	vadd.f32 v5, v2  }
0x80: {  	v5 =	vld [tilespmem:s26+$0x8520]  }
0x81: {  	v2 =	vadd.f32 v3, v2  }
0x82: {  	v3 =	vld [tilespmem:s26+$0x87A0]  }
0x83: {  	s25 =	simm.s32 $0x10;
	v6 =	vld [tilespmem:s26+$0x8A20];
	v2 =	vadd.f32 v4, v2  }
0x84: {  	v7 =	vld [tilespmem:s25+$0x7620]  }
0x85: {  	v4 =	vld [tilespmem:s26+$0x8CA0];
	v2 =	vadd.f32 v5, v2  }
0x86: {  	v5 =	vld [tilespmem:s25+$0x78A0]  }
0x87: {  	v8 =	vld [tilespmem:s25+$0x7B20];
	v2 =	vadd.f32 v3, v2  }
0x88: {  	v3 =	vld [tilespmem:s26+$0x8F20]  }
0x89: {  	v9 =	vld [tilespmem:s25+$0x7DA0];
	v2 =	vadd.f32 v6, v2  }
0x8a: {  	v6 =	vld [tilespmem:s26+$0x91A0]  }
0x8b: {  	v5 =	vadd.f32 v5, v7;
	v7 =	vld [tilespmem:s25+$0x8020];
	v2 =	vadd.f32 v4, v2  }
0x8c: {  	v4 =	vld [tilespmem:s26+$0x9420]  }
0x8d: {  	v5 =	vadd.f32 v8, v5;
	v8 =	vld [tilespmem:s25+$0x82A0];
	v2 =	vadd.f32 v3, v2  }
0x8e: {  	v3 =	vld [tilespmem:s26+$0x96A0]  }
0x8f: {  	v10 =	vld [tilespmem:s25+$0x8520];
	v5 =	vadd.f32 v9, v5;
	v2 =	vadd.f32 v6, v2  }
0x90: {  	v9 =	vld [tilespmem:s26+$0x9920]  }
0x91: {  	v6 =	vadd.f32 v7, v5;
	v5 =	vld [tilespmem:s25+$0x87A0];
	v7 =	vadd.f32 v4, v2  }
0x92: {  	v4 =	vld [tilespmem:s26+$0x9BA0]  }
0x93: {  	v2 =	vld [tilespmem:s25+$0x8CA0];
	v8 =	vadd.f32 v8, v6;
	v11 =	vadd.f32 v3, v7  }
0x94: {  	s28 =	simm.s32 $0x20;
	v6 =	vld [tilespmem:s25+$0x8A20]  }
0x95: {  	s29 =	simm.s32 $0xC0;
	v3 =	vld [tilespmem:s28+$0x7620];
	v7 =	vadd.f32 v10, v8;
	v8 =	vadd.f32 v9, v11  }
.LBB2_7:
0x96: {  	p1 =	sne.s32 s29, $0x9C0;
	v9 =	vld [tilespmem:s28+$0x78A0]  }
0x97: {  	v5 =	vadd.f32 v5, v7;
	v7 =	vld [tilespmem:s25+$0x8F20];
	v4 =	vadd.f32 v4, v8  }
0x98: {  	v8 =	vld [tilespmem:s28+$0x7B20]  }
0x99: {  	v5 =	vadd.f32 v6, v5;
	v6 =	vld [tilespmem:s25+$0x91A0];
	[tilespmem:s26+$0x9E20] =	vst v4;
	s26 =	smov.u32 s25;
	s25 =	smov.u32 s28  }
0x9a: {  	v4 =	vld [tilespmem:s25+$0x7DA0]  }
0x9b: {  	v3 =	vadd.f32 v9, v3;
	v2 =	vadd.f32 v2, v5;
	v5 =	vld [tilespmem:s26+$0x9420]  }
0x9c: {  	v9 =	vld [tilespmem:s25+$0x8020]  }
0x9d: {  	v3 =	vadd.f32 v8, v3;
	v2 =	vadd.f32 v7, v2;
	v7 =	vld [tilespmem:s26+$0x96A0]  }
0x9e: {  	v8 =	vld [tilespmem:s25+$0x82A0]  }
0x9f: {  	v3 =	vadd.f32 v4, v3;
	v2 =	vadd.f32 v6, v2;
	v10 =	vld [tilespmem:s26+$0x9920]  }
0xa0: {  	v11 =	vld [tilespmem:s25+$0x8520]  }
.Ltmp5:
0xa1: {  	v3 =	vadd.f32 v9, v3;
	v6 =	vadd.f32 v5, v2;
	v4 =	vld [tilespmem:s26+$0x9BA0];
	(pc) =	sbr.rel @p1 .LBB2_7-.Ltmp5, $4  }
0xa2: {  	v5 =	vld [tilespmem:s25+$0x87A0]  }
0xa3: {  	v8 =	vadd.f32 v8, v3;
	v2 =	vld [tilespmem:s25+$0x8CA0];
	v9 =	vadd.f32 v7, v6  }
0xa4: {  	s28 =	sshra.s32 s29, $0x2;
	v6 =	vld [tilespmem:s25+$0x8A20]  }
0xa5: {  	s29 =	sadd.s32 $0x40, s29;
	v3 =	vld [tilespmem:s28+$0x7620];
	v7 =	vadd.f32 v11, v8;
	v8 =	vadd.f32 v10, v9  }
0xa6: {  	v9 =	vld [tilespmem:s28+$0x78A0]  }
0xa7: {  	v10 =	vld [tilespmem:s25+$0x8F20];
	v4 =	vadd.f32 v4, v8  }
0xa8: {  	v49 =	vld [tilespmem:s28+$0x7B20]  }
0xa9: {  	v11 =	vld [tilespmem:s25+$0x91A0];
	v5 =	vadd.f32 v5, v7;
	[tilespmem:s26+$0x9E20] =	vst v4  }
0xaa: {  	v4 =	vld [tilespmem:s28+$0x7DA0]  }
0xab: {  	v5 =	vadd.f32 v6, v5;
	v3 =	vadd.f32 v9, v3  }
0xac: {  	v50 =	vld [tilespmem:s28+$0x8020]  }
0xad: {  	v51 =	vld [tilespmem:s25+$0x9420];
	v2 =	vadd.f32 v2, v5;
	v3 =	vadd.f32 v49, v3  }
0xae: {  	v52 =	vld [tilespmem:s28+$0x82A0]  }
0xaf: {  	v53 =	vld [tilespmem:s25+$0x96A0];
	v2 =	vadd.f32 v10, v2;
	v3 =	vadd.f32 v4, v3  }
0xb0: {  	v54 =	vld [tilespmem:s28+$0x8520]  }
0xb1: {  	v55 =	vld [tilespmem:s25+$0x9920];
	v2 =	vadd.f32 v11, v2;
	v3 =	vadd.f32 v50, v3  }
0xb2: {  	v56 =	vld [tilespmem:s28+$0x87A0]  }
0xb3: {  	v57 =	vld [tilespmem:s25+$0x9BA0];
	v2 =	vadd.f32 v51, v2;
	v3 =	vadd.f32 v52, v3  }
0xb4: {  	v58 =	vld [tilespmem:s28+$0x8A20]  }
0xb5: {  	v2 =	vadd.f32 v53, v2;
	v3 =	vadd.f32 v54, v3  }
0xb6: {  	v59 =	vld [tilespmem:s28+$0x8CA0]  }
0xb7: {  	v2 =	vadd.f32 v55, v2;
	v3 =	vadd.f32 v56, v3  }
0xb8: {  	v60 =	vld [tilespmem:s28+$0x8F20]  }
0xb9: {  	v2 =	vadd.f32 v57, v2;
	v3 =	vadd.f32 v58, v3  }
0xba: {  	v61 =	vld [tilespmem:s28+$0x91A0]  }
0xbb: {  	[tilespmem:s25+$0x9E20] =	vst v2;
	v2 =	vadd.f32 v59, v3  }
0xbc: {  	v3 =	vld [tilespmem:s28+$0x9420]  }
0xbd: {  	v2 =	vadd.f32 v60, v2  }
0xbe: {  	v62 =	vld [tilespmem:s28+$0x96A0]  }
0xbf: {  	v2 =	vadd.f32 v61, v2  }
0xc0: {  	v63 =	vld [tilespmem:s28+$0x9920]  }
0xc1: {  	v2 =	vadd.f32 v3, v2  }
0xc2: {  	v3 =	vld [tilespmem:s28+$0x9BA0]  }
0xc3: {  	v2 =	vadd.f32 v62, v2;
	_ =	sdelay $0x1  }
0xc4: {  	v2 =	vadd.f32 v63, v2;
	_ =	sdelay $0x1  }
0xc5: {  	v2 =	vadd.f32 v3, v2;
	_ =	sdelay $0x1  }
.Ltmp6:
0xc6: {  	s29 =	simm.s32 $0x0;
	[tilespmem:s28+$0x9E20] =	vst v2;
	(pc) =	sbr.rel .LBB2_10-.Ltmp6, $4  }
0xc7: {  	[hbm4b:s21+s29] =	stream.linear.scatter [tilespmem:s1], [sflag:$0x1], $0x280, $0x38;
	[tilespmem:$0xC8A0] =	vst v63  }
0xc8: {  	_ =	swait.ge [sflag:s23], $0x280  }
0xc9: {  	[sflag:s23] =	ssyncset.done $0x0  }
0xca: {  	[sflag:s23] =	ssyncadd.s32 $0xFFFFFD80  }
.LBB2_11:
0xcb: {  	_ =	sfence.sel $0x180000  }
0xcc: {  	[bflag:$0x0] =	sbarrier.arrive $0xFFFF  }
0xcd: {  	_ =	strace $0x90000047  }
0xce: {  	s0 =	stileid.u32;
	[bflag:$0x2] =	sbarrier.arrive $0xFFFF  }
0xcf: {  	p0 =	sne.s32 s0, $0x0;
	s0 =	rddreg [dreg:$0x3]  }
0xd0: {  	s0 =	sadd.s32 @!p0 $0x100000, s0  }
0xd1: {  	[sflag:s0] =	ssyncadd.tile.s32 @!p0 $0x1;
	_ =	shalt  }
.Lfunc_end2:
_tile_overlayer_lowered:
.L_overlay_start_2:
0xd2: {  	(tag) =	ssettag $0x2  }
0xd3: {  	s0 =	rddreg [dreg:$0x0];
	s2 =	stileid.u32  }
0xd4: {  	s1 =	rddreg [dreg:$0x1];
	p0 =	sne.s32 s2, $0x0  }
0xd5: {  	s3 =	rddreg [dreg:$0x2];
	[bflag:$0x3] =	sbarrier.arrive $0xFFFF;
	s2 =	simm.s32 @!p0 $0x1C01  }
0xd6: {  	[timem:s3], [sflag:s2] =	dma.local @!p0 [hbm:s0], s1  }
0xd7: {  	s0 =	simm.s32 @!p0 $0x1  }
0xd8: {  	_ =	swait.ge @!p0 [sflag:s0], s1  }
0xd9: {  	s1 =	ssub.s32 @!p0 $0x0, s1;
	[sflag:s0] =	ssyncset.done @!p0 $0x0  }
0xda: {  	[sflag:s0] =	ssyncadd.s32 @!p0 s1  }
0xdb: {  	[bflag:$0x3] =	sbarrier.arrive $0xFFFF  }
0xdc: {  	_ =	shalt  }

</sc_bundles>
